<compile_context>
chip_gen: v7x
topology: tpu7x:2x2x1
jax: 0.10.2.dev20260603
libtpu: 0.0.44.dev20260713+nightly
codegen_flags: <defaults>
</compile_context>

<pallas_src>
import jax
import jax.numpy as jnp
from jax import lax
from jax.experimental import pallas as pl
from jax.experimental.pallas import tpu as pltpu
from jax.experimental.pallas import tpu_sc as plsc

N = 10000
E = 160000
D = 256
Q = 128
NQ = D // Q
NC = 2
NS = 16

_MESH = dict(core_axis_name="c", subcore_axis_name="s")

NT = 624
WBC = 208
NWB = NT // WBC
TAIL_BASE = NS * NT
TAIL = N - TAIL_BASE

DEG_W = 16

ECB = 128
N_CHUNKS = E // ECB
EC = 80
N_ECH = E // EC
AGG_CH = N_ECH // NS


def _node_chunks(body):
    s = lax.axis_index("s")
    nb = s * NT
    for t in range(NWB):
        body(nb + t * WBC, WBC)

    @pl.when(s == NS - 1)
    def _():
        body(TAIL_BASE, TAIL)


DEG_CH = N_CHUNKS // (NC * NS)
DEG_BASE = NC * NS * DEG_CH


def _deg_body(dst_hbm, degp_hbm, idxbuf, ones, zbuf, ds0, ds1, degacc):
    c = lax.axis_index("c")
    s = lax.axis_index("s")
    wid = c * NS + s
    z16 = jnp.zeros((16,), jnp.float32)
    o16 = jnp.ones((16,), jnp.float32)
    sems = (ds0, ds1)

    def fill_ones(i, _):
        ones[i, :] = o16
        return 0

    lax.fori_loop(0, ECB, fill_ones, 0)

    def fill_zero(i, _):
        zbuf[i, :] = z16
        return 0

    lax.fori_loop(0, WBC, fill_zero, 0)

    def zero_deg(n0, m):
        pltpu.sync_copy(zbuf.at[pl.ds(0, m)], degacc.at[pl.ds(n0, m)])

    _node_chunks(zero_deg)
    plsc.subcore_barrier()

    def load_idx(k, b):
        e0 = (wid + NC * NS * k) * ECB
        pltpu.sync_copy(dst_hbm.at[pl.ds(e0, ECB)], idxbuf.at[b])

    def start_sc(b):
        pltpu.async_copy(ones, degacc.at[idxbuf.at[b]], sems[b], add=True)

    def wait_sc(b):
        pltpu.make_async_copy(ones, degacc.at[idxbuf.at[b]], sems[b]).wait()

    load_idx(0, 0)
    start_sc(0)
    load_idx(1, 1)

    def pair(k2, _):
        k = 2 * k2 - 1
        start_sc(1)
        wait_sc(0)
        load_idx(k + 1, 0)
        start_sc(0)
        wait_sc(1)
        load_idx(k + 2, 1)
        return 0

    lax.fori_loop(1, 19, pair, 0)
    start_sc(1)
    wait_sc(0)
    start_sc(0)
    wait_sc(1)
    wait_sc(0)

    @pl.when(wid < NC)
    def _():
        e0 = (DEG_BASE + wid) * ECB
        pltpu.sync_copy(dst_hbm.at[pl.ds(e0, ECB)], idxbuf.at[0])
        pltpu.sync_copy(ones, degacc.at[idxbuf.at[0]], add=True)

    plsc.subcore_barrier()

    def dump_deg(n0, m):
        pltpu.sync_copy(degacc.at[pl.ds(n0, m)], zbuf.at[pl.ds(0, m)])
        pltpu.sync_copy(zbuf.at[pl.ds(0, m)], degp_hbm.at[c, pl.ds(n0, m)])

    _node_chunks(dump_deg)


_deg_call = pl.kernel(
    _deg_body,
    out_type=jax.ShapeDtypeStruct((NC, N, DEG_W), jnp.float32),
    mesh=plsc.VectorSubcoreMesh(**_MESH),
    scratch_types=[
        pltpu.VMEM((2, ECB), jnp.int32),
        pltpu.VMEM((ECB, DEG_W), jnp.float32),
        pltpu.VMEM((WBC, DEG_W), jnp.float32),
        pltpu.SemaphoreType.DMA,
        pltpu.SemaphoreType.DMA,
        pltpu.VMEM_SHARED((N, DEG_W), jnp.float32),
    ],
)

BM = 2000
NB = N // BM


def _mm_body(x_ref, w_ref, degp_ref, y_ref, disq_ref):
    acc = jnp.dot(x_ref[...], w_ref[...][0],
                  preferred_element_type=jnp.float32)
    d = degp_ref[...]
    deg = d[0, :, 0:1] + d[1, :, 0:1] + 1.0
    dq = lax.rsqrt(deg)
    y_ref[...] = acc * dq
    disq_ref[...] = jnp.broadcast_to(dq, (BM, DEG_W))


_mm_call = pl.pallas_call(
    _mm_body,
    grid=(NB, NQ),
    in_specs=[
        pl.BlockSpec((BM, D), lambda i, h: (i, 0)),
        pl.BlockSpec((1, D, Q), lambda i, h: (h, 0, 0)),
        pl.BlockSpec((NC, BM, DEG_W), lambda i, h: (0, i, 0)),
    ],
    out_specs=[
        pl.BlockSpec((BM, Q), lambda i, h: (h * NB + i, 0)),
        pl.BlockSpec((BM, DEG_W), lambda i, h: (i, 0)),
    ],
    out_shape=[
        jax.ShapeDtypeStruct((NQ * N, Q), jnp.float32),
        jax.ShapeDtypeStruct((N, DEG_W), jnp.float32),
    ],
)



def _agg_body(y_hbm, src_hbm, dst_hbm, accq_hbm,
              srcbuf, dstbuf, rows, nbuf, gs0, gs1, ss0, ss1, acc):
    c = lax.axis_index("c")
    s = lax.axis_index("s")
    gsems = (gs0, gs1)
    ssems = (ss0, ss1)

    def seed_acc(q):
        def one(n0, m):
            pltpu.sync_copy(y_hbm.at[pl.ds(q * N + n0, m)],
                            nbuf.at[pl.ds(0, m)])
            pltpu.sync_copy(nbuf.at[pl.ds(0, m)], acc.at[pl.ds(n0, m)])
        _node_chunks(one)

    def dump_acc(q):
        def one(n0, m):
            pltpu.sync_copy(acc.at[pl.ds(n0, m)], nbuf.at[pl.ds(0, m)])
            pltpu.sync_copy(nbuf.at[pl.ds(0, m)],
                            accq_hbm.at[q, pl.ds(n0, m)])
        _node_chunks(one)

    off = jnp.full((16,), c * N, jnp.int32)

    def issue(k, b):
        e0 = (s + NS * k) * EC
        pltpu.sync_copy(src_hbm.at[pl.ds(e0, EC)], srcbuf.at[b])
        for t in range(EC // 16):
            sl = pl.ds(t * 16, 16)
            srcbuf[b, sl] = srcbuf[b, sl] + off
        pltpu.async_copy(y_hbm.at[srcbuf.at[b]], rows.at[b], gsems[b])
        pltpu.sync_copy(dst_hbm.at[pl.ds(e0, EC)], dstbuf.at[b])

    def wait_gather(b):
        pltpu.make_async_copy(y_hbm.at[srcbuf.at[b]], rows.at[b],
                              gsems[b]).wait()

    def start_scatter(b):
        pltpu.async_copy(rows.at[b], acc.at[dstbuf.at[b]], ssems[b],
                         add=True)

    def wait_scatter(b):
        pltpu.make_async_copy(rows.at[b], acc.at[dstbuf.at[b]],
                              ssems[b]).wait()

    seed_acc(c)
    plsc.subcore_barrier()

    issue(0, 0)
    wait_gather(0)
    start_scatter(0)
    issue(1, 1)

    def pair(k2, _):
        k = 2 * k2 - 1
        wait_gather(1)
        start_scatter(1)
        wait_scatter(0)
        issue(k + 1, 0)
        wait_gather(0)
        start_scatter(0)
        wait_scatter(1)
        issue(k + 2, 1)
        return 0

    lax.fori_loop(1, 62, pair, 0)
    wait_gather(1)
    start_scatter(1)
    wait_scatter(0)
    issue(124, 0)
    wait_gather(0)
    start_scatter(0)
    wait_scatter(1)
    wait_scatter(0)

    plsc.subcore_barrier()
    dump_acc(c)


_agg_call = pl.kernel(
    _agg_body,
    out_type=jax.ShapeDtypeStruct((NQ, N, Q), jnp.float32),
    mesh=plsc.VectorSubcoreMesh(**_MESH),
    scratch_types=[
        pltpu.VMEM((2, EC), jnp.int32),
        pltpu.VMEM((2, EC), jnp.int32),
        pltpu.VMEM((2, EC, Q), jnp.float32),
        pltpu.VMEM((WBC, Q), jnp.float32),
        pltpu.SemaphoreType.DMA,
        pltpu.SemaphoreType.DMA,
        pltpu.SemaphoreType.DMA,
        pltpu.SemaphoreType.DMA,
        pltpu.VMEM_SHARED((N, Q), jnp.float32),
    ],
)



def _epi_body(*refs):
    a_refs, (disq_ref, b_ref, out_ref) = refs[:NQ], refs[NQ:]
    a = jnp.concatenate([r[...][0] for r in a_refs], axis=-1)
    dq = disq_ref[...][:, 0:1]
    out_ref[...] = jnp.maximum(a * dq + b_ref[...], 0.0)


_epi_call = pl.pallas_call(
    _epi_body,
    grid=(NB,),
    in_specs=(
        [pl.BlockSpec((1, BM, Q), lambda i, q=q: (q, i, 0))
         for q in range(NQ)]
        + [
            pl.BlockSpec((BM, DEG_W), lambda i: (i, 0)),
            pl.BlockSpec((1, D), lambda i: (0, 0)),
        ]
    ),
    out_specs=pl.BlockSpec((BM, D), lambda i: (i, 0)),
    out_shape=jax.ShapeDtypeStruct((N, D), jnp.float32),
)


def kernel(inputs, adj, W, b):
    adj32 = adj.astype(jnp.int32)
    src = adj32[0]
    dst = adj32[1]
    degp = _deg_call(dst)
    w4 = W.reshape(D, NQ, Q).transpose(1, 0, 2)
    y4, disq = _mm_call(inputs, w4, degp)
    accq = _agg_call(y4, src, dst)
    b2 = b.astype(jnp.float32).reshape(1, D)
    return _epi_call(accq, accq, disq, b2)

# --- scband reference (transcript-rebuilt; emitter-appended) ---
"""Pipeline reference for scband-graph-convolution-61203283968717 (READ-ONLY COPY).

The authoritative reference and input builder live on the scoring server;
editing this copy changes nothing except your own understanding.
"""

import jax, jax.numpy as jnp
import numpy as np

N_NODES = 10000
N_EDGES = 160000
D_IN = 256
D_OUT = 256


def setup_inputs(seed: int = 0) -> dict:
    key = jax.random.key(seed)
    k1, k2, k3, k4 = jax.random.split(key, 4)
    inputs = jax.random.normal(k1, (N_NODES, D_IN), dtype=jnp.float32)
    adj = jax.random.randint(k2, (2, N_EDGES), 0, N_NODES, dtype=jnp.int64)
    # GCNConv params (glorot-style init for weight, zeros for bias)
    limit = float(np.sqrt(6.0 / (D_IN + D_OUT)))
    W = jax.random.uniform(k3, (D_IN, D_OUT), minval=-limit, maxval=limit, dtype=jnp.float32)
    b = jnp.zeros((D_OUT,), dtype=jnp.float32)
    return {"inputs": inputs, "adj": adj, "W": W, "b": b}


def reference(inputs, adj, W, b):
    # dropout p=0.0 -> identity
    x = inputs @ W  # linear transform first (PyG GCNConv)
    src = adj[0]
    dst = adj[1]
    # add self loops
    loop = jnp.arange(N_NODES, dtype=adj.dtype)
    src = jnp.concatenate([src, loop])
    dst = jnp.concatenate([dst, loop])
    # symmetric normalization: deg based on dst (in-degree incl. self loop)
    ones = jnp.ones(src.shape[0], dtype=jnp.float32)
    deg = jnp.zeros((N_NODES,), dtype=jnp.float32).at[dst].add(ones)
    deg_inv_sqrt = jnp.where(deg > 0, 1.0 / jnp.sqrt(deg), 0.0)
    norm = deg_inv_sqrt[src] * deg_inv_sqrt[dst]
    # gather messages from source nodes, scale, scatter-add to dst
    msgs = x[src] * norm[:, None]
    out = jnp.zeros((N_NODES, D_OUT), dtype=jnp.float32).at[dst].add(msgs)
    out = out + b
    # act = ReLU
    return jax.nn.relu(out)

if __name__ == "__main__":
    import jax
    _d = setup_inputs()
    print(jax.jit(kernel)(*tuple(_d.values())))

</pallas_src>

<mosaic_0001>
#map = affine_map<(d0, d1) -> (0)>
#map1 = affine_map<(d0, d1) -> (0, 0, 0)>
module attributes {stable_mosaic.version = 14 : i64} {
  func.func @_deg_body(%arg0: i32, %arg1: i32, %arg2: memref<160000xi32, #tpu.memory_space<hbm>>, %arg3: memref<2x10000x16xf32, #tpu.memory_space<hbm>>, %arg4: memref<2x128xi32, #tpu.memory_space<vmem>>, %arg5: memref<128x16xf32, #tpu.memory_space<vmem>>, %arg6: memref<208x16xf32, #tpu.memory_space<vmem>>, %arg7: memref<!tpu.dma_semaphore, #tpu.memory_space<semaphore_mem>>, %arg8: memref<!tpu.dma_semaphore, #tpu.memory_space<semaphore_mem>>, %arg9: memref<10000x16xf32, #tpu.memory_space<vmem_shared>>) attributes {dimension_semantics = [#tpu.dimension_semantics<core_parallel>, #tpu.dimension_semantics<subcore_parallel>], iteration_bounds = array<i64: 2, 16>, scalar_prefetch = 0 : i64, scratch_operands = 6 : i64, tpu.core_type = #tpu.core_type<sc_vector_subcore>, window_params = [{transform_indices = #map}, {transform_indices = #map1}]} {
    %mul3A = arith.constant 16 : i32
    %mul3A_0 = arith.muli %arg0, %mul3A : i32
    %add3A = arith.addi %mul3A_0, %arg1 : i32
    %broadcast_in_dim3A = arith.constant 0.000000e+00 : f32
    %broadcast_in_dim3A_1 = vector.broadcast %broadcast_in_dim3A : f32 to vector<16xf32>
    %broadcast_in_dim3A_2 = arith.constant 1.000000e+00 : f32
    %broadcast_in_dim3A_3 = vector.broadcast %broadcast_in_dim3A_2 : f32 to vector<16xf32>
    %scan3A = arith.constant 0 : i32
    %scan3A_4 = arith.constant 0 : i32
    %scan3A_5 = arith.constant 128 : i32
    %scan3A_6 = arith.addi %scan3A_4, %scan3A_5 : i32
    %scan3A_7 = arith.constant 1 : i32
    %scan3A_8 = scf.for %scan3A_101 = %scan3A_4 to %scan3A_6 step %scan3A_7 iter_args(%scan3A_102 = %scan3A) -> (i32)  : i32 {
      %swap3A = arith.index_cast %scan3A_101 : i32 to index
      %swap3A_103 = arith.constant 0 : index
      %swap3A_104 = tpu.vector_load %arg5[%swap3A, %swap3A_103] {strides = array<i32>} : memref<128x16xf32, #tpu.memory_space<vmem>>, vector<1x16xf32>,
      %swap3A_105 = vector.shape_cast %swap3A_104 : vector<1x16xf32> to vector<16xf32>
      %swap3A_106 = vector.shape_cast %broadcast_in_dim3A_3 : vector<16xf32> to vector<1x16xf32>
      tpu.vector_store %arg5[%swap3A, %swap3A_103], %swap3A_106 {strides = array<i32>} : memref<128x16xf32, #tpu.memory_space<vmem>>, vector<1x16xf32>,
      %scan3A_107 = arith.constant 0 : i32
      scf.yield %scan3A_107 : i32
    }
    %scan3A_9 = arith.constant 128 : i32
    %scan3A_10 = arith.constant 0 : i32
    %scan3A_11 = arith.constant 0 : i32
    %scan3A_12 = arith.constant 208 : i32
    %scan3A_13 = arith.addi %scan3A_11, %scan3A_12 : i32
    %scan3A_14 = arith.constant 1 : i32
    %scan3A_15 = scf.for %scan3A_101 = %scan3A_11 to %scan3A_13 step %scan3A_14 iter_args(%scan3A_102 = %scan3A_10) -> (i32)  : i32 {
      %swap3A = arith.index_cast %scan3A_101 : i32 to index
      %swap3A_103 = arith.constant 0 : index
      %swap3A_104 = tpu.vector_load %arg6[%swap3A, %swap3A_103] {strides = array<i32>} : memref<208x16xf32, #tpu.memory_space<vmem>>, vector<1x16xf32>,
      %swap3A_105 = vector.shape_cast %swap3A_104 : vector<1x16xf32> to vector<16xf32>
      %swap3A_106 = vector.shape_cast %broadcast_in_dim3A_1 : vector<16xf32> to vector<1x16xf32>
      tpu.vector_store %arg6[%swap3A, %swap3A_103], %swap3A_106 {strides = array<i32>} : memref<208x16xf32, #tpu.memory_space<vmem>>, vector<1x16xf32>,
      %scan3A_107 = arith.constant 0 : i32
      scf.yield %scan3A_107 : i32
    }
    %scan3A_16 = arith.constant 208 : i32
    %mul3A_17 = arith.constant 624 : i32
    %mul3A_18 = arith.muli %arg1, %mul3A_17 : i32
    %add3A_19 = arith.constant 0 : i32
    %add3A_20 = arith.addi %mul3A_18, %add3A_19 : i32
    "tpu.region"() ({
      %run_scoped3A_101 = tpu.sem_alloc : memref<!tpu.dma_semaphore, #tpu.memory_space<semaphore_mem>>
      %dma_start3A_102 = arith.constant 0 : i32
      %dma_start3A_103 = arith.constant 0 : i32
      %dma_start3A_104 = tpu.memref_slice %arg6[%dma_start3A_102, %dma_start3A_103] : memref<208x16xf32, #tpu.memory_space<vmem>> -> memref<208x16xf32, #tpu.memory_space<vmem>>
      %dma_start3A_105 = arith.constant 0 : i32
      %dma_start3A_106 = tpu.memref_slice %arg9[%add3A_20, %dma_start3A_105] : memref<10000x16xf32, #tpu.memory_space<vmem_shared>> -> memref<208x16xf32, #tpu.memory_space<vmem_shared>>
      %dma_start3A_107 = arith.constant 0 : i32
      %dma_start3A_108 = tpu.memref_slice %arg9[%add3A_20, %dma_start3A_107] : memref<10000x16xf32, #tpu.memory_space<vmem_shared>> -> memref<208x16xf32, #tpu.memory_space<vmem_shared>>
      %dma_start3A_109 = arith.constant 0 : i32
      %dma_start3A_110 = arith.constant 0 : i32
      %dma_start3A_111 = tpu.memref_slice %arg6[%dma_start3A_109, %dma_start3A_110] : memref<208x16xf32, #tpu.memory_space<vmem>> -> memref<208x16xf32, #tpu.memory_space<vmem>>
      tpu.enqueue_dma source(%dma_start3A_111 : memref<208x16xf32, #tpu.memory_space<vmem>>) target(%dma_start3A_108 : memref<208x16xf32, #tpu.memory_space<vmem_shared>>) target_semaphore(%run_scoped3A_101 : memref<!tpu.dma_semaphore, #tpu.memory_space<semaphore_mem>>)
      %dma_wait3A_112 = arith.constant 0 : i32
      %dma_wait3A_113 = arith.constant 0 : i32
      %dma_wait3A_114 = tpu.memref_slice %arg6[%dma_wait3A_112, %dma_wait3A_113] : memref<208x16xf32, #tpu.memory_space<vmem>> -> memref<208x16xf32, #tpu.memory_space<vmem>>
      %dma_wait3A_115 = arith.constant 0 : i32
      %dma_wait3A_116 = tpu.memref_slice %arg9[%add3A_20, %dma_wait3A_115] : memref<10000x16xf32, #tpu.memory_space<vmem_shared>> -> memref<208x16xf32, #tpu.memory_space<vmem_shared>>
      %dma_wait3A_117 = arith.constant 0 : i32
      %dma_wait3A_118 = tpu.memref_slice %arg9[%add3A_20, %dma_wait3A_117] : memref<10000x16xf32, #tpu.memory_space<vmem_shared>> -> memref<208x16xf32, #tpu.memory_space<vmem_shared>>
      %dma_wait3A_119 = arith.constant 0 : i32
      %dma_wait3A_120 = arith.constant 0 : i32
      %dma_wait3A_121 = tpu.memref_slice %arg6[%dma_wait3A_119, %dma_wait3A_120] : memref<208x16xf32, #tpu.memory_space<vmem>> -> memref<208x16xf32, #tpu.memory_space<vmem>>
      tpu.wait_dma2 semaphore(%run_scoped3A_101 : memref<!tpu.dma_semaphore, #tpu.memory_space<semaphore_mem>>) src(%dma_wait3A_121 : memref<208x16xf32, #tpu.memory_space<vmem>>) dst(%dma_wait3A_118 : memref<208x16xf32, #tpu.memory_space<vmem_shared>>)
      tpu.yield
    }) : () -> ()
    %add3A_21 = arith.constant 208 : i32
    %add3A_22 = arith.addi %mul3A_18, %add3A_21 : i32
    "tpu.region"() ({
      %run_scoped3A_101 = tpu.sem_alloc : memref<!tpu.dma_semaphore, #tpu.memory_space<semaphore_mem>>
      %dma_start3A_102 = arith.constant 0 : i32
      %dma_start3A_103 = arith.constant 0 : i32
      %dma_start3A_104 = tpu.memref_slice %arg6[%dma_start3A_102, %dma_start3A_103] : memref<208x16xf32, #tpu.memory_space<vmem>> -> memref<208x16xf32, #tpu.memory_space<vmem>>
      %dma_start3A_105 = arith.constant 0 : i32
      %dma_start3A_106 = tpu.memref_slice %arg9[%add3A_22, %dma_start3A_105] : memref<10000x16xf32, #tpu.memory_space<vmem_shared>> -> memref<208x16xf32, #tpu.memory_space<vmem_shared>>
      %dma_start3A_107 = arith.constant 0 : i32
      %dma_start3A_108 = tpu.memref_slice %arg9[%add3A_22, %dma_start3A_107] : memref<10000x16xf32, #tpu.memory_space<vmem_shared>> -> memref<208x16xf32, #tpu.memory_space<vmem_shared>>
      %dma_start3A_109 = arith.constant 0 : i32
      %dma_start3A_110 = arith.constant 0 : i32
      %dma_start3A_111 = tpu.memref_slice %arg6[%dma_start3A_109, %dma_start3A_110] : memref<208x16xf32, #tpu.memory_space<vmem>> -> memref<208x16xf32, #tpu.memory_space<vmem>>
      tpu.enqueue_dma source(%dma_start3A_111 : memref<208x16xf32, #tpu.memory_space<vmem>>) target(%dma_start3A_108 : memref<208x16xf32, #tpu.memory_space<vmem_shared>>) target_semaphore(%run_scoped3A_101 : memref<!tpu.dma_semaphore, #tpu.memory_space<semaphore_mem>>)
      %dma_wait3A_112 = arith.constant 0 : i32
      %dma_wait3A_113 = arith.constant 0 : i32
      %dma_wait3A_114 = tpu.memref_slice %arg6[%dma_wait3A_112, %dma_wait3A_113] : memref<208x16xf32, #tpu.memory_space<vmem>> -> memref<208x16xf32, #tpu.memory_space<vmem>>
      %dma_wait3A_115 = arith.constant 0 : i32
      %dma_wait3A_116 = tpu.memref_slice %arg9[%add3A_22, %dma_wait3A_115] : memref<10000x16xf32, #tpu.memory_space<vmem_shared>> -> memref<208x16xf32, #tpu.memory_space<vmem_shared>>
      %dma_wait3A_117 = arith.constant 0 : i32
      %dma_wait3A_118 = tpu.memref_slice %arg9[%add3A_22, %dma_wait3A_117] : memref<10000x16xf32, #tpu.memory_space<vmem_shared>> -> memref<208x16xf32, #tpu.memory_space<vmem_shared>>
      %dma_wait3A_119 = arith.constant 0 : i32
      %dma_wait3A_120 = arith.constant 0 : i32
      %dma_wait3A_121 = tpu.memref_slice %arg6[%dma_wait3A_119, %dma_wait3A_120] : memref<208x16xf32, #tpu.memory_space<vmem>> -> memref<208x16xf32, #tpu.memory_space<vmem>>
      tpu.wait_dma2 semaphore(%run_scoped3A_101 : memref<!tpu.dma_semaphore, #tpu.memory_space<semaphore_mem>>) src(%dma_wait3A_121 : memref<208x16xf32, #tpu.memory_space<vmem>>) dst(%dma_wait3A_118 : memref<208x16xf32, #tpu.memory_space<vmem_shared>>)
      tpu.yield
    }) : () -> ()
    %add3A_23 = arith.constant 416 : i32
    %add3A_24 = arith.addi %mul3A_18, %add3A_23 : i32
    "tpu.region"() ({
      %run_scoped3A_101 = tpu.sem_alloc : memref<!tpu.dma_semaphore, #tpu.memory_space<semaphore_mem>>
      %dma_start3A_102 = arith.constant 0 : i32
      %dma_start3A_103 = arith.constant 0 : i32
      %dma_start3A_104 = tpu.memref_slice %arg6[%dma_start3A_102, %dma_start3A_103] : memref<208x16xf32, #tpu.memory_space<vmem>> -> memref<208x16xf32, #tpu.memory_space<vmem>>
      %dma_start3A_105 = arith.constant 0 : i32
      %dma_start3A_106 = tpu.memref_slice %arg9[%add3A_24, %dma_start3A_105] : memref<10000x16xf32, #tpu.memory_space<vmem_shared>> -> memref<208x16xf32, #tpu.memory_space<vmem_shared>>
      %dma_start3A_107 = arith.constant 0 : i32
      %dma_start3A_108 = tpu.memref_slice %arg9[%add3A_24, %dma_start3A_107] : memref<10000x16xf32, #tpu.memory_space<vmem_shared>> -> memref<208x16xf32, #tpu.memory_space<vmem_shared>>
      %dma_start3A_109 = arith.constant 0 : i32
      %dma_start3A_110 = arith.constant 0 : i32
      %dma_start3A_111 = tpu.memref_slice %arg6[%dma_start3A_109, %dma_start3A_110] : memref<208x16xf32, #tpu.memory_space<vmem>> -> memref<208x16xf32, #tpu.memory_space<vmem>>
      tpu.enqueue_dma source(%dma_start3A_111 : memref<208x16xf32, #tpu.memory_space<vmem>>) target(%dma_start3A_108 : memref<208x16xf32, #tpu.memory_space<vmem_shared>>) target_semaphore(%run_scoped3A_101 : memref<!tpu.dma_semaphore, #tpu.memory_space<semaphore_mem>>)
      %dma_wait3A_112 = arith.constant 0 : i32
      %dma_wait3A_113 = arith.constant 0 : i32
      %dma_wait3A_114 = tpu.memref_slice %arg6[%dma_wait3A_112, %dma_wait3A_113] : memref<208x16xf32, #tpu.memory_space<vmem>> -> memref<208x16xf32, #tpu.memory_space<vmem>>
      %dma_wait3A_115 = arith.constant 0 : i32
      %dma_wait3A_116 = tpu.memref_slice %arg9[%add3A_24, %dma_wait3A_115] : memref<10000x16xf32, #tpu.memory_space<vmem_shared>> -> memref<208x16xf32, #tpu.memory_space<vmem_shared>>
      %dma_wait3A_117 = arith.constant 0 : i32
      %dma_wait3A_118 = tpu.memref_slice %arg9[%add3A_24, %dma_wait3A_117] : memref<10000x16xf32, #tpu.memory_space<vmem_shared>> -> memref<208x16xf32, #tpu.memory_space<vmem_shared>>
      %dma_wait3A_119 = arith.constant 0 : i32
      %dma_wait3A_120 = arith.constant 0 : i32
      %dma_wait3A_121 = tpu.memref_slice %arg6[%dma_wait3A_119, %dma_wait3A_120] : memref<208x16xf32, #tpu.memory_space<vmem>> -> memref<208x16xf32, #tpu.memory_space<vmem>>
      tpu.wait_dma2 semaphore(%run_scoped3A_101 : memref<!tpu.dma_semaphore, #tpu.memory_space<semaphore_mem>>) src(%dma_wait3A_121 : memref<208x16xf32, #tpu.memory_space<vmem>>) dst(%dma_wait3A_118 : memref<208x16xf32, #tpu.memory_space<vmem_shared>>)
      tpu.yield
    }) : () -> ()
    %eq3A = arith.constant 15 : i32
    %eq3A_25 = arith.cmpi eq, %arg1, %eq3A : i32
    %convert_element_type3A = arith.extui %eq3A_25 : i1 to i32
    %cond3A = arith.constant 0 : i32
    %cond3A_26 = arith.cmpi ne, %convert_element_type3A, %cond3A : i32
    scf.if %cond3A_26 {
      "tpu.region"() ({
        %run_scoped3A_101 = tpu.sem_alloc : memref<!tpu.dma_semaphore, #tpu.memory_space<semaphore_mem>>
        %dma_start3A_102 = arith.constant 0 : i32
        %dma_start3A_103 = arith.constant 0 : i32
        %dma_start3A_104 = tpu.memref_slice %arg6[%dma_start3A_102, %dma_start3A_103] : memref<208x16xf32, #tpu.memory_space<vmem>> -> memref<16x16xf32, #tpu.memory_space<vmem>>
        %dma_start3A_105 = arith.constant 9984 : i32
        %dma_start3A_106 = arith.constant 0 : i32
        %dma_start3A_107 = tpu.memref_slice %arg9[%dma_start3A_105, %dma_start3A_106] : memref<10000x16xf32, #tpu.memory_space<vmem_shared>> -> memref<16x16xf32, #tpu.memory_space<vmem_shared>>
        %dma_start3A_108 = arith.constant 9984 : i32
        %dma_start3A_109 = arith.constant 0 : i32
        %dma_start3A_110 = tpu.memref_slice %arg9[%dma_start3A_108, %dma_start3A_109] : memref<10000x16xf32, #tpu.memory_space<vmem_shared>> -> memref<16x16xf32, #tpu.memory_space<vmem_shared>>
        %dma_start3A_111 = arith.constant 0 : i32
        %dma_start3A_112 = arith.constant 0 : i32
        %dma_start3A_113 = tpu.memref_slice %arg6[%dma_start3A_111, %dma_start3A_112] : memref<208x16xf32, #tpu.memory_space<vmem>> -> memref<16x16xf32, #tpu.memory_space<vmem>>
        tpu.enqueue_dma source(%dma_start3A_113 : memref<16x16xf32, #tpu.memory_space<vmem>>) target(%dma_start3A_110 : memref<16x16xf32, #tpu.memory_space<vmem_shared>>) target_semaphore(%run_scoped3A_101 : memref<!tpu.dma_semaphore, #tpu.memory_space<semaphore_mem>>)
        %dma_wait3A_114 = arith.constant 0 : i32
        %dma_wait3A_115 = arith.constant 0 : i32
        %dma_wait3A_116 = tpu.memref_slice %arg6[%dma_wait3A_114, %dma_wait3A_115] : memref<208x16xf32, #tpu.memory_space<vmem>> -> memref<16x16xf32, #tpu.memory_space<vmem>>
        %dma_wait3A_117 = arith.constant 9984 : i32
        %dma_wait3A_118 = arith.constant 0 : i32
        %dma_wait3A_119 = tpu.memref_slice %arg9[%dma_wait3A_117, %dma_wait3A_118] : memref<10000x16xf32, #tpu.memory_space<vmem_shared>> -> memref<16x16xf32, #tpu.memory_space<vmem_shared>>
        %dma_wait3A_120 = arith.constant 9984 : i32
        %dma_wait3A_121 = arith.constant 0 : i32
        %dma_wait3A_122 = tpu.memref_slice %arg9[%dma_wait3A_120, %dma_wait3A_121] : memref<10000x16xf32, #tpu.memory_space<vmem_shared>> -> memref<16x16xf32, #tpu.memory_space<vmem_shared>>
        %dma_wait3A_123 = arith.constant 0 : i32
        %dma_wait3A_124 = arith.constant 0 : i32
        %dma_wait3A_125 = tpu.memref_slice %arg6[%dma_wait3A_123, %dma_wait3A_124] : memref<208x16xf32, #tpu.memory_space<vmem>> -> memref<16x16xf32, #tpu.memory_space<vmem>>
        tpu.wait_dma2 semaphore(%run_scoped3A_101 : memref<!tpu.dma_semaphore, #tpu.memory_space<semaphore_mem>>) src(%dma_wait3A_125 : memref<16x16xf32, #tpu.memory_space<vmem>>) dst(%dma_wait3A_122 : memref<16x16xf32, #tpu.memory_space<vmem_shared>>)
        tpu.yield
      }) : () -> ()
    } else {
    }
    %barrier3A = arith.constant 0 : index
    tpu.barrier barrier_id(%barrier3A)
    %add3A_27 = arith.constant 0 : i32
    %add3A_28 = arith.addi %add3A, %add3A_27 : i32
    %mul3A_29 = arith.constant 128 : i32
    %mul3A_30 = arith.muli %add3A_28, %mul3A_29 : i32
    %run_scoped3A = arith.constant 0 : i32
    "tpu.region"() ({
      %run_scoped3A_101 = tpu.sem_alloc : memref<!tpu.dma_semaphore, #tpu.memory_space<semaphore_mem>>
      %dma_start3A_102 = arith.constant 0 : i32
      %dma_start3A_103 = tpu.memref_slice %arg4[%run_scoped3A, %dma_start3A_102] : memref<2x128xi32, #tpu.memory_space<vmem>> -> memref<1x128xi32, #tpu.memory_space<vmem>>
      %dma_start3A_104 = tpu.memref_squeeze %dma_start3A_103 : memref<1x128xi32, #tpu.memory_space<vmem>> -> memref<128xi32, #tpu.memory_space<vmem>>
      %dma_start3A_105 = tpu.memref_slice %arg2[%mul3A_30] : memref<160000xi32, #tpu.memory_space<hbm>> -> memref<128xi32, #tpu.memory_space<hbm>>
      %dma_start3A_106 = arith.constant 0 : i32
      %dma_start3A_107 = tpu.memref_slice %arg4[%run_scoped3A, %dma_start3A_106] : memref<2x128xi32, #tpu.memory_space<vmem>> -> memref<1x128xi32, #tpu.memory_space<vmem>>
      %dma_start3A_108 = tpu.memref_squeeze %dma_start3A_107 : memref<1x128xi32, #tpu.memory_space<vmem>> -> memref<128xi32, #tpu.memory_space<vmem>>
      %dma_start3A_109 = tpu.memref_slice %arg2[%mul3A_30] : memref<160000xi32, #tpu.memory_space<hbm>> -> memref<128xi32, #tpu.memory_space<hbm>>
      tpu.enqueue_dma source(%dma_start3A_109 : memref<128xi32, #tpu.memory_space<hbm>>) target(%dma_start3A_108 : memref<128xi32, #tpu.memory_space<vmem>>) target_semaphore(%run_scoped3A_101 : memref<!tpu.dma_semaphore, #tpu.memory_space<semaphore_mem>>)
      %dma_wait3A_110 = arith.constant 0 : i32
      %dma_wait3A_111 = tpu.memref_slice %arg4[%run_scoped3A, %dma_wait3A_110] : memref<2x128xi32, #tpu.memory_space<vmem>> -> memref<1x128xi32, #tpu.memory_space<vmem>>
      %dma_wait3A_112 = tpu.memref_squeeze %dma_wait3A_111 : memref<1x128xi32, #tpu.memory_space<vmem>> -> memref<128xi32, #tpu.memory_space<vmem>>
      %dma_wait3A_113 = tpu.memref_slice %arg2[%mul3A_30] : memref<160000xi32, #tpu.memory_space<hbm>> -> memref<128xi32, #tpu.memory_space<hbm>>
      %dma_wait3A_114 = arith.constant 0 : i32
      %dma_wait3A_115 = tpu.memref_slice %arg4[%run_scoped3A, %dma_wait3A_114] : memref<2x128xi32, #tpu.memory_space<vmem>> -> memref<1x128xi32, #tpu.memory_space<vmem>>
      %dma_wait3A_116 = tpu.memref_squeeze %dma_wait3A_115 : memref<1x128xi32, #tpu.memory_space<vmem>> -> memref<128xi32, #tpu.memory_space<vmem>>
      %dma_wait3A_117 = tpu.memref_slice %arg2[%mul3A_30] : memref<160000xi32, #tpu.memory_space<hbm>> -> memref<128xi32, #tpu.memory_space<hbm>>
      tpu.wait_dma2 semaphore(%run_scoped3A_101 : memref<!tpu.dma_semaphore, #tpu.memory_space<semaphore_mem>>) src(%dma_wait3A_117 : memref<128xi32, #tpu.memory_space<hbm>>) dst(%dma_wait3A_116 : memref<128xi32, #tpu.memory_space<vmem>>)
      tpu.yield
    }) : () -> ()
    %dma_start3A = arith.constant 0 : i32
    %dma_start3A_31 = arith.constant 0 : i32
    %dma_start3A_32 = tpu.memref_slice %arg4[%dma_start3A, %dma_start3A_31] : memref<2x128xi32, #tpu.memory_space<vmem>> -> memref<1x128xi32, #tpu.memory_space<vmem>>
    %dma_start3A_33 = tpu.memref_squeeze %dma_start3A_32 : memref<1x128xi32, #tpu.memory_space<vmem>> -> memref<128xi32, #tpu.memory_space<vmem>>
    %dma_start3A_34 = arith.constant 0 : i32
    %dma_start3A_35 = arith.constant 0 : i32
    %dma_start3A_36 = tpu.memref_slice %arg9[%dma_start3A_34, %dma_start3A_35] : memref<10000x16xf32, #tpu.memory_space<vmem_shared>> -> memref<10000x16xf32, #tpu.memory_space<vmem_shared>>
    tpu.enqueue_indirect_dma source(%arg5 : memref<128x16xf32, #tpu.memory_space<vmem>>) target(%dma_start3A_36 : memref<10000x16xf32, #tpu.memory_space<vmem_shared>>) offsets(%dma_start3A_33 : memref<128xi32, #tpu.memory_space<vmem>>) semaphore(%arg7 : memref<!tpu.dma_semaphore, #tpu.memory_space<semaphore_mem>>) {add = true}
    %add3A_37 = arith.constant 32 : i32
    %add3A_38 = arith.addi %add3A, %add3A_37 : i32
    %mul3A_39 = arith.constant 128 : i32
    %mul3A_40 = arith.muli %add3A_38, %mul3A_39 : i32
    %run_scoped3A_41 = arith.constant 1 : i32
    "tpu.region"() ({
      %run_scoped3A_101 = tpu.sem_alloc : memref<!tpu.dma_semaphore, #tpu.memory_space<semaphore_mem>>
      %dma_start3A_102 = arith.constant 0 : i32
      %dma_start3A_103 = tpu.memref_slice %arg4[%run_scoped3A_41, %dma_start3A_102] : memref<2x128xi32, #tpu.memory_space<vmem>> -> memref<1x128xi32, #tpu.memory_space<vmem>>
      %dma_start3A_104 = tpu.memref_squeeze %dma_start3A_103 : memref<1x128xi32, #tpu.memory_space<vmem>> -> memref<128xi32, #tpu.memory_space<vmem>>
      %dma_start3A_105 = tpu.memref_slice %arg2[%mul3A_40] : memref<160000xi32, #tpu.memory_space<hbm>> -> memref<128xi32, #tpu.memory_space<hbm>>
      %dma_start3A_106 = arith.constant 0 : i32
      %dma_start3A_107 = tpu.memref_slice %arg4[%run_scoped3A_41, %dma_start3A_106] : memref<2x128xi32, #tpu.memory_space<vmem>> -> memref<1x128xi32, #tpu.memory_space<vmem>>
      %dma_start3A_108 = tpu.memref_squeeze %dma_start3A_107 : memref<1x128xi32, #tpu.memory_space<vmem>> -> memref<128xi32, #tpu.memory_space<vmem>>
      %dma_start3A_109 = tpu.memref_slice %arg2[%mul3A_40] : memref<160000xi32, #tpu.memory_space<hbm>> -> memref<128xi32, #tpu.memory_space<hbm>>
      tpu.enqueue_dma source(%dma_start3A_109 : memref<128xi32, #tpu.memory_space<hbm>>) target(%dma_start3A_108 : memref<128xi32, #tpu.memory_space<vmem>>) target_semaphore(%run_scoped3A_101 : memref<!tpu.dma_semaphore, #tpu.memory_space<semaphore_mem>>)
      %dma_wait3A_110 = arith.constant 0 : i32
      %dma_wait3A_111 = tpu.memref_slice %arg4[%run_scoped3A_41, %dma_wait3A_110] : memref<2x128xi32, #tpu.memory_space<vmem>> -> memref<1x128xi32, #tpu.memory_space<vmem>>
      %dma_wait3A_112 = tpu.memref_squeeze %dma_wait3A_111 : memref<1x128xi32, #tpu.memory_space<vmem>> -> memref<128xi32, #tpu.memory_space<vmem>>
      %dma_wait3A_113 = tpu.memref_slice %arg2[%mul3A_40] : memref<160000xi32, #tpu.memory_space<hbm>> -> memref<128xi32, #tpu.memory_space<hbm>>
      %dma_wait3A_114 = arith.constant 0 : i32
      %dma_wait3A_115 = tpu.memref_slice %arg4[%run_scoped3A_41, %dma_wait3A_114] : memref<2x128xi32, #tpu.memory_space<vmem>> -> memref<1x128xi32, #tpu.memory_space<vmem>>
      %dma_wait3A_116 = tpu.memref_squeeze %dma_wait3A_115 : memref<1x128xi32, #tpu.memory_space<vmem>> -> memref<128xi32, #tpu.memory_space<vmem>>
      %dma_wait3A_117 = tpu.memref_slice %arg2[%mul3A_40] : memref<160000xi32, #tpu.memory_space<hbm>> -> memref<128xi32, #tpu.memory_space<hbm>>
      tpu.wait_dma2 semaphore(%run_scoped3A_101 : memref<!tpu.dma_semaphore, #tpu.memory_space<semaphore_mem>>) src(%dma_wait3A_117 : memref<128xi32, #tpu.memory_space<hbm>>) dst(%dma_wait3A_116 : memref<128xi32, #tpu.memory_space<vmem>>)
      tpu.yield
    }) : () -> ()
    %scan3A_42 = arith.constant 0 : i32
    %scan3A_43 = arith.constant 1 : i32
    %scan3A_44 = arith.constant 18 : i32
    %scan3A_45 = arith.addi %scan3A_43, %scan3A_44 : i32
    %scan3A_46 = arith.constant 1 : i32
    %scan3A_47 = scf.for %scan3A_101 = %scan3A_43 to %scan3A_45 step %scan3A_46 iter_args(%scan3A_102 = %scan3A_42) -> (i32)  : i32 {
      %mul3A_103 = arith.constant 2 : i32
      %mul3A_104 = arith.muli %mul3A_103, %scan3A_101 : i32
      %sub3A = arith.constant 1 : i32
      %sub3A_105 = arith.subi %mul3A_104, %sub3A : i32
      %dma_start3A_106 = arith.constant 1 : i32
      %dma_start3A_107 = arith.constant 0 : i32
      %dma_start3A_108 = tpu.memref_slice %arg4[%dma_start3A_106, %dma_start3A_107] : memref<2x128xi32, #tpu.memory_space<vmem>> -> memref<1x128xi32, #tpu.memory_space<vmem>>
      %dma_start3A_109 = tpu.memref_squeeze %dma_start3A_108 : memref<1x128xi32, #tpu.memory_space<vmem>> -> memref<128xi32, #tpu.memory_space<vmem>>
      %dma_start3A_110 = arith.constant 0 : i32
      %dma_start3A_111 = arith.constant 0 : i32
      %dma_start3A_112 = tpu.memref_slice %arg9[%dma_start3A_110, %dma_start3A_111] : memref<10000x16xf32, #tpu.memory_space<vmem_shared>> -> memref<10000x16xf32, #tpu.memory_space<vmem_shared>>
      tpu.enqueue_indirect_dma source(%arg5 : memref<128x16xf32, #tpu.memory_space<vmem>>) target(%dma_start3A_112 : memref<10000x16xf32, #tpu.memory_space<vmem_shared>>) offsets(%dma_start3A_109 : memref<128xi32, #tpu.memory_space<vmem>>) semaphore(%arg8 : memref<!tpu.dma_semaphore, #tpu.memory_space<semaphore_mem>>) {add = true}
      %dma_wait3A_113 = arith.constant 0 : i32
      %dma_wait3A_114 = arith.constant 0 : i32
      %dma_wait3A_115 = tpu.memref_slice %arg4[%dma_wait3A_113, %dma_wait3A_114] : memref<2x128xi32, #tpu.memory_space<vmem>> -> memref<1x128xi32, #tpu.memory_space<vmem>>
      %dma_wait3A_116 = tpu.memref_squeeze %dma_wait3A_115 : memref<1x128xi32, #tpu.memory_space<vmem>> -> memref<128xi32, #tpu.memory_space<vmem>>
      %dma_wait3A_117 = arith.constant 0 : i32
      %dma_wait3A_118 = arith.constant 0 : i32
      %dma_wait3A_119 = tpu.memref_slice %arg9[%dma_wait3A_117, %dma_wait3A_118] : memref<10000x16xf32, #tpu.memory_space<vmem_shared>> -> memref<10000x16xf32, #tpu.memory_space<vmem_shared>>
      tpu.wait_indirect_dma semaphore(%arg7 : memref<!tpu.dma_semaphore, #tpu.memory_space<semaphore_mem>>) src(%arg5 : memref<128x16xf32, #tpu.memory_space<vmem>>) dst(%dma_wait3A_119 : memref<10000x16xf32, #tpu.memory_space<vmem_shared>>)
      %add3A_120 = arith.constant 1 : i32
      %add3A_121 = arith.addi %sub3A_105, %add3A_120 : i32
      %mul3A_122 = arith.constant 32 : i32
      %mul3A_123 = arith.muli %mul3A_122, %add3A_121 : i32
      %add3A_124 = arith.addi %add3A, %mul3A_123 : i32
      %mul3A_125 = arith.constant 128 : i32
      %mul3A_126 = arith.muli %add3A_124, %mul3A_125 : i32
      %run_scoped3A_127 = arith.constant 0 : i32
      "tpu.region"() ({
        %run_scoped3A_151 = tpu.sem_alloc : memref<!tpu.dma_semaphore, #tpu.memory_space<semaphore_mem>>
        %dma_start3A_152 = arith.constant 0 : i32
        %dma_start3A_153 = tpu.memref_slice %arg4[%run_scoped3A_127, %dma_start3A_152] : memref<2x128xi32, #tpu.memory_space<vmem>> -> memref<1x128xi32, #tpu.memory_space<vmem>>
        %dma_start3A_154 = tpu.memref_squeeze %dma_start3A_153 : memref<1x128xi32, #tpu.memory_space<vmem>> -> memref<128xi32, #tpu.memory_space<vmem>>
        %dma_start3A_155 = tpu.memref_slice %arg2[%mul3A_126] : memref<160000xi32, #tpu.memory_space<hbm>> -> memref<128xi32, #tpu.memory_space<hbm>>
        %dma_start3A_156 = arith.constant 0 : i32
        %dma_start3A_157 = tpu.memref_slice %arg4[%run_scoped3A_127, %dma_start3A_156] : memref<2x128xi32, #tpu.memory_space<vmem>> -> memref<1x128xi32, #tpu.memory_space<vmem>>
        %dma_start3A_158 = tpu.memref_squeeze %dma_start3A_157 : memref<1x128xi32, #tpu.memory_space<vmem>> -> memref<128xi32, #tpu.memory_space<vmem>>
        %dma_start3A_159 = tpu.memref_slice %arg2[%mul3A_126] : memref<160000xi32, #tpu.memory_space<hbm>> -> memref<128xi32, #tpu.memory_space<hbm>>
        tpu.enqueue_dma source(%dma_start3A_159 : memref<128xi32, #tpu.memory_space<hbm>>) target(%dma_start3A_158 : memref<128xi32, #tpu.memory_space<vmem>>) target_semaphore(%run_scoped3A_151 : memref<!tpu.dma_semaphore, #tpu.memory_space<semaphore_mem>>)
        %dma_wait3A_160 = arith.constant 0 : i32
        %dma_wait3A_161 = tpu.memref_slice %arg4[%run_scoped3A_127, %dma_wait3A_160] : memref<2x128xi32, #tpu.memory_space<vmem>> -> memref<1x128xi32, #tpu.memory_space<vmem>>
        %dma_wait3A_162 = tpu.memref_squeeze %dma_wait3A_161 : memref<1x128xi32, #tpu.memory_space<vmem>> -> memref<128xi32, #tpu.memory_space<vmem>>
        %dma_wait3A_163 = tpu.memref_slice %arg2[%mul3A_126] : memref<160000xi32, #tpu.memory_space<hbm>> -> memref<128xi32, #tpu.memory_space<hbm>>
        %dma_wait3A_164 = arith.constant 0 : i32
        %dma_wait3A_165 = tpu.memref_slice %arg4[%run_scoped3A_127, %dma_wait3A_164] : memref<2x128xi32, #tpu.memory_space<vmem>> -> memref<1x128xi32, #tpu.memory_space<vmem>>
        %dma_wait3A_166 = tpu.memref_squeeze %dma_wait3A_165 : memref<1x128xi32, #tpu.memory_space<vmem>> -> memref<128xi32, #tpu.memory_space<vmem>>
        %dma_wait3A_167 = tpu.memref_slice %arg2[%mul3A_126] : memref<160000xi32, #tpu.memory_space<hbm>> -> memref<128xi32, #tpu.memory_space<hbm>>
        tpu.wait_dma2 semaphore(%run_scoped3A_151 : memref<!tpu.dma_semaphore, #tpu.memory_space<semaphore_mem>>) src(%dma_wait3A_167 : memref<128xi32, #tpu.memory_space<hbm>>) dst(%dma_wait3A_166 : memref<128xi32, #tpu.memory_space<vmem>>)
        tpu.yield
      }) : () -> ()
      %dma_start3A_128 = arith.constant 0 : i32
      %dma_start3A_129 = arith.constant 0 : i32
      %dma_start3A_130 = tpu.memref_slice %arg4[%dma_start3A_128, %dma_start3A_129] : memref<2x128xi32, #tpu.memory_space<vmem>> -> memref<1x128xi32, #tpu.memory_space<vmem>>
      %dma_start3A_131 = tpu.memref_squeeze %dma_start3A_130 : memref<1x128xi32, #tpu.memory_space<vmem>> -> memref<128xi32, #tpu.memory_space<vmem>>
      %dma_start3A_132 = arith.constant 0 : i32
      %dma_start3A_133 = arith.constant 0 : i32
      %dma_start3A_134 = tpu.memref_slice %arg9[%dma_start3A_132, %dma_start3A_133] : memref<10000x16xf32, #tpu.memory_space<vmem_shared>> -> memref<10000x16xf32, #tpu.memory_space<vmem_shared>>
      tpu.enqueue_indirect_dma source(%arg5 : memref<128x16xf32, #tpu.memory_space<vmem>>) target(%dma_start3A_134 : memref<10000x16xf32, #tpu.memory_space<vmem_shared>>) offsets(%dma_start3A_131 : memref<128xi32, #tpu.memory_space<vmem>>) semaphore(%arg7 : memref<!tpu.dma_semaphore, #tpu.memory_space<semaphore_mem>>) {add = true}
      %dma_wait3A_135 = arith.constant 1 : i32
      %dma_wait3A_136 = arith.constant 0 : i32
      %dma_wait3A_137 = tpu.memref_slice %arg4[%dma_wait3A_135, %dma_wait3A_136] : memref<2x128xi32, #tpu.memory_space<vmem>> -> memref<1x128xi32, #tpu.memory_space<vmem>>
      %dma_wait3A_138 = tpu.memref_squeeze %dma_wait3A_137 : memref<1x128xi32, #tpu.memory_space<vmem>> -> memref<128xi32, #tpu.memory_space<vmem>>
      %dma_wait3A_139 = arith.constant 0 : i32
      %dma_wait3A_140 = arith.constant 0 : i32
      %dma_wait3A_141 = tpu.memref_slice %arg9[%dma_wait3A_139, %dma_wait3A_140] : memref<10000x16xf32, #tpu.memory_space<vmem_shared>> -> memref<10000x16xf32, #tpu.memory_space<vmem_shared>>
      tpu.wait_indirect_dma semaphore(%arg8 : memref<!tpu.dma_semaphore, #tpu.memory_space<semaphore_mem>>) src(%arg5 : memref<128x16xf32, #tpu.memory_space<vmem>>) dst(%dma_wait3A_141 : memref<10000x16xf32, #tpu.memory_space<vmem_shared>>)
      %add3A_142 = arith.constant 2 : i32
      %add3A_143 = arith.addi %sub3A_105, %add3A_142 : i32
      %mul3A_144 = arith.constant 32 : i32
      %mul3A_145 = arith.muli %mul3A_144, %add3A_143 : i32
      %add3A_146 = arith.addi %add3A, %mul3A_145 : i32
      %mul3A_147 = arith.constant 128 : i32
      %mul3A_148 = arith.muli %add3A_146, %mul3A_147 : i32
      %run_scoped3A_149 = arith.constant 1 : i32
      "tpu.region"() ({
        %run_scoped3A_151 = tpu.sem_alloc : memref<!tpu.dma_semaphore, #tpu.memory_space<semaphore_mem>>
        %dma_start3A_152 = arith.constant 0 : i32
        %dma_start3A_153 = tpu.memref_slice %arg4[%run_scoped3A_149, %dma_start3A_152] : memref<2x128xi32, #tpu.memory_space<vmem>> -> memref<1x128xi32, #tpu.memory_space<vmem>>
        %dma_start3A_154 = tpu.memref_squeeze %dma_start3A_153 : memref<1x128xi32, #tpu.memory_space<vmem>> -> memref<128xi32, #tpu.memory_space<vmem>>
        %dma_start3A_155 = tpu.memref_slice %arg2[%mul3A_148] : memref<160000xi32, #tpu.memory_space<hbm>> -> memref<128xi32, #tpu.memory_space<hbm>>
        %dma_start3A_156 = arith.constant 0 : i32
        %dma_start3A_157 = tpu.memref_slice %arg4[%run_scoped3A_149, %dma_start3A_156] : memref<2x128xi32, #tpu.memory_space<vmem>> -> memref<1x128xi32, #tpu.memory_space<vmem>>
        %dma_start3A_158 = tpu.memref_squeeze %dma_start3A_157 : memref<1x128xi32, #tpu.memory_space<vmem>> -> memref<128xi32, #tpu.memory_space<vmem>>
        %dma_start3A_159 = tpu.memref_slice %arg2[%mul3A_148] : memref<160000xi32, #tpu.memory_space<hbm>> -> memref<128xi32, #tpu.memory_space<hbm>>
        tpu.enqueue_dma source(%dma_start3A_159 : memref<128xi32, #tpu.memory_space<hbm>>) target(%dma_start3A_158 : memref<128xi32, #tpu.memory_space<vmem>>) target_semaphore(%run_scoped3A_151 : memref<!tpu.dma_semaphore, #tpu.memory_space<semaphore_mem>>)
        %dma_wait3A_160 = arith.constant 0 : i32
        %dma_wait3A_161 = tpu.memref_slice %arg4[%run_scoped3A_149, %dma_wait3A_160] : memref<2x128xi32, #tpu.memory_space<vmem>> -> memref<1x128xi32, #tpu.memory_space<vmem>>
        %dma_wait3A_162 = tpu.memref_squeeze %dma_wait3A_161 : memref<1x128xi32, #tpu.memory_space<vmem>> -> memref<128xi32, #tpu.memory_space<vmem>>
        %dma_wait3A_163 = tpu.memref_slice %arg2[%mul3A_148] : memref<160000xi32, #tpu.memory_space<hbm>> -> memref<128xi32, #tpu.memory_space<hbm>>
        %dma_wait3A_164 = arith.constant 0 : i32
        %dma_wait3A_165 = tpu.memref_slice %arg4[%run_scoped3A_149, %dma_wait3A_164] : memref<2x128xi32, #tpu.memory_space<vmem>> -> memref<1x128xi32, #tpu.memory_space<vmem>>
        %dma_wait3A_166 = tpu.memref_squeeze %dma_wait3A_165 : memref<1x128xi32, #tpu.memory_space<vmem>> -> memref<128xi32, #tpu.memory_space<vmem>>
        %dma_wait3A_167 = tpu.memref_slice %arg2[%mul3A_148] : memref<160000xi32, #tpu.memory_space<hbm>> -> memref<128xi32, #tpu.memory_space<hbm>>
        tpu.wait_dma2 semaphore(%run_scoped3A_151 : memref<!tpu.dma_semaphore, #tpu.memory_space<semaphore_mem>>) src(%dma_wait3A_167 : memref<128xi32, #tpu.memory_space<hbm>>) dst(%dma_wait3A_166 : memref<128xi32, #tpu.memory_space<vmem>>)
        tpu.yield
      }) : () -> ()
      %scan3A_150 = arith.constant 0 : i32
      scf.yield %scan3A_150 : i32
    }
    %scan3A_48 = arith.constant 18 : i32
    %dma_start3A_49 = arith.constant 1 : i32
    %dma_start3A_50 = arith.constant 0 : i32
    %dma_start3A_51 = tpu.memref_slice %arg4[%dma_start3A_49, %dma_start3A_50] : memref<2x128xi32, #tpu.memory_space<vmem>> -> memref<1x128xi32, #tpu.memory_space<vmem>>
    %dma_start3A_52 = tpu.memref_squeeze %dma_start3A_51 : memref<1x128xi32, #tpu.memory_space<vmem>> -> memref<128xi32, #tpu.memory_space<vmem>>
    %dma_start3A_53 = arith.constant 0 : i32
    %dma_start3A_54 = arith.constant 0 : i32
    %dma_start3A_55 = tpu.memref_slice %arg9[%dma_start3A_53, %dma_start3A_54] : memref<10000x16xf32, #tpu.memory_space<vmem_shared>> -> memref<10000x16xf32, #tpu.memory_space<vmem_shared>>
    tpu.enqueue_indirect_dma source(%arg5 : memref<128x16xf32, #tpu.memory_space<vmem>>) target(%dma_start3A_55 : memref<10000x16xf32, #tpu.memory_space<vmem_shared>>) offsets(%dma_start3A_52 : memref<128xi32, #tpu.memory_space<vmem>>) semaphore(%arg8 : memref<!tpu.dma_semaphore, #tpu.memory_space<semaphore_mem>>) {add = true}
    %dma_wait3A = arith.constant 0 : i32
    %dma_wait3A_56 = arith.constant 0 : i32
    %dma_wait3A_57 = tpu.memref_slice %arg4[%dma_wait3A, %dma_wait3A_56] : memref<2x128xi32, #tpu.memory_space<vmem>> -> memref<1x128xi32, #tpu.memory_space<vmem>>
    %dma_wait3A_58 = tpu.memref_squeeze %dma_wait3A_57 : memref<1x128xi32, #tpu.memory_space<vmem>> -> memref<128xi32, #tpu.memory_space<vmem>>
    %dma_wait3A_59 = arith.constant 0 : i32
    %dma_wait3A_60 = arith.constant 0 : i32
    %dma_wait3A_61 = tpu.memref_slice %arg9[%dma_wait3A_59, %dma_wait3A_60] : memref<10000x16xf32, #tpu.memory_space<vmem_shared>> -> memref<10000x16xf32, #tpu.memory_space<vmem_shared>>
    tpu.wait_indirect_dma semaphore(%arg7 : memref<!tpu.dma_semaphore, #tpu.memory_space<semaphore_mem>>) src(%arg5 : memref<128x16xf32, #tpu.memory_space<vmem>>) dst(%dma_wait3A_61 : memref<10000x16xf32, #tpu.memory_space<vmem_shared>>)
    %dma_start3A_62 = arith.constant 0 : i32
    %dma_start3A_63 = arith.constant 0 : i32
    %dma_start3A_64 = tpu.memref_slice %arg4[%dma_start3A_62, %dma_start3A_63] : memref<2x128xi32, #tpu.memory_space<vmem>> -> memref<1x128xi32, #tpu.memory_space<vmem>>
    %dma_start3A_65 = tpu.memref_squeeze %dma_start3A_64 : memref<1x128xi32, #tpu.memory_space<vmem>> -> memref<128xi32, #tpu.memory_space<vmem>>
    %dma_start3A_66 = arith.constant 0 : i32
    %dma_start3A_67 = arith.constant 0 : i32
    %dma_start3A_68 = tpu.memref_slice %arg9[%dma_start3A_66, %dma_start3A_67] : memref<10000x16xf32, #tpu.memory_space<vmem_shared>> -> memref<10000x16xf32, #tpu.memory_space<vmem_shared>>
    tpu.enqueue_indirect_dma source(%arg5 : memref<128x16xf32, #tpu.memory_space<vmem>>) target(%dma_start3A_68 : memref<10000x16xf32, #tpu.memory_space<vmem_shared>>) offsets(%dma_start3A_65 : memref<128xi32, #tpu.memory_space<vmem>>) semaphore(%arg7 : memref<!tpu.dma_semaphore, #tpu.memory_space<semaphore_mem>>) {add = true}
    %dma_wait3A_69 = arith.constant 1 : i32
    %dma_wait3A_70 = arith.constant 0 : i32
    %dma_wait3A_71 = tpu.memref_slice %arg4[%dma_wait3A_69, %dma_wait3A_70] : memref<2x128xi32, #tpu.memory_space<vmem>> -> memref<1x128xi32, #tpu.memory_space<vmem>>
    %dma_wait3A_72 = tpu.memref_squeeze %dma_wait3A_71 : memref<1x128xi32, #tpu.memory_space<vmem>> -> memref<128xi32, #tpu.memory_space<vmem>>
    %dma_wait3A_73 = arith.constant 0 : i32
    %dma_wait3A_74 = arith.constant 0 : i32
    %dma_wait3A_75 = tpu.memref_slice %arg9[%dma_wait3A_73, %dma_wait3A_74] : memref<10000x16xf32, #tpu.memory_space<vmem_shared>> -> memref<10000x16xf32, #tpu.memory_space<vmem_shared>>
    tpu.wait_indirect_dma semaphore(%arg8 : memref<!tpu.dma_semaphore, #tpu.memory_space<semaphore_mem>>) src(%arg5 : memref<128x16xf32, #tpu.memory_space<vmem>>) dst(%dma_wait3A_75 : memref<10000x16xf32, #tpu.memory_space<vmem_shared>>)
    %dma_wait3A_76 = arith.constant 0 : i32
    %dma_wait3A_77 = arith.constant 0 : i32
    %dma_wait3A_78 = tpu.memref_slice %arg4[%dma_wait3A_76, %dma_wait3A_77] : memref<2x128xi32, #tpu.memory_space<vmem>> -> memref<1x128xi32, #tpu.memory_space<vmem>>
    %dma_wait3A_79 = tpu.memref_squeeze %dma_wait3A_78 : memref<1x128xi32, #tpu.memory_space<vmem>> -> memref<128xi32, #tpu.memory_space<vmem>>
    %dma_wait3A_80 = arith.constant 0 : i32
    %dma_wait3A_81 = arith.constant 0 : i32
    %dma_wait3A_82 = tpu.memref_slice %arg9[%dma_wait3A_80, %dma_wait3A_81] : memref<10000x16xf32, #tpu.memory_space<vmem_shared>> -> memref<10000x16xf32, #tpu.memory_space<vmem_shared>>
    tpu.wait_indirect_dma semaphore(%arg7 : memref<!tpu.dma_semaphore, #tpu.memory_space<semaphore_mem>>) src(%arg5 : memref<128x16xf32, #tpu.memory_space<vmem>>) dst(%dma_wait3A_82 : memref<10000x16xf32, #tpu.memory_space<vmem_shared>>)
    %lt3A = arith.constant 2 : i32
    %lt3A_83 = arith.cmpi slt, %add3A, %lt3A : i32
    %convert_element_type3A_84 = arith.extui %lt3A_83 : i1 to i32
    %cond3A_85 = arith.constant 0 : i32
    %cond3A_86 = arith.cmpi ne, %convert_element_type3A_84, %cond3A_85 : i32
    scf.if %cond3A_86 {
      %add3A_101 = arith.constant 1248 : i32
      %add3A_102 = arith.addi %add3A_101, %add3A : i32
      %mul3A_103 = arith.constant 128 : i32
      %mul3A_104 = arith.muli %add3A_102, %mul3A_103 : i32
      %run_scoped3A_105 = arith.constant 0 : i32
      "tpu.region"() ({
        %run_scoped3A_107 = tpu.sem_alloc : memref<!tpu.dma_semaphore, #tpu.memory_space<semaphore_mem>>
        %dma_start3A_108 = arith.constant 0 : i32
        %dma_start3A_109 = tpu.memref_slice %arg4[%run_scoped3A_105, %dma_start3A_108] : memref<2x128xi32, #tpu.memory_space<vmem>> -> memref<1x128xi32, #tpu.memory_space<vmem>>
        %dma_start3A_110 = tpu.memref_squeeze %dma_start3A_109 : memref<1x128xi32, #tpu.memory_space<vmem>> -> memref<128xi32, #tpu.memory_space<vmem>>
        %dma_start3A_111 = tpu.memref_slice %arg2[%mul3A_104] : memref<160000xi32, #tpu.memory_space<hbm>> -> memref<128xi32, #tpu.memory_space<hbm>>
        %dma_start3A_112 = arith.constant 0 : i32
        %dma_start3A_113 = tpu.memref_slice %arg4[%run_scoped3A_105, %dma_start3A_112] : memref<2x128xi32, #tpu.memory_space<vmem>> -> memref<1x128xi32, #tpu.memory_space<vmem>>
        %dma_start3A_114 = tpu.memref_squeeze %dma_start3A_113 : memref<1x128xi32, #tpu.memory_space<vmem>> -> memref<128xi32, #tpu.memory_space<vmem>>
        %dma_start3A_115 = tpu.memref_slice %arg2[%mul3A_104] : memref<160000xi32, #tpu.memory_space<hbm>> -> memref<128xi32, #tpu.memory_space<hbm>>
        tpu.enqueue_dma source(%dma_start3A_115 : memref<128xi32, #tpu.memory_space<hbm>>) target(%dma_start3A_114 : memref<128xi32, #tpu.memory_space<vmem>>) target_semaphore(%run_scoped3A_107 : memref<!tpu.dma_semaphore, #tpu.memory_space<semaphore_mem>>)
        %dma_wait3A_116 = arith.constant 0 : i32
        %dma_wait3A_117 = tpu.memref_slice %arg4[%run_scoped3A_105, %dma_wait3A_116] : memref<2x128xi32, #tpu.memory_space<vmem>> -> memref<1x128xi32, #tpu.memory_space<vmem>>
        %dma_wait3A_118 = tpu.memref_squeeze %dma_wait3A_117 : memref<1x128xi32, #tpu.memory_space<vmem>> -> memref<128xi32, #tpu.memory_space<vmem>>
        %dma_wait3A_119 = tpu.memref_slice %arg2[%mul3A_104] : memref<160000xi32, #tpu.memory_space<hbm>> -> memref<128xi32, #tpu.memory_space<hbm>>
        %dma_wait3A_120 = arith.constant 0 : i32
        %dma_wait3A_121 = tpu.memref_slice %arg4[%run_scoped3A_105, %dma_wait3A_120] : memref<2x128xi32, #tpu.memory_space<vmem>> -> memref<1x128xi32, #tpu.memory_space<vmem>>
        %dma_wait3A_122 = tpu.memref_squeeze %dma_wait3A_121 : memref<1x128xi32, #tpu.memory_space<vmem>> -> memref<128xi32, #tpu.memory_space<vmem>>
        %dma_wait3A_123 = tpu.memref_slice %arg2[%mul3A_104] : memref<160000xi32, #tpu.memory_space<hbm>> -> memref<128xi32, #tpu.memory_space<hbm>>
        tpu.wait_dma2 semaphore(%run_scoped3A_107 : memref<!tpu.dma_semaphore, #tpu.memory_space<semaphore_mem>>) src(%dma_wait3A_123 : memref<128xi32, #tpu.memory_space<hbm>>) dst(%dma_wait3A_122 : memref<128xi32, #tpu.memory_space<vmem>>)
        tpu.yield
      }) : () -> ()
      %run_scoped3A_106 = arith.constant 0 : i32
      "tpu.region"() ({
        %run_scoped3A_107 = tpu.sem_alloc : memref<!tpu.dma_semaphore, #tpu.memory_space<semaphore_mem>>
        %dma_start3A_108 = arith.constant 0 : i32
        %dma_start3A_109 = tpu.memref_slice %arg4[%run_scoped3A_106, %dma_start3A_108] : memref<2x128xi32, #tpu.memory_space<vmem>> -> memref<1x128xi32, #tpu.memory_space<vmem>>
        %dma_start3A_110 = tpu.memref_squeeze %dma_start3A_109 : memref<1x128xi32, #tpu.memory_space<vmem>> -> memref<128xi32, #tpu.memory_space<vmem>>
        %dma_start3A_111 = arith.constant 0 : i32
        %dma_start3A_112 = arith.constant 0 : i32
        %dma_start3A_113 = tpu.memref_slice %arg9[%dma_start3A_111, %dma_start3A_112] : memref<10000x16xf32, #tpu.memory_space<vmem_shared>> -> memref<10000x16xf32, #tpu.memory_space<vmem_shared>>
        tpu.enqueue_indirect_dma source(%arg5 : memref<128x16xf32, #tpu.memory_space<vmem>>) target(%dma_start3A_113 : memref<10000x16xf32, #tpu.memory_space<vmem_shared>>) offsets(%dma_start3A_110 : memref<128xi32, #tpu.memory_space<vmem>>) semaphore(%run_scoped3A_107 : memref<!tpu.dma_semaphore, #tpu.memory_space<semaphore_mem>>) {add = true}
        %dma_wait3A_114 = arith.constant 0 : i32
        %dma_wait3A_115 = tpu.memref_slice %arg4[%run_scoped3A_106, %dma_wait3A_114] : memref<2x128xi32, #tpu.memory_space<vmem>> -> memref<1x128xi32, #tpu.memory_space<vmem>>
        %dma_wait3A_116 = tpu.memref_squeeze %dma_wait3A_115 : memref<1x128xi32, #tpu.memory_space<vmem>> -> memref<128xi32, #tpu.memory_space<vmem>>
        %dma_wait3A_117 = arith.constant 0 : i32
        %dma_wait3A_118 = arith.constant 0 : i32
        %dma_wait3A_119 = tpu.memref_slice %arg9[%dma_wait3A_117, %dma_wait3A_118] : memref<10000x16xf32, #tpu.memory_space<vmem_shared>> -> memref<10000x16xf32, #tpu.memory_space<vmem_shared>>
        tpu.wait_indirect_dma semaphore(%run_scoped3A_107 : memref<!tpu.dma_semaphore, #tpu.memory_space<semaphore_mem>>) src(%arg5 : memref<128x16xf32, #tpu.memory_space<vmem>>) dst(%dma_wait3A_119 : memref<10000x16xf32, #tpu.memory_space<vmem_shared>>)
        tpu.yield
      }) : () -> ()
    } else {
    }
    %barrier3A_87 = arith.constant 0 : index
    tpu.barrier barrier_id(%barrier3A_87)
    %mul3A_88 = arith.constant 624 : i32
    %mul3A_89 = arith.muli %arg1, %mul3A_88 : i32
    %add3A_90 = arith.constant 0 : i32
    %add3A_91 = arith.addi %mul3A_89, %add3A_90 : i32
    "tpu.region"() ({
      %run_scoped3A_101 = tpu.sem_alloc : memref<!tpu.dma_semaphore, #tpu.memory_space<semaphore_mem>>
      %dma_start3A_102 = arith.constant 0 : i32
      %dma_start3A_103 = arith.constant 0 : i32
      %dma_start3A_104 = tpu.memref_slice %arg6[%dma_start3A_102, %dma_start3A_103] : memref<208x16xf32, #tpu.memory_space<vmem>> -> memref<208x16xf32, #tpu.memory_space<vmem>>
      %dma_start3A_105 = arith.constant 0 : i32
      %dma_start3A_106 = tpu.memref_slice %arg9[%add3A_91, %dma_start3A_105] : memref<10000x16xf32, #tpu.memory_space<vmem_shared>> -> memref<208x16xf32, #tpu.memory_space<vmem_shared>>
      %dma_start3A_107 = arith.constant 0 : i32
      %dma_start3A_108 = arith.constant 0 : i32
      %dma_start3A_109 = tpu.memref_slice %arg6[%dma_start3A_107, %dma_start3A_108] : memref<208x16xf32, #tpu.memory_space<vmem>> -> memref<208x16xf32, #tpu.memory_space<vmem>>
      %dma_start3A_110 = arith.constant 0 : i32
      %dma_start3A_111 = tpu.memref_slice %arg9[%add3A_91, %dma_start3A_110] : memref<10000x16xf32, #tpu.memory_space<vmem_shared>> -> memref<208x16xf32, #tpu.memory_space<vmem_shared>>
      tpu.enqueue_dma source(%dma_start3A_111 : memref<208x16xf32, #tpu.memory_space<vmem_shared>>) target(%dma_start3A_109 : memref<208x16xf32, #tpu.memory_space<vmem>>) target_semaphore(%run_scoped3A_101 : memref<!tpu.dma_semaphore, #tpu.memory_space<semaphore_mem>>)
      %dma_wait3A_112 = arith.constant 0 : i32
      %dma_wait3A_113 = arith.constant 0 : i32
      %dma_wait3A_114 = tpu.memref_slice %arg6[%dma_wait3A_112, %dma_wait3A_113] : memref<208x16xf32, #tpu.memory_space<vmem>> -> memref<208x16xf32, #tpu.memory_space<vmem>>
      %dma_wait3A_115 = arith.constant 0 : i32
      %dma_wait3A_116 = tpu.memref_slice %arg9[%add3A_91, %dma_wait3A_115] : memref<10000x16xf32, #tpu.memory_space<vmem_shared>> -> memref<208x16xf32, #tpu.memory_space<vmem_shared>>
      %dma_wait3A_117 = arith.constant 0 : i32
      %dma_wait3A_118 = arith.constant 0 : i32
      %dma_wait3A_119 = tpu.memref_slice %arg6[%dma_wait3A_117, %dma_wait3A_118] : memref<208x16xf32, #tpu.memory_space<vmem>> -> memref<208x16xf32, #tpu.memory_space<vmem>>
      %dma_wait3A_120 = arith.constant 0 : i32
      %dma_wait3A_121 = tpu.memref_slice %arg9[%add3A_91, %dma_wait3A_120] : memref<10000x16xf32, #tpu.memory_space<vmem_shared>> -> memref<208x16xf32, #tpu.memory_space<vmem_shared>>
      tpu.wait_dma2 semaphore(%run_scoped3A_101 : memref<!tpu.dma_semaphore, #tpu.memory_space<semaphore_mem>>) src(%dma_wait3A_121 : memref<208x16xf32, #tpu.memory_space<vmem_shared>>) dst(%dma_wait3A_119 : memref<208x16xf32, #tpu.memory_space<vmem>>)
      tpu.yield
    }) : () -> ()
    "tpu.region"() ({
      %run_scoped3A_101 = tpu.sem_alloc : memref<!tpu.dma_semaphore, #tpu.memory_space<semaphore_mem>>
      %dma_start3A_102 = arith.constant 0 : i32
      %dma_start3A_103 = arith.constant 0 : i32
      %dma_start3A_104 = tpu.memref_slice %arg6[%dma_start3A_102, %dma_start3A_103] : memref<208x16xf32, #tpu.memory_space<vmem>> -> memref<208x16xf32, #tpu.memory_space<vmem>>
      %dma_start3A_105 = arith.constant 0 : i32
      %dma_start3A_106 = tpu.memref_slice %arg3[%arg0, %add3A_91, %dma_start3A_105] : memref<2x10000x16xf32, #tpu.memory_space<hbm>> -> memref<1x208x16xf32, #tpu.memory_space<hbm>>
      %dma_start3A_107 = tpu.memref_squeeze %dma_start3A_106 : memref<1x208x16xf32, #tpu.memory_space<hbm>> -> memref<208x16xf32, #tpu.memory_space<hbm>>
      %dma_start3A_108 = arith.constant 0 : i32
      %dma_start3A_109 = tpu.memref_slice %arg3[%arg0, %add3A_91, %dma_start3A_108] : memref<2x10000x16xf32, #tpu.memory_space<hbm>> -> memref<1x208x16xf32, #tpu.memory_space<hbm>>
      %dma_start3A_110 = tpu.memref_squeeze %dma_start3A_109 : memref<1x208x16xf32, #tpu.memory_space<hbm>> -> memref<208x16xf32, #tpu.memory_space<hbm>>
      %dma_start3A_111 = arith.constant 0 : i32
      %dma_start3A_112 = arith.constant 0 : i32
      %dma_start3A_113 = tpu.memref_slice %arg6[%dma_start3A_111, %dma_start3A_112] : memref<208x16xf32, #tpu.memory_space<vmem>> -> memref<208x16xf32, #tpu.memory_space<vmem>>
      tpu.enqueue_dma source(%dma_start3A_113 : memref<208x16xf32, #tpu.memory_space<vmem>>) target(%dma_start3A_110 : memref<208x16xf32, #tpu.memory_space<hbm>>) target_semaphore(%run_scoped3A_101 : memref<!tpu.dma_semaphore, #tpu.memory_space<semaphore_mem>>)
      %dma_wait3A_114 = arith.constant 0 : i32
      %dma_wait3A_115 = arith.constant 0 : i32
      %dma_wait3A_116 = tpu.memref_slice %arg6[%dma_wait3A_114, %dma_wait3A_115] : memref<208x16xf32, #tpu.memory_space<vmem>> -> memref<208x16xf32, #tpu.memory_space<vmem>>
      %dma_wait3A_117 = arith.constant 0 : i32
      %dma_wait3A_118 = tpu.memref_slice %arg3[%arg0, %add3A_91, %dma_wait3A_117] : memref<2x10000x16xf32, #tpu.memory_space<hbm>> -> memref<1x208x16xf32, #tpu.memory_space<hbm>>
      %dma_wait3A_119 = tpu.memref_squeeze %dma_wait3A_118 : memref<1x208x16xf32, #tpu.memory_space<hbm>> -> memref<208x16xf32, #tpu.memory_space<hbm>>
      %dma_wait3A_120 = arith.constant 0 : i32
      %dma_wait3A_121 = tpu.memref_slice %arg3[%arg0, %add3A_91, %dma_wait3A_120] : memref<2x10000x16xf32, #tpu.memory_space<hbm>> -> memref<1x208x16xf32, #tpu.memory_space<hbm>>
      %dma_wait3A_122 = tpu.memref_squeeze %dma_wait3A_121 : memref<1x208x16xf32, #tpu.memory_space<hbm>> -> memref<208x16xf32, #tpu.memory_space<hbm>>
      %dma_wait3A_123 = arith.constant 0 : i32
      %dma_wait3A_124 = arith.constant 0 : i32
      %dma_wait3A_125 = tpu.memref_slice %arg6[%dma_wait3A_123, %dma_wait3A_124] : memref<208x16xf32, #tpu.memory_space<vmem>> -> memref<208x16xf32, #tpu.memory_space<vmem>>
      tpu.wait_dma2 semaphore(%run_scoped3A_101 : memref<!tpu.dma_semaphore, #tpu.memory_space<semaphore_mem>>) src(%dma_wait3A_125 : memref<208x16xf32, #tpu.memory_space<vmem>>) dst(%dma_wait3A_122 : memref<208x16xf32, #tpu.memory_space<hbm>>)
      tpu.yield
    }) : () -> ()
    %add3A_92 = arith.constant 208 : i32
    %add3A_93 = arith.addi %mul3A_89, %add3A_92 : i32
    "tpu.region"() ({
      %run_scoped3A_101 = tpu.sem_alloc : memref<!tpu.dma_semaphore, #tpu.memory_space<semaphore_mem>>
      %dma_start3A_102 = arith.constant 0 : i32
      %dma_start3A_103 = arith.constant 0 : i32
      %dma_start3A_104 = tpu.memref_slice %arg6[%dma_start3A_102, %dma_start3A_103] : memref<208x16xf32, #tpu.memory_space<vmem>> -> memref<208x16xf32, #tpu.memory_space<vmem>>
      %dma_start3A_105 = arith.constant 0 : i32
      %dma_start3A_106 = tpu.memref_slice %arg9[%add3A_93, %dma_start3A_105] : memref<10000x16xf32, #tpu.memory_space<vmem_shared>> -> memref<208x16xf32, #tpu.memory_space<vmem_shared>>
      %dma_start3A_107 = arith.constant 0 : i32
      %dma_start3A_108 = arith.constant 0 : i32
      %dma_start3A_109 = tpu.memref_slice %arg6[%dma_start3A_107, %dma_start3A_108] : memref<208x16xf32, #tpu.memory_space<vmem>> -> memref<208x16xf32, #tpu.memory_space<vmem>>
      %dma_start3A_110 = arith.constant 0 : i32
      %dma_start3A_111 = tpu.memref_slice %arg9[%add3A_93, %dma_start3A_110] : memref<10000x16xf32, #tpu.memory_space<vmem_shared>> -> memref<208x16xf32, #tpu.memory_space<vmem_shared>>
      tpu.enqueue_dma source(%dma_start3A_111 : memref<208x16xf32, #tpu.memory_space<vmem_shared>>) target(%dma_start3A_109 : memref<208x16xf32, #tpu.memory_space<vmem>>) target_semaphore(%run_scoped3A_101 : memref<!tpu.dma_semaphore, #tpu.memory_space<semaphore_mem>>)
      %dma_wait3A_112 = arith.constant 0 : i32
      %dma_wait3A_113 = arith.constant 0 : i32
      %dma_wait3A_114 = tpu.memref_slice %arg6[%dma_wait3A_112, %dma_wait3A_113] : memref<208x16xf32, #tpu.memory_space<vmem>> -> memref<208x16xf32, #tpu.memory_space<vmem>>
      %dma_wait3A_115 = arith.constant 0 : i32
      %dma_wait3A_116 = tpu.memref_slice %arg9[%add3A_93, %dma_wait3A_115] : memref<10000x16xf32, #tpu.memory_space<vmem_shared>> -> memref<208x16xf32, #tpu.memory_space<vmem_shared>>
      %dma_wait3A_117 = arith.constant 0 : i32
      %dma_wait3A_118 = arith.constant 0 : i32
      %dma_wait3A_119 = tpu.memref_slice %arg6[%dma_wait3A_117, %dma_wait3A_118] : memref<208x16xf32, #tpu.memory_space<vmem>> -> memref<208x16xf32, #tpu.memory_space<vmem>>
      %dma_wait3A_120 = arith.constant 0 : i32
      %dma_wait3A_121 = tpu.memref_slice %arg9[%add3A_93, %dma_wait3A_120] : memref<10000x16xf32, #tpu.memory_space<vmem_shared>> -> memref<208x16xf32, #tpu.memory_space<vmem_shared>>
      tpu.wait_dma2 semaphore(%run_scoped3A_101 : memref<!tpu.dma_semaphore, #tpu.memory_space<semaphore_mem>>) src(%dma_wait3A_121 : memref<208x16xf32, #tpu.memory_space<vmem_shared>>) dst(%dma_wait3A_119 : memref<208x16xf32, #tpu.memory_space<vmem>>)
      tpu.yield
    }) : () -> ()
    "tpu.region"() ({
      %run_scoped3A_101 = tpu.sem_alloc : memref<!tpu.dma_semaphore, #tpu.memory_space<semaphore_mem>>
      %dma_start3A_102 = arith.constant 0 : i32
      %dma_start3A_103 = arith.constant 0 : i32
      %dma_start3A_104 = tpu.memref_slice %arg6[%dma_start3A_102, %dma_start3A_103] : memref<208x16xf32, #tpu.memory_space<vmem>> -> memref<208x16xf32, #tpu.memory_space<vmem>>
      %dma_start3A_105 = arith.constant 0 : i32
      %dma_start3A_106 = tpu.memref_slice %arg3[%arg0, %add3A_93, %dma_start3A_105] : memref<2x10000x16xf32, #tpu.memory_space<hbm>> -> memref<1x208x16xf32, #tpu.memory_space<hbm>>
      %dma_start3A_107 = tpu.memref_squeeze %dma_start3A_106 : memref<1x208x16xf32, #tpu.memory_space<hbm>> -> memref<208x16xf32, #tpu.memory_space<hbm>>
      %dma_start3A_108 = arith.constant 0 : i32
      %dma_start3A_109 = tpu.memref_slice %arg3[%arg0, %add3A_93, %dma_start3A_108] : memref<2x10000x16xf32, #tpu.memory_space<hbm>> -> memref<1x208x16xf32, #tpu.memory_space<hbm>>
      %dma_start3A_110 = tpu.memref_squeeze %dma_start3A_109 : memref<1x208x16xf32, #tpu.memory_space<hbm>> -> memref<208x16xf32, #tpu.memory_space<hbm>>
      %dma_start3A_111 = arith.constant 0 : i32
      %dma_start3A_112 = arith.constant 0 : i32
      %dma_start3A_113 = tpu.memref_slice %arg6[%dma_start3A_111, %dma_start3A_112] : memref<208x16xf32, #tpu.memory_space<vmem>> -> memref<208x16xf32, #tpu.memory_space<vmem>>
      tpu.enqueue_dma source(%dma_start3A_113 : memref<208x16xf32, #tpu.memory_space<vmem>>) target(%dma_start3A_110 : memref<208x16xf32, #tpu.memory_space<hbm>>) target_semaphore(%run_scoped3A_101 : memref<!tpu.dma_semaphore, #tpu.memory_space<semaphore_mem>>)
      %dma_wait3A_114 = arith.constant 0 : i32
      %dma_wait3A_115 = arith.constant 0 : i32
      %dma_wait3A_116 = tpu.memref_slice %arg6[%dma_wait3A_114, %dma_wait3A_115] : memref<208x16xf32, #tpu.memory_space<vmem>> -> memref<208x16xf32, #tpu.memory_space<vmem>>
      %dma_wait3A_117 = arith.constant 0 : i32
      %dma_wait3A_118 = tpu.memref_slice %arg3[%arg0, %add3A_93, %dma_wait3A_117] : memref<2x10000x16xf32, #tpu.memory_space<hbm>> -> memref<1x208x16xf32, #tpu.memory_space<hbm>>
      %dma_wait3A_119 = tpu.memref_squeeze %dma_wait3A_118 : memref<1x208x16xf32, #tpu.memory_space<hbm>> -> memref<208x16xf32, #tpu.memory_space<hbm>>
      %dma_wait3A_120 = arith.constant 0 : i32
      %dma_wait3A_121 = tpu.memref_slice %arg3[%arg0, %add3A_93, %dma_wait3A_120] : memref<2x10000x16xf32, #tpu.memory_space<hbm>> -> memref<1x208x16xf32, #tpu.memory_space<hbm>>
      %dma_wait3A_122 = tpu.memref_squeeze %dma_wait3A_121 : memref<1x208x16xf32, #tpu.memory_space<hbm>> -> memref<208x16xf32, #tpu.memory_space<hbm>>
      %dma_wait3A_123 = arith.constant 0 : i32
      %dma_wait3A_124 = arith.constant 0 : i32
      %dma_wait3A_125 = tpu.memref_slice %arg6[%dma_wait3A_123, %dma_wait3A_124] : memref<208x16xf32, #tpu.memory_space<vmem>> -> memref<208x16xf32, #tpu.memory_space<vmem>>
      tpu.wait_dma2 semaphore(%run_scoped3A_101 : memref<!tpu.dma_semaphore, #tpu.memory_space<semaphore_mem>>) src(%dma_wait3A_125 : memref<208x16xf32, #tpu.memory_space<vmem>>) dst(%dma_wait3A_122 : memref<208x16xf32, #tpu.memory_space<hbm>>)
      tpu.yield
    }) : () -> ()
    %add3A_94 = arith.constant 416 : i32
    %add3A_95 = arith.addi %mul3A_89, %add3A_94 : i32
    "tpu.region"() ({
      %run_scoped3A_101 = tpu.sem_alloc : memref<!tpu.dma_semaphore, #tpu.memory_space<semaphore_mem>>
      %dma_start3A_102 = arith.constant 0 : i32
      %dma_start3A_103 = arith.constant 0 : i32
      %dma_start3A_104 = tpu.memref_slice %arg6[%dma_start3A_102, %dma_start3A_103] : memref<208x16xf32, #tpu.memory_space<vmem>> -> memref<208x16xf32, #tpu.memory_space<vmem>>
      %dma_start3A_105 = arith.constant 0 : i32
      %dma_start3A_106 = tpu.memref_slice %arg9[%add3A_95, %dma_start3A_105] : memref<10000x16xf32, #tpu.memory_space<vmem_shared>> -> memref<208x16xf32, #tpu.memory_space<vmem_shared>>
      %dma_start3A_107 = arith.constant 0 : i32
      %dma_start3A_108 = arith.constant 0 : i32
      %dma_start3A_109 = tpu.memref_slice %arg6[%dma_start3A_107, %dma_start3A_108] : memref<208x16xf32, #tpu.memory_space<vmem>> -> memref<208x16xf32, #tpu.memory_space<vmem>>
      %dma_start3A_110 = arith.constant 0 : i32
      %dma_start3A_111 = tpu.memref_slice %arg9[%add3A_95, %dma_start3A_110] : memref<10000x16xf32, #tpu.memory_space<vmem_shared>> -> memref<208x16xf32, #tpu.memory_space<vmem_shared>>
      tpu.enqueue_dma source(%dma_start3A_111 : memref<208x16xf32, #tpu.memory_space<vmem_shared>>) target(%dma_start3A_109 : memref<208x16xf32, #tpu.memory_space<vmem>>) target_semaphore(%run_scoped3A_101 : memref<!tpu.dma_semaphore, #tpu.memory_space<semaphore_mem>>)
      %dma_wait3A_112 = arith.constant 0 : i32
      %dma_wait3A_113 = arith.constant 0 : i32
      %dma_wait3A_114 = tpu.memref_slice %arg6[%dma_wait3A_112, %dma_wait3A_113] : memref<208x16xf32, #tpu.memory_space<vmem>> -> memref<208x16xf32, #tpu.memory_space<vmem>>
      %dma_wait3A_115 = arith.constant 0 : i32
      %dma_wait3A_116 = tpu.memref_slice %arg9[%add3A_95, %dma_wait3A_115] : memref<10000x16xf32, #tpu.memory_space<vmem_shared>> -> memref<208x16xf32, #tpu.memory_space<vmem_shared>>
      %dma_wait3A_117 = arith.constant 0 : i32
      %dma_wait3A_118 = arith.constant 0 : i32
      %dma_wait3A_119 = tpu.memref_slice %arg6[%dma_wait3A_117, %dma_wait3A_118] : memref<208x16xf32, #tpu.memory_space<vmem>> -> memref<208x16xf32, #tpu.memory_space<vmem>>
      %dma_wait3A_120 = arith.constant 0 : i32
      %dma_wait3A_121 = tpu.memref_slice %arg9[%add3A_95, %dma_wait3A_120] : memref<10000x16xf32, #tpu.memory_space<vmem_shared>> -> memref<208x16xf32, #tpu.memory_space<vmem_shared>>
      tpu.wait_dma2 semaphore(%run_scoped3A_101 : memref<!tpu.dma_semaphore, #tpu.memory_space<semaphore_mem>>) src(%dma_wait3A_121 : memref<208x16xf32, #tpu.memory_space<vmem_shared>>) dst(%dma_wait3A_119 : memref<208x16xf32, #tpu.memory_space<vmem>>)
      tpu.yield
    }) : () -> ()
    "tpu.region"() ({
      %run_scoped3A_101 = tpu.sem_alloc : memref<!tpu.dma_semaphore, #tpu.memory_space<semaphore_mem>>
      %dma_start3A_102 = arith.constant 0 : i32
      %dma_start3A_103 = arith.constant 0 : i32
      %dma_start3A_104 = tpu.memref_slice %arg6[%dma_start3A_102, %dma_start3A_103] : memref<208x16xf32, #tpu.memory_space<vmem>> -> memref<208x16xf32, #tpu.memory_space<vmem>>
      %dma_start3A_105 = arith.constant 0 : i32
      %dma_start3A_106 = tpu.memref_slice %arg3[%arg0, %add3A_95, %dma_start3A_105] : memref<2x10000x16xf32, #tpu.memory_space<hbm>> -> memref<1x208x16xf32, #tpu.memory_space<hbm>>
      %dma_start3A_107 = tpu.memref_squeeze %dma_start3A_106 : memref<1x208x16xf32, #tpu.memory_space<hbm>> -> memref<208x16xf32, #tpu.memory_space<hbm>>
      %dma_start3A_108 = arith.constant 0 : i32
      %dma_start3A_109 = tpu.memref_slice %arg3[%arg0, %add3A_95, %dma_start3A_108] : memref<2x10000x16xf32, #tpu.memory_space<hbm>> -> memref<1x208x16xf32, #tpu.memory_space<hbm>>
      %dma_start3A_110 = tpu.memref_squeeze %dma_start3A_109 : memref<1x208x16xf32, #tpu.memory_space<hbm>> -> memref<208x16xf32, #tpu.memory_space<hbm>>
      %dma_start3A_111 = arith.constant 0 : i32
      %dma_start3A_112 = arith.constant 0 : i32
      %dma_start3A_113 = tpu.memref_slice %arg6[%dma_start3A_111, %dma_start3A_112] : memref<208x16xf32, #tpu.memory_space<vmem>> -> memref<208x16xf32, #tpu.memory_space<vmem>>
      tpu.enqueue_dma source(%dma_start3A_113 : memref<208x16xf32, #tpu.memory_space<vmem>>) target(%dma_start3A_110 : memref<208x16xf32, #tpu.memory_space<hbm>>) target_semaphore(%run_scoped3A_101 : memref<!tpu.dma_semaphore, #tpu.memory_space<semaphore_mem>>)
      %dma_wait3A_114 = arith.constant 0 : i32
      %dma_wait3A_115 = arith.constant 0 : i32
      %dma_wait3A_116 = tpu.memref_slice %arg6[%dma_wait3A_114, %dma_wait3A_115] : memref<208x16xf32, #tpu.memory_space<vmem>> -> memref<208x16xf32, #tpu.memory_space<vmem>>
      %dma_wait3A_117 = arith.constant 0 : i32
      %dma_wait3A_118 = tpu.memref_slice %arg3[%arg0, %add3A_95, %dma_wait3A_117] : memref<2x10000x16xf32, #tpu.memory_space<hbm>> -> memref<1x208x16xf32, #tpu.memory_space<hbm>>
      %dma_wait3A_119 = tpu.memref_squeeze %dma_wait3A_118 : memref<1x208x16xf32, #tpu.memory_space<hbm>> -> memref<208x16xf32, #tpu.memory_space<hbm>>
      %dma_wait3A_120 = arith.constant 0 : i32
      %dma_wait3A_121 = tpu.memref_slice %arg3[%arg0, %add3A_95, %dma_wait3A_120] : memref<2x10000x16xf32, #tpu.memory_space<hbm>> -> memref<1x208x16xf32, #tpu.memory_space<hbm>>
      %dma_wait3A_122 = tpu.memref_squeeze %dma_wait3A_121 : memref<1x208x16xf32, #tpu.memory_space<hbm>> -> memref<208x16xf32, #tpu.memory_space<hbm>>
      %dma_wait3A_123 = arith.constant 0 : i32
      %dma_wait3A_124 = arith.constant 0 : i32
      %dma_wait3A_125 = tpu.memref_slice %arg6[%dma_wait3A_123, %dma_wait3A_124] : memref<208x16xf32, #tpu.memory_space<vmem>> -> memref<208x16xf32, #tpu.memory_space<vmem>>
      tpu.wait_dma2 semaphore(%run_scoped3A_101 : memref<!tpu.dma_semaphore, #tpu.memory_space<semaphore_mem>>) src(%dma_wait3A_125 : memref<208x16xf32, #tpu.memory_space<vmem>>) dst(%dma_wait3A_122 : memref<208x16xf32, #tpu.memory_space<hbm>>)
      tpu.yield
    }) : () -> ()
    %eq3A_96 = arith.constant 15 : i32
    %eq3A_97 = arith.cmpi eq, %arg1, %eq3A_96 : i32
    %convert_element_type3A_98 = arith.extui %eq3A_97 : i1 to i32
    %cond3A_99 = arith.constant 0 : i32
    %cond3A_100 = arith.cmpi ne, %convert_element_type3A_98, %cond3A_99 : i32
    scf.if %cond3A_100 {
      "tpu.region"() ({
        %run_scoped3A_101 = tpu.sem_alloc : memref<!tpu.dma_semaphore, #tpu.memory_space<semaphore_mem>>
        %dma_start3A_102 = arith.constant 0 : i32
        %dma_start3A_103 = arith.constant 0 : i32
        %dma_start3A_104 = tpu.memref_slice %arg6[%dma_start3A_102, %dma_start3A_103] : memref<208x16xf32, #tpu.memory_space<vmem>> -> memref<16x16xf32, #tpu.memory_space<vmem>>
        %dma_start3A_105 = arith.constant 9984 : i32
        %dma_start3A_106 = arith.constant 0 : i32
        %dma_start3A_107 = tpu.memref_slice %arg9[%dma_start3A_105, %dma_start3A_106] : memref<10000x16xf32, #tpu.memory_space<vmem_shared>> -> memref<16x16xf32, #tpu.memory_space<vmem_shared>>
        %dma_start3A_108 = arith.constant 0 : i32
        %dma_start3A_109 = arith.constant 0 : i32
        %dma_start3A_110 = tpu.memref_slice %arg6[%dma_start3A_108, %dma_start3A_109] : memref<208x16xf32, #tpu.memory_space<vmem>> -> memref<16x16xf32, #tpu.memory_space<vmem>>
        %dma_start3A_111 = arith.constant 9984 : i32
        %dma_start3A_112 = arith.constant 0 : i32
        %dma_start3A_113 = tpu.memref_slice %arg9[%dma_start3A_111, %dma_start3A_112] : memref<10000x16xf32, #tpu.memory_space<vmem_shared>> -> memref<16x16xf32, #tpu.memory_space<vmem_shared>>
        tpu.enqueue_dma source(%dma_start3A_113 : memref<16x16xf32, #tpu.memory_space<vmem_shared>>) target(%dma_start3A_110 : memref<16x16xf32, #tpu.memory_space<vmem>>) target_semaphore(%run_scoped3A_101 : memref<!tpu.dma_semaphore, #tpu.memory_space<semaphore_mem>>)
        %dma_wait3A_114 = arith.constant 0 : i32
        %dma_wait3A_115 = arith.constant 0 : i32
        %dma_wait3A_116 = tpu.memref_slice %arg6[%dma_wait3A_114, %dma_wait3A_115] : memref<208x16xf32, #tpu.memory_space<vmem>> -> memref<16x16xf32, #tpu.memory_space<vmem>>
        %dma_wait3A_117 = arith.constant 9984 : i32
        %dma_wait3A_118 = arith.constant 0 : i32
        %dma_wait3A_119 = tpu.memref_slice %arg9[%dma_wait3A_117, %dma_wait3A_118] : memref<10000x16xf32, #tpu.memory_space<vmem_shared>> -> memref<16x16xf32, #tpu.memory_space<vmem_shared>>
        %dma_wait3A_120 = arith.constant 0 : i32
        %dma_wait3A_121 = arith.constant 0 : i32
        %dma_wait3A_122 = tpu.memref_slice %arg6[%dma_wait3A_120, %dma_wait3A_121] : memref<208x16xf32, #tpu.memory_space<vmem>> -> memref<16x16xf32, #tpu.memory_space<vmem>>
        %dma_wait3A_123 = arith.constant 9984 : i32
        %dma_wait3A_124 = arith.constant 0 : i32
        %dma_wait3A_125 = tpu.memref_slice %arg9[%dma_wait3A_123, %dma_wait3A_124] : memref<10000x16xf32, #tpu.memory_space<vmem_shared>> -> memref<16x16xf32, #tpu.memory_space<vmem_shared>>
        tpu.wait_dma2 semaphore(%run_scoped3A_101 : memref<!tpu.dma_semaphore, #tpu.memory_space<semaphore_mem>>) src(%dma_wait3A_125 : memref<16x16xf32, #tpu.memory_space<vmem_shared>>) dst(%dma_wait3A_122 : memref<16x16xf32, #tpu.memory_space<vmem>>)
        tpu.yield
      }) : () -> ()
      "tpu.region"() ({
        %run_scoped3A_101 = tpu.sem_alloc : memref<!tpu.dma_semaphore, #tpu.memory_space<semaphore_mem>>
        %dma_start3A_102 = arith.constant 0 : i32
        %dma_start3A_103 = arith.constant 0 : i32
        %dma_start3A_104 = tpu.memref_slice %arg6[%dma_start3A_102, %dma_start3A_103] : memref<208x16xf32, #tpu.memory_space<vmem>> -> memref<16x16xf32, #tpu.memory_space<vmem>>
        %dma_start3A_105 = arith.constant 9984 : i32
        %dma_start3A_106 = arith.constant 0 : i32
        %dma_start3A_107 = tpu.memref_slice %arg3[%arg0, %dma_start3A_105, %dma_start3A_106] : memref<2x10000x16xf32, #tpu.memory_space<hbm>> -> memref<1x16x16xf32, #tpu.memory_space<hbm>>
        %dma_start3A_108 = tpu.memref_squeeze %dma_start3A_107 : memref<1x16x16xf32, #tpu.memory_space<hbm>> -> memref<16x16xf32, #tpu.memory_space<hbm>>
        %dma_start3A_109 = arith.constant 9984 : i32
        %dma_start3A_110 = arith.constant 0 : i32
        %dma_start3A_111 = tpu.memref_slice %arg3[%arg0, %dma_start3A_109, %dma_start3A_110] : memref<2x10000x16xf32, #tpu.memory_space<hbm>> -> memref<1x16x16xf32, #tpu.memory_space<hbm>>
        %dma_start3A_112 = tpu.memref_squeeze %dma_start3A_111 : memref<1x16x16xf32, #tpu.memory_space<hbm>> -> memref<16x16xf32, #tpu.memory_space<hbm>>
        %dma_start3A_113 = arith.constant 0 : i32
        %dma_start3A_114 = arith.constant 0 : i32
        %dma_start3A_115 = tpu.memref_slice %arg6[%dma_start3A_113, %dma_start3A_114] : memref<208x16xf32, #tpu.memory_space<vmem>> -> memref<16x16xf32, #tpu.memory_space<vmem>>
        tpu.enqueue_dma source(%dma_start3A_115 : memref<16x16xf32, #tpu.memory_space<vmem>>) target(%dma_start3A_112 : memref<16x16xf32, #tpu.memory_space<hbm>>) target_semaphore(%run_scoped3A_101 : memref<!tpu.dma_semaphore, #tpu.memory_space<semaphore_mem>>)
        %dma_wait3A_116 = arith.constant 0 : i32
        %dma_wait3A_117 = arith.constant 0 : i32
        %dma_wait3A_118 = tpu.memref_slice %arg6[%dma_wait3A_116, %dma_wait3A_117] : memref<208x16xf32, #tpu.memory_space<vmem>> -> memref<16x16xf32, #tpu.memory_space<vmem>>
        %dma_wait3A_119 = arith.constant 9984 : i32
        %dma_wait3A_120 = arith.constant 0 : i32
        %dma_wait3A_121 = tpu.memref_slice %arg3[%arg0, %dma_wait3A_119, %dma_wait3A_120] : memref<2x10000x16xf32, #tpu.memory_space<hbm>> -> memref<1x16x16xf32, #tpu.memory_space<hbm>>
        %dma_wait3A_122 = tpu.memref_squeeze %dma_wait3A_121 : memref<1x16x16xf32, #tpu.memory_space<hbm>> -> memref<16x16xf32, #tpu.memory_space<hbm>>
        %dma_wait3A_123 = arith.constant 9984 : i32
        %dma_wait3A_124 = arith.constant 0 : i32
        %dma_wait3A_125 = tpu.memref_slice %arg3[%arg0, %dma_wait3A_123, %dma_wait3A_124] : memref<2x10000x16xf32, #tpu.memory_space<hbm>> -> memref<1x16x16xf32, #tpu.memory_space<hbm>>
        %dma_wait3A_126 = tpu.memref_squeeze %dma_wait3A_125 : memref<1x16x16xf32, #tpu.memory_space<hbm>> -> memref<16x16xf32, #tpu.memory_space<hbm>>
        %dma_wait3A_127 = arith.constant 0 : i32
        %dma_wait3A_128 = arith.constant 0 : i32
        %dma_wait3A_129 = tpu.memref_slice %arg6[%dma_wait3A_127, %dma_wait3A_128] : memref<208x16xf32, #tpu.memory_space<vmem>> -> memref<16x16xf32, #tpu.memory_space<vmem>>
        tpu.wait_dma2 semaphore(%run_scoped3A_101 : memref<!tpu.dma_semaphore, #tpu.memory_space<semaphore_mem>>) src(%dma_wait3A_129 : memref<16x16xf32, #tpu.memory_space<vmem>>) dst(%dma_wait3A_126 : memref<16x16xf32, #tpu.memory_space<hbm>>)
        tpu.yield
      }) : () -> ()
    } else {
    }
    return
  }
}

#map = affine_map<(d0, d1) -> (0, 0)>
#map1 = affine_map<(d0, d1) -> (0)>
#map2 = affine_map<(d0, d1) -> (0, 0, 0)>
module attributes {stable_mosaic.version = 14 : i64} {
  func.func @_agg_body(%arg0: i32, %arg1: i32, %arg2: memref<20000x128xf32, #tpu.memory_space<hbm>>, %arg3: memref<160000xi32, #tpu.memory_space<hbm>>, %arg4: memref<160000xi32, #tpu.memory_space<hbm>>, %arg5: memref<2x10000x128xf32, #tpu.memory_space<hbm>>, %arg6: memref<2x80xi32, #tpu.memory_space<vmem>>, %arg7: memref<2x80xi32, #tpu.memory_space<vmem>>, %arg8: memref<2x80x128xf32, #tpu.memory_space<vmem>>, %arg9: memref<208x128xf32, #tpu.memory_space<vmem>>, %arg10: memref<!tpu.dma_semaphore, #tpu.memory_space<semaphore_mem>>, %arg11: memref<!tpu.dma_semaphore, #tpu.memory_space<semaphore_mem>>, %arg12: memref<!tpu.dma_semaphore, #tpu.memory_space<semaphore_mem>>, %arg13: memref<!tpu.dma_semaphore, #tpu.memory_space<semaphore_mem>>, %arg14: memref<10000x128xf32, #tpu.memory_space<vmem_shared>>) attributes {dimension_semantics = [#tpu.dimension_semantics<core_parallel>, #tpu.dimension_semantics<subcore_parallel>], iteration_bounds = array<i64: 2, 16>, scalar_prefetch = 0 : i64, scratch_operands = 9 : i64, tpu.core_type = #tpu.core_type<sc_vector_subcore>, window_params = [{transform_indices = #map}, {transform_indices = #map1}, {transform_indices = #map1}, {transform_indices = #map2}]} {
    %mul3A = arith.constant 10000 : i32
    %mul3A_0 = arith.muli %arg0, %mul3A : i32
    %broadcast_in_dim3A = vector.broadcast %mul3A_0 : i32 to vector<16xi32>
    %mul3A_1 = arith.constant 624 : i32
    %mul3A_2 = arith.muli %arg1, %mul3A_1 : i32
    %add3A = arith.constant 0 : i32
    %add3A_3 = arith.addi %mul3A_2, %add3A : i32
    %mul3A_4 = arith.constant 10000 : i32
    %mul3A_5 = arith.muli %arg0, %mul3A_4 : i32
    %add3A_6 = arith.addi %mul3A_5, %add3A_3 : i32
    "tpu.region"() ({
      %run_scoped3A_376 = tpu.sem_alloc : memref<!tpu.dma_semaphore, #tpu.memory_space<semaphore_mem>>
      %dma_start3A_377 = arith.constant 0 : i32
      %dma_start3A_378 = arith.constant 0 : i32
      %dma_start3A_379 = tpu.memref_slice %arg9[%dma_start3A_377, %dma_start3A_378] : memref<208x128xf32, #tpu.memory_space<vmem>> -> memref<208x128xf32, #tpu.memory_space<vmem>>
      %dma_start3A_380 = arith.constant 0 : i32
      %dma_start3A_381 = tpu.memref_slice %arg2[%add3A_6, %dma_start3A_380] : memref<20000x128xf32, #tpu.memory_space<hbm>> -> memref<208x128xf32, #tpu.memory_space<hbm>>
      %dma_start3A_382 = arith.constant 0 : i32
      %dma_start3A_383 = arith.constant 0 : i32
      %dma_start3A_384 = tpu.memref_slice %arg9[%dma_start3A_382, %dma_start3A_383] : memref<208x128xf32, #tpu.memory_space<vmem>> -> memref<208x128xf32, #tpu.memory_space<vmem>>
      %dma_start3A_385 = arith.constant 0 : i32
      %dma_start3A_386 = tpu.memref_slice %arg2[%add3A_6, %dma_start3A_385] : memref<20000x128xf32, #tpu.memory_space<hbm>> -> memref<208x128xf32, #tpu.memory_space<hbm>>
      tpu.enqueue_dma source(%dma_start3A_386 : memref<208x128xf32, #tpu.memory_space<hbm>>) target(%dma_start3A_384 : memref<208x128xf32, #tpu.memory_space<vmem>>) target_semaphore(%run_scoped3A_376 : memref<!tpu.dma_semaphore, #tpu.memory_space<semaphore_mem>>)
      %dma_wait3A_387 = arith.constant 0 : i32
      %dma_wait3A_388 = arith.constant 0 : i32
      %dma_wait3A_389 = tpu.memref_slice %arg9[%dma_wait3A_387, %dma_wait3A_388] : memref<208x128xf32, #tpu.memory_space<vmem>> -> memref<208x128xf32, #tpu.memory_space<vmem>>
      %dma_wait3A_390 = arith.constant 0 : i32
      %dma_wait3A_391 = tpu.memref_slice %arg2[%add3A_6, %dma_wait3A_390] : memref<20000x128xf32, #tpu.memory_space<hbm>> -> memref<208x128xf32, #tpu.memory_space<hbm>>
      %dma_wait3A_392 = arith.constant 0 : i32
      %dma_wait3A_393 = arith.constant 0 : i32
      %dma_wait3A_394 = tpu.memref_slice %arg9[%dma_wait3A_392, %dma_wait3A_393] : memref<208x128xf32, #tpu.memory_space<vmem>> -> memref<208x128xf32, #tpu.memory_space<vmem>>
      %dma_wait3A_395 = arith.constant 0 : i32
      %dma_wait3A_396 = tpu.memref_slice %arg2[%add3A_6, %dma_wait3A_395] : memref<20000x128xf32, #tpu.memory_space<hbm>> -> memref<208x128xf32, #tpu.memory_space<hbm>>
      tpu.wait_dma2 semaphore(%run_scoped3A_376 : memref<!tpu.dma_semaphore, #tpu.memory_space<semaphore_mem>>) src(%dma_wait3A_396 : memref<208x128xf32, #tpu.memory_space<hbm>>) dst(%dma_wait3A_394 : memref<208x128xf32, #tpu.memory_space<vmem>>)
      tpu.yield
    }) : () -> ()
    "tpu.region"() ({
      %run_scoped3A_376 = tpu.sem_alloc : memref<!tpu.dma_semaphore, #tpu.memory_space<semaphore_mem>>
      %dma_start3A_377 = arith.constant 0 : i32
      %dma_start3A_378 = arith.constant 0 : i32
      %dma_start3A_379 = tpu.memref_slice %arg9[%dma_start3A_377, %dma_start3A_378] : memref<208x128xf32, #tpu.memory_space<vmem>> -> memref<208x128xf32, #tpu.memory_space<vmem>>
      %dma_start3A_380 = arith.constant 0 : i32
      %dma_start3A_381 = tpu.memref_slice %arg14[%add3A_3, %dma_start3A_380] : memref<10000x128xf32, #tpu.memory_space<vmem_shared>> -> memref<208x128xf32, #tpu.memory_space<vmem_shared>>
      %dma_start3A_382 = arith.constant 0 : i32
      %dma_start3A_383 = tpu.memref_slice %arg14[%add3A_3, %dma_start3A_382] : memref<10000x128xf32, #tpu.memory_space<vmem_shared>> -> memref<208x128xf32, #tpu.memory_space<vmem_shared>>
      %dma_start3A_384 = arith.constant 0 : i32
      %dma_start3A_385 = arith.constant 0 : i32
      %dma_start3A_386 = tpu.memref_slice %arg9[%dma_start3A_384, %dma_start3A_385] : memref<208x128xf32, #tpu.memory_space<vmem>> -> memref<208x128xf32, #tpu.memory_space<vmem>>
      tpu.enqueue_dma source(%dma_start3A_386 : memref<208x128xf32, #tpu.memory_space<vmem>>) target(%dma_start3A_383 : memref<208x128xf32, #tpu.memory_space<vmem_shared>>) target_semaphore(%run_scoped3A_376 : memref<!tpu.dma_semaphore, #tpu.memory_space<semaphore_mem>>)
      %dma_wait3A_387 = arith.constant 0 : i32
      %dma_wait3A_388 = arith.constant 0 : i32
      %dma_wait3A_389 = tpu.memref_slice %arg9[%dma_wait3A_387, %dma_wait3A_388] : memref<208x128xf32, #tpu.memory_space<vmem>> -> memref<208x128xf32, #tpu.memory_space<vmem>>
      %dma_wait3A_390 = arith.constant 0 : i32
      %dma_wait3A_391 = tpu.memref_slice %arg14[%add3A_3, %dma_wait3A_390] : memref<10000x128xf32, #tpu.memory_space<vmem_shared>> -> memref<208x128xf32, #tpu.memory_space<vmem_shared>>
      %dma_wait3A_392 = arith.constant 0 : i32
      %dma_wait3A_393 = tpu.memref_slice %arg14[%add3A_3, %dma_wait3A_392] : memref<10000x128xf32, #tpu.memory_space<vmem_shared>> -> memref<208x128xf32, #tpu.memory_space<vmem_shared>>
      %dma_wait3A_394 = arith.constant 0 : i32
      %dma_wait3A_395 = arith.constant 0 : i32
      %dma_wait3A_396 = tpu.memref_slice %arg9[%dma_wait3A_394, %dma_wait3A_395] : memref<208x128xf32, #tpu.memory_space<vmem>> -> memref<208x128xf32, #tpu.memory_space<vmem>>
      tpu.wait_dma2 semaphore(%run_scoped3A_376 : memref<!tpu.dma_semaphore, #tpu.memory_space<semaphore_mem>>) src(%dma_wait3A_396 : memref<208x128xf32, #tpu.memory_space<vmem>>) dst(%dma_wait3A_393 : memref<208x128xf32, #tpu.memory_space<vmem_shared>>)
      tpu.yield
    }) : () -> ()
    %add3A_7 = arith.constant 208 : i32
    %add3A_8 = arith.addi %mul3A_2, %add3A_7 : i32
    %mul3A_9 = arith.constant 10000 : i32
    %mul3A_10 = arith.muli %arg0, %mul3A_9 : i32
    %add3A_11 = arith.addi %mul3A_10, %add3A_8 : i32
    "tpu.region"() ({
      %run_scoped3A_376 = tpu.sem_alloc : memref<!tpu.dma_semaphore, #tpu.memory_space<semaphore_mem>>
      %dma_start3A_377 = arith.constant 0 : i32
      %dma_start3A_378 = arith.constant 0 : i32
      %dma_start3A_379 = tpu.memref_slice %arg9[%dma_start3A_377, %dma_start3A_378] : memref<208x128xf32, #tpu.memory_space<vmem>> -> memref<208x128xf32, #tpu.memory_space<vmem>>
      %dma_start3A_380 = arith.constant 0 : i32
      %dma_start3A_381 = tpu.memref_slice %arg2[%add3A_11, %dma_start3A_380] : memref<20000x128xf32, #tpu.memory_space<hbm>> -> memref<208x128xf32, #tpu.memory_space<hbm>>
      %dma_start3A_382 = arith.constant 0 : i32
      %dma_start3A_383 = arith.constant 0 : i32
      %dma_start3A_384 = tpu.memref_slice %arg9[%dma_start3A_382, %dma_start3A_383] : memref<208x128xf32, #tpu.memory_space<vmem>> -> memref<208x128xf32, #tpu.memory_space<vmem>>
      %dma_start3A_385 = arith.constant 0 : i32
      %dma_start3A_386 = tpu.memref_slice %arg2[%add3A_11, %dma_start3A_385] : memref<20000x128xf32, #tpu.memory_space<hbm>> -> memref<208x128xf32, #tpu.memory_space<hbm>>
      tpu.enqueue_dma source(%dma_start3A_386 : memref<208x128xf32, #tpu.memory_space<hbm>>) target(%dma_start3A_384 : memref<208x128xf32, #tpu.memory_space<vmem>>) target_semaphore(%run_scoped3A_376 : memref<!tpu.dma_semaphore, #tpu.memory_space<semaphore_mem>>)
      %dma_wait3A_387 = arith.constant 0 : i32
      %dma_wait3A_388 = arith.constant 0 : i32
      %dma_wait3A_389 = tpu.memref_slice %arg9[%dma_wait3A_387, %dma_wait3A_388] : memref<208x128xf32, #tpu.memory_space<vmem>> -> memref<208x128xf32, #tpu.memory_space<vmem>>
      %dma_wait3A_390 = arith.constant 0 : i32
      %dma_wait3A_391 = tpu.memref_slice %arg2[%add3A_11, %dma_wait3A_390] : memref<20000x128xf32, #tpu.memory_space<hbm>> -> memref<208x128xf32, #tpu.memory_space<hbm>>
      %dma_wait3A_392 = arith.constant 0 : i32
      %dma_wait3A_393 = arith.constant 0 : i32
      %dma_wait3A_394 = tpu.memref_slice %arg9[%dma_wait3A_392, %dma_wait3A_393] : memref<208x128xf32, #tpu.memory_space<vmem>> -> memref<208x128xf32, #tpu.memory_space<vmem>>
      %dma_wait3A_395 = arith.constant 0 : i32
      %dma_wait3A_396 = tpu.memref_slice %arg2[%add3A_11, %dma_wait3A_395] : memref<20000x128xf32, #tpu.memory_space<hbm>> -> memref<208x128xf32, #tpu.memory_space<hbm>>
      tpu.wait_dma2 semaphore(%run_scoped3A_376 : memref<!tpu.dma_semaphore, #tpu.memory_space<semaphore_mem>>) src(%dma_wait3A_396 : memref<208x128xf32, #tpu.memory_space<hbm>>) dst(%dma_wait3A_394 : memref<208x128xf32, #tpu.memory_space<vmem>>)
      tpu.yield
    }) : () -> ()
    "tpu.region"() ({
      %run_scoped3A_376 = tpu.sem_alloc : memref<!tpu.dma_semaphore, #tpu.memory_space<semaphore_mem>>
      %dma_start3A_377 = arith.constant 0 : i32
      %dma_start3A_378 = arith.constant 0 : i32
      %dma_start3A_379 = tpu.memref_slice %arg9[%dma_start3A_377, %dma_start3A_378] : memref<208x128xf32, #tpu.memory_space<vmem>> -> memref<208x128xf32, #tpu.memory_space<vmem>>
      %dma_start3A_380 = arith.constant 0 : i32
      %dma_start3A_381 = tpu.memref_slice %arg14[%add3A_8, %dma_start3A_380] : memref<10000x128xf32, #tpu.memory_space<vmem_shared>> -> memref<208x128xf32, #tpu.memory_space<vmem_shared>>
      %dma_start3A_382 = arith.constant 0 : i32
      %dma_start3A_383 = tpu.memref_slice %arg14[%add3A_8, %dma_start3A_382] : memref<10000x128xf32, #tpu.memory_space<vmem_shared>> -> memref<208x128xf32, #tpu.memory_space<vmem_shared>>
      %dma_start3A_384 = arith.constant 0 : i32
      %dma_start3A_385 = arith.constant 0 : i32
      %dma_start3A_386 = tpu.memref_slice %arg9[%dma_start3A_384, %dma_start3A_385] : memref<208x128xf32, #tpu.memory_space<vmem>> -> memref<208x128xf32, #tpu.memory_space<vmem>>
      tpu.enqueue_dma source(%dma_start3A_386 : memref<208x128xf32, #tpu.memory_space<vmem>>) target(%dma_start3A_383 : memref<208x128xf32, #tpu.memory_space<vmem_shared>>) target_semaphore(%run_scoped3A_376 : memref<!tpu.dma_semaphore, #tpu.memory_space<semaphore_mem>>)
      %dma_wait3A_387 = arith.constant 0 : i32
      %dma_wait3A_388 = arith.constant 0 : i32
      %dma_wait3A_389 = tpu.memref_slice %arg9[%dma_wait3A_387, %dma_wait3A_388] : memref<208x128xf32, #tpu.memory_space<vmem>> -> memref<208x128xf32, #tpu.memory_space<vmem>>
      %dma_wait3A_390 = arith.constant 0 : i32
      %dma_wait3A_391 = tpu.memref_slice %arg14[%add3A_8, %dma_wait3A_390] : memref<10000x128xf32, #tpu.memory_space<vmem_shared>> -> memref<208x128xf32, #tpu.memory_space<vmem_shared>>
      %dma_wait3A_392 = arith.constant 0 : i32
      %dma_wait3A_393 = tpu.memref_slice %arg14[%add3A_8, %dma_wait3A_392] : memref<10000x128xf32, #tpu.memory_space<vmem_shared>> -> memref<208x128xf32, #tpu.memory_space<vmem_shared>>
      %dma_wait3A_394 = arith.constant 0 : i32
      %dma_wait3A_395 = arith.constant 0 : i32
      %dma_wait3A_396 = tpu.memref_slice %arg9[%dma_wait3A_394, %dma_wait3A_395] : memref<208x128xf32, #tpu.memory_space<vmem>> -> memref<208x128xf32, #tpu.memory_space<vmem>>
      tpu.wait_dma2 semaphore(%run_scoped3A_376 : memref<!tpu.dma_semaphore, #tpu.memory_space<semaphore_mem>>) src(%dma_wait3A_396 : memref<208x128xf32, #tpu.memory_space<vmem>>) dst(%dma_wait3A_393 : memref<208x128xf32, #tpu.memory_space<vmem_shared>>)
      tpu.yield
    }) : () -> ()
    %add3A_12 = arith.constant 416 : i32
    %add3A_13 = arith.addi %mul3A_2, %add3A_12 : i32
    %mul3A_14 = arith.constant 10000 : i32
    %mul3A_15 = arith.muli %arg0, %mul3A_14 : i32
    %add3A_16 = arith.addi %mul3A_15, %add3A_13 : i32
    "tpu.region"() ({
      %run_scoped3A_376 = tpu.sem_alloc : memref<!tpu.dma_semaphore, #tpu.memory_space<semaphore_mem>>
      %dma_start3A_377 = arith.constant 0 : i32
      %dma_start3A_378 = arith.constant 0 : i32
      %dma_start3A_379 = tpu.memref_slice %arg9[%dma_start3A_377, %dma_start3A_378] : memref<208x128xf32, #tpu.memory_space<vmem>> -> memref<208x128xf32, #tpu.memory_space<vmem>>
      %dma_start3A_380 = arith.constant 0 : i32
      %dma_start3A_381 = tpu.memref_slice %arg2[%add3A_16, %dma_start3A_380] : memref<20000x128xf32, #tpu.memory_space<hbm>> -> memref<208x128xf32, #tpu.memory_space<hbm>>
      %dma_start3A_382 = arith.constant 0 : i32
      %dma_start3A_383 = arith.constant 0 : i32
      %dma_start3A_384 = tpu.memref_slice %arg9[%dma_start3A_382, %dma_start3A_383] : memref<208x128xf32, #tpu.memory_space<vmem>> -> memref<208x128xf32, #tpu.memory_space<vmem>>
      %dma_start3A_385 = arith.constant 0 : i32
      %dma_start3A_386 = tpu.memref_slice %arg2[%add3A_16, %dma_start3A_385] : memref<20000x128xf32, #tpu.memory_space<hbm>> -> memref<208x128xf32, #tpu.memory_space<hbm>>
      tpu.enqueue_dma source(%dma_start3A_386 : memref<208x128xf32, #tpu.memory_space<hbm>>) target(%dma_start3A_384 : memref<208x128xf32, #tpu.memory_space<vmem>>) target_semaphore(%run_scoped3A_376 : memref<!tpu.dma_semaphore, #tpu.memory_space<semaphore_mem>>)
      %dma_wait3A_387 = arith.constant 0 : i32
      %dma_wait3A_388 = arith.constant 0 : i32
      %dma_wait3A_389 = tpu.memref_slice %arg9[%dma_wait3A_387, %dma_wait3A_388] : memref<208x128xf32, #tpu.memory_space<vmem>> -> memref<208x128xf32, #tpu.memory_space<vmem>>
      %dma_wait3A_390 = arith.constant 0 : i32
      %dma_wait3A_391 = tpu.memref_slice %arg2[%add3A_16, %dma_wait3A_390] : memref<20000x128xf32, #tpu.memory_space<hbm>> -> memref<208x128xf32, #tpu.memory_space<hbm>>
      %dma_wait3A_392 = arith.constant 0 : i32
      %dma_wait3A_393 = arith.constant 0 : i32
      %dma_wait3A_394 = tpu.memref_slice %arg9[%dma_wait3A_392, %dma_wait3A_393] : memref<208x128xf32, #tpu.memory_space<vmem>> -> memref<208x128xf32, #tpu.memory_space<vmem>>
      %dma_wait3A_395 = arith.constant 0 : i32
      %dma_wait3A_396 = tpu.memref_slice %arg2[%add3A_16, %dma_wait3A_395] : memref<20000x128xf32, #tpu.memory_space<hbm>> -> memref<208x128xf32, #tpu.memory_space<hbm>>
      tpu.wait_dma2 semaphore(%run_scoped3A_376 : memref<!tpu.dma_semaphore, #tpu.memory_space<semaphore_mem>>) src(%dma_wait3A_396 : memref<208x128xf32, #tpu.memory_space<hbm>>) dst(%dma_wait3A_394 : memref<208x128xf32, #tpu.memory_space<vmem>>)
      tpu.yield
    }) : () -> ()
    "tpu.region"() ({
      %run_scoped3A_376 = tpu.sem_alloc : memref<!tpu.dma_semaphore, #tpu.memory_space<semaphore_mem>>
      %dma_start3A_377 = arith.constant 0 : i32
      %dma_start3A_378 = arith.constant 0 : i32
      %dma_start3A_379 = tpu.memref_slice %arg9[%dma_start3A_377, %dma_start3A_378] : memref<208x128xf32, #tpu.memory_space<vmem>> -> memref<208x128xf32, #tpu.memory_space<vmem>>
      %dma_start3A_380 = arith.constant 0 : i32
      %dma_start3A_381 = tpu.memref_slice %arg14[%add3A_13, %dma_start3A_380] : memref<10000x128xf32, #tpu.memory_space<vmem_shared>> -> memref<208x128xf32, #tpu.memory_space<vmem_shared>>
      %dma_start3A_382 = arith.constant 0 : i32
      %dma_start3A_383 = tpu.memref_slice %arg14[%add3A_13, %dma_start3A_382] : memref<10000x128xf32, #tpu.memory_space<vmem_shared>> -> memref<208x128xf32, #tpu.memory_space<vmem_shared>>
      %dma_start3A_384 = arith.constant 0 : i32
      %dma_start3A_385 = arith.constant 0 : i32
      %dma_start3A_386 = tpu.memref_slice %arg9[%dma_start3A_384, %dma_start3A_385] : memref<208x128xf32, #tpu.memory_space<vmem>> -> memref<208x128xf32, #tpu.memory_space<vmem>>
      tpu.enqueue_dma source(%dma_start3A_386 : memref<208x128xf32, #tpu.memory_space<vmem>>) target(%dma_start3A_383 : memref<208x128xf32, #tpu.memory_space<vmem_shared>>) target_semaphore(%run_scoped3A_376 : memref<!tpu.dma_semaphore, #tpu.memory_space<semaphore_mem>>)
      %dma_wait3A_387 = arith.constant 0 : i32
      %dma_wait3A_388 = arith.constant 0 : i32
      %dma_wait3A_389 = tpu.memref_slice %arg9[%dma_wait3A_387, %dma_wait3A_388] : memref<208x128xf32, #tpu.memory_space<vmem>> -> memref<208x128xf32, #tpu.memory_space<vmem>>
      %dma_wait3A_390 = arith.constant 0 : i32
      %dma_wait3A_391 = tpu.memref_slice %arg14[%add3A_13, %dma_wait3A_390] : memref<10000x128xf32, #tpu.memory_space<vmem_shared>> -> memref<208x128xf32, #tpu.memory_space<vmem_shared>>
      %dma_wait3A_392 = arith.constant 0 : i32
      %dma_wait3A_393 = tpu.memref_slice %arg14[%add3A_13, %dma_wait3A_392] : memref<10000x128xf32, #tpu.memory_space<vmem_shared>> -> memref<208x128xf32, #tpu.memory_space<vmem_shared>>
      %dma_wait3A_394 = arith.constant 0 : i32
      %dma_wait3A_395 = arith.constant 0 : i32
      %dma_wait3A_396 = tpu.memref_slice %arg9[%dma_wait3A_394, %dma_wait3A_395] : memref<208x128xf32, #tpu.memory_space<vmem>> -> memref<208x128xf32, #tpu.memory_space<vmem>>
      tpu.wait_dma2 semaphore(%run_scoped3A_376 : memref<!tpu.dma_semaphore, #tpu.memory_space<semaphore_mem>>) src(%dma_wait3A_396 : memref<208x128xf32, #tpu.memory_space<vmem>>) dst(%dma_wait3A_393 : memref<208x128xf32, #tpu.memory_space<vmem_shared>>)
      tpu.yield
    }) : () -> ()
    %eq3A = arith.constant 15 : i32
    %eq3A_17 = arith.cmpi eq, %arg1, %eq3A : i32
    %convert_element_type3A = arith.extui %eq3A_17 : i1 to i32
    %cond3A = arith.constant 0 : i32
    %cond3A_18 = arith.cmpi ne, %convert_element_type3A, %cond3A : i32
    scf.if %cond3A_18 {
      %mul3A_376 = arith.constant 10000 : i32
      %mul3A_377 = arith.muli %arg0, %mul3A_376 : i32
      %add3A_378 = arith.constant 9984 : i32
      %add3A_379 = arith.addi %mul3A_377, %add3A_378 : i32
      "tpu.region"() ({
        %run_scoped3A_380 = tpu.sem_alloc : memref<!tpu.dma_semaphore, #tpu.memory_space<semaphore_mem>>
        %dma_start3A_381 = arith.constant 0 : i32
        %dma_start3A_382 = arith.constant 0 : i32
        %dma_start3A_383 = tpu.memref_slice %arg9[%dma_start3A_381, %dma_start3A_382] : memref<208x128xf32, #tpu.memory_space<vmem>> -> memref<16x128xf32, #tpu.memory_space<vmem>>
        %dma_start3A_384 = arith.constant 0 : i32
        %dma_start3A_385 = tpu.memref_slice %arg2[%add3A_379, %dma_start3A_384] : memref<20000x128xf32, #tpu.memory_space<hbm>> -> memref<16x128xf32, #tpu.memory_space<hbm>>
        %dma_start3A_386 = arith.constant 0 : i32
        %dma_start3A_387 = arith.constant 0 : i32
        %dma_start3A_388 = tpu.memref_slice %arg9[%dma_start3A_386, %dma_start3A_387] : memref<208x128xf32, #tpu.memory_space<vmem>> -> memref<16x128xf32, #tpu.memory_space<vmem>>
        %dma_start3A_389 = arith.constant 0 : i32
        %dma_start3A_390 = tpu.memref_slice %arg2[%add3A_379, %dma_start3A_389] : memref<20000x128xf32, #tpu.memory_space<hbm>> -> memref<16x128xf32, #tpu.memory_space<hbm>>
        tpu.enqueue_dma source(%dma_start3A_390 : memref<16x128xf32, #tpu.memory_space<hbm>>) target(%dma_start3A_388 : memref<16x128xf32, #tpu.memory_space<vmem>>) target_semaphore(%run_scoped3A_380 : memref<!tpu.dma_semaphore, #tpu.memory_space<semaphore_mem>>)
        %dma_wait3A_391 = arith.constant 0 : i32
        %dma_wait3A_392 = arith.constant 0 : i32
        %dma_wait3A_393 = tpu.memref_slice %arg9[%dma_wait3A_391, %dma_wait3A_392] : memref<208x128xf32, #tpu.memory_space<vmem>> -> memref<16x128xf32, #tpu.memory_space<vmem>>
        %dma_wait3A_394 = arith.constant 0 : i32
        %dma_wait3A_395 = tpu.memref_slice %arg2[%add3A_379, %dma_wait3A_394] : memref<20000x128xf32, #tpu.memory_space<hbm>> -> memref<16x128xf32, #tpu.memory_space<hbm>>
        %dma_wait3A_396 = arith.constant 0 : i32
        %dma_wait3A_397 = arith.constant 0 : i32
        %dma_wait3A_398 = tpu.memref_slice %arg9[%dma_wait3A_396, %dma_wait3A_397] : memref<208x128xf32, #tpu.memory_space<vmem>> -> memref<16x128xf32, #tpu.memory_space<vmem>>
        %dma_wait3A_399 = arith.constant 0 : i32
        %dma_wait3A_400 = tpu.memref_slice %arg2[%add3A_379, %dma_wait3A_399] : memref<20000x128xf32, #tpu.memory_space<hbm>> -> memref<16x128xf32, #tpu.memory_space<hbm>>
        tpu.wait_dma2 semaphore(%run_scoped3A_380 : memref<!tpu.dma_semaphore, #tpu.memory_space<semaphore_mem>>) src(%dma_wait3A_400 : memref<16x128xf32, #tpu.memory_space<hbm>>) dst(%dma_wait3A_398 : memref<16x128xf32, #tpu.memory_space<vmem>>)
        tpu.yield
      }) : () -> ()
      "tpu.region"() ({
        %run_scoped3A_380 = tpu.sem_alloc : memref<!tpu.dma_semaphore, #tpu.memory_space<semaphore_mem>>
        %dma_start3A_381 = arith.constant 0 : i32
        %dma_start3A_382 = arith.constant 0 : i32
        %dma_start3A_383 = tpu.memref_slice %arg9[%dma_start3A_381, %dma_start3A_382] : memref<208x128xf32, #tpu.memory_space<vmem>> -> memref<16x128xf32, #tpu.memory_space<vmem>>
        %dma_start3A_384 = arith.constant 9984 : i32
        %dma_start3A_385 = arith.constant 0 : i32
        %dma_start3A_386 = tpu.memref_slice %arg14[%dma_start3A_384, %dma_start3A_385] : memref<10000x128xf32, #tpu.memory_space<vmem_shared>> -> memref<16x128xf32, #tpu.memory_space<vmem_shared>>
        %dma_start3A_387 = arith.constant 9984 : i32
        %dma_start3A_388 = arith.constant 0 : i32
        %dma_start3A_389 = tpu.memref_slice %arg14[%dma_start3A_387, %dma_start3A_388] : memref<10000x128xf32, #tpu.memory_space<vmem_shared>> -> memref<16x128xf32, #tpu.memory_space<vmem_shared>>
        %dma_start3A_390 = arith.constant 0 : i32
        %dma_start3A_391 = arith.constant 0 : i32
        %dma_start3A_392 = tpu.memref_slice %arg9[%dma_start3A_390, %dma_start3A_391] : memref<208x128xf32, #tpu.memory_space<vmem>> -> memref<16x128xf32, #tpu.memory_space<vmem>>
        tpu.enqueue_dma source(%dma_start3A_392 : memref<16x128xf32, #tpu.memory_space<vmem>>) target(%dma_start3A_389 : memref<16x128xf32, #tpu.memory_space<vmem_shared>>) target_semaphore(%run_scoped3A_380 : memref<!tpu.dma_semaphore, #tpu.memory_space<semaphore_mem>>)
        %dma_wait3A_393 = arith.constant 0 : i32
        %dma_wait3A_394 = arith.constant 0 : i32
        %dma_wait3A_395 = tpu.memref_slice %arg9[%dma_wait3A_393, %dma_wait3A_394] : memref<208x128xf32, #tpu.memory_space<vmem>> -> memref<16x128xf32, #tpu.memory_space<vmem>>
        %dma_wait3A_396 = arith.constant 9984 : i32
        %dma_wait3A_397 = arith.constant 0 : i32
        %dma_wait3A_398 = tpu.memref_slice %arg14[%dma_wait3A_396, %dma_wait3A_397] : memref<10000x128xf32, #tpu.memory_space<vmem_shared>> -> memref<16x128xf32, #tpu.memory_space<vmem_shared>>
        %dma_wait3A_399 = arith.constant 9984 : i32
        %dma_wait3A_400 = arith.constant 0 : i32
        %dma_wait3A_401 = tpu.memref_slice %arg14[%dma_wait3A_399, %dma_wait3A_400] : memref<10000x128xf32, #tpu.memory_space<vmem_shared>> -> memref<16x128xf32, #tpu.memory_space<vmem_shared>>
        %dma_wait3A_402 = arith.constant 0 : i32
        %dma_wait3A_403 = arith.constant 0 : i32
        %dma_wait3A_404 = tpu.memref_slice %arg9[%dma_wait3A_402, %dma_wait3A_403] : memref<208x128xf32, #tpu.memory_space<vmem>> -> memref<16x128xf32, #tpu.memory_space<vmem>>
        tpu.wait_dma2 semaphore(%run_scoped3A_380 : memref<!tpu.dma_semaphore, #tpu.memory_space<semaphore_mem>>) src(%dma_wait3A_404 : memref<16x128xf32, #tpu.memory_space<vmem>>) dst(%dma_wait3A_401 : memref<16x128xf32, #tpu.memory_space<vmem_shared>>)
        tpu.yield
      }) : () -> ()
    } else {
    }
    %barrier3A = arith.constant 0 : index
    tpu.barrier barrier_id(%barrier3A)
    %add3A_19 = arith.constant 0 : i32
    %add3A_20 = arith.addi %arg1, %add3A_19 : i32
    %mul3A_21 = arith.constant 80 : i32
    %mul3A_22 = arith.muli %add3A_20, %mul3A_21 : i32
    %run_scoped3A = arith.constant 0 : i32
    "tpu.region"() ({
      %run_scoped3A_376 = tpu.sem_alloc : memref<!tpu.dma_semaphore, #tpu.memory_space<semaphore_mem>>
      %dma_start3A_377 = arith.constant 0 : i32
      %dma_start3A_378 = tpu.memref_slice %arg6[%run_scoped3A, %dma_start3A_377] : memref<2x80xi32, #tpu.memory_space<vmem>> -> memref<1x80xi32, #tpu.memory_space<vmem>>
      %dma_start3A_379 = tpu.memref_squeeze %dma_start3A_378 : memref<1x80xi32, #tpu.memory_space<vmem>> -> memref<80xi32, #tpu.memory_space<vmem>>
      %dma_start3A_380 = tpu.memref_slice %arg3[%mul3A_22] : memref<160000xi32, #tpu.memory_space<hbm>> -> memref<80xi32, #tpu.memory_space<hbm>>
      %dma_start3A_381 = arith.constant 0 : i32
      %dma_start3A_382 = tpu.memref_slice %arg6[%run_scoped3A, %dma_start3A_381] : memref<2x80xi32, #tpu.memory_space<vmem>> -> memref<1x80xi32, #tpu.memory_space<vmem>>
      %dma_start3A_383 = tpu.memref_squeeze %dma_start3A_382 : memref<1x80xi32, #tpu.memory_space<vmem>> -> memref<80xi32, #tpu.memory_space<vmem>>
      %dma_start3A_384 = tpu.memref_slice %arg3[%mul3A_22] : memref<160000xi32, #tpu.memory_space<hbm>> -> memref<80xi32, #tpu.memory_space<hbm>>
      tpu.enqueue_dma source(%dma_start3A_384 : memref<80xi32, #tpu.memory_space<hbm>>) target(%dma_start3A_383 : memref<80xi32, #tpu.memory_space<vmem>>) target_semaphore(%run_scoped3A_376 : memref<!tpu.dma_semaphore, #tpu.memory_space<semaphore_mem>>)
      %dma_wait3A_385 = arith.constant 0 : i32
      %dma_wait3A_386 = tpu.memref_slice %arg6[%run_scoped3A, %dma_wait3A_385] : memref<2x80xi32, #tpu.memory_space<vmem>> -> memref<1x80xi32, #tpu.memory_space<vmem>>
      %dma_wait3A_387 = tpu.memref_squeeze %dma_wait3A_386 : memref<1x80xi32, #tpu.memory_space<vmem>> -> memref<80xi32, #tpu.memory_space<vmem>>
      %dma_wait3A_388 = tpu.memref_slice %arg3[%mul3A_22] : memref<160000xi32, #tpu.memory_space<hbm>> -> memref<80xi32, #tpu.memory_space<hbm>>
      %dma_wait3A_389 = arith.constant 0 : i32
      %dma_wait3A_390 = tpu.memref_slice %arg6[%run_scoped3A, %dma_wait3A_389] : memref<2x80xi32, #tpu.memory_space<vmem>> -> memref<1x80xi32, #tpu.memory_space<vmem>>
      %dma_wait3A_391 = tpu.memref_squeeze %dma_wait3A_390 : memref<1x80xi32, #tpu.memory_space<vmem>> -> memref<80xi32, #tpu.memory_space<vmem>>
      %dma_wait3A_392 = tpu.memref_slice %arg3[%mul3A_22] : memref<160000xi32, #tpu.memory_space<hbm>> -> memref<80xi32, #tpu.memory_space<hbm>>
      tpu.wait_dma2 semaphore(%run_scoped3A_376 : memref<!tpu.dma_semaphore, #tpu.memory_space<semaphore_mem>>) src(%dma_wait3A_392 : memref<80xi32, #tpu.memory_space<hbm>>) dst(%dma_wait3A_391 : memref<80xi32, #tpu.memory_space<vmem>>)
      tpu.yield
    }) : () -> ()
    %get3A = arith.constant 0 : i32
    %get3A_23 = arith.index_cast %get3A : i32 to index
    %get3A_24 = arith.constant 0 : index
    %get3A_25 = tpu.vector_load %arg6[%get3A_23, %get3A_24] {strides = array<i32>} : memref<2x80xi32, #tpu.memory_space<vmem>>, vector<1x16xi32>,
    %get3A_26 = vector.shape_cast %get3A_25 : vector<1x16xi32> to vector<16xi32>
    %add3A_27 = arith.addi %get3A_26, %broadcast_in_dim3A : vector<16xi32>
    %swap3A = arith.constant 0 : i32
    %swap3A_28 = arith.index_cast %swap3A : i32 to index
    %swap3A_29 = arith.constant 0 : index
    %swap3A_30 = tpu.vector_load %arg6[%swap3A_28, %swap3A_29] {strides = array<i32>} : memref<2x80xi32, #tpu.memory_space<vmem>>, vector<1x16xi32>,
    %swap3A_31 = vector.shape_cast %swap3A_30 : vector<1x16xi32> to vector<16xi32>
    %swap3A_32 = vector.shape_cast %add3A_27 : vector<16xi32> to vector<1x16xi32>
    tpu.vector_store %arg6[%swap3A_28, %swap3A_29], %swap3A_32 {strides = array<i32>} : memref<2x80xi32, #tpu.memory_space<vmem>>, vector<1x16xi32>,
    %get3A_33 = arith.constant 0 : i32
    %get3A_34 = arith.index_cast %get3A_33 : i32 to index
    %get3A_35 = arith.constant 16 : index
    %get3A_36 = tpu.vector_load %arg6[%get3A_34, %get3A_35] {strides = array<i32>} : memref<2x80xi32, #tpu.memory_space<vmem>>, vector<1x16xi32>,
    %get3A_37 = vector.shape_cast %get3A_36 : vector<1x16xi32> to vector<16xi32>
    %add3A_38 = arith.addi %get3A_37, %broadcast_in_dim3A : vector<16xi32>
    %swap3A_39 = arith.constant 0 : i32
    %swap3A_40 = arith.index_cast %swap3A_39 : i32 to index
    %swap3A_41 = arith.constant 16 : index
    %swap3A_42 = tpu.vector_load %arg6[%swap3A_40, %swap3A_41] {strides = array<i32>} : memref<2x80xi32, #tpu.memory_space<vmem>>, vector<1x16xi32>,
    %swap3A_43 = vector.shape_cast %swap3A_42 : vector<1x16xi32> to vector<16xi32>
    %swap3A_44 = vector.shape_cast %add3A_38 : vector<16xi32> to vector<1x16xi32>
    tpu.vector_store %arg6[%swap3A_40, %swap3A_41], %swap3A_44 {strides = array<i32>} : memref<2x80xi32, #tpu.memory_space<vmem>>, vector<1x16xi32>,
    %get3A_45 = arith.constant 0 : i32
    %get3A_46 = arith.index_cast %get3A_45 : i32 to index
    %get3A_47 = arith.constant 32 : index
    %get3A_48 = tpu.vector_load %arg6[%get3A_46, %get3A_47] {strides = array<i32>} : memref<2x80xi32, #tpu.memory_space<vmem>>, vector<1x16xi32>,
    %get3A_49 = vector.shape_cast %get3A_48 : vector<1x16xi32> to vector<16xi32>
    %add3A_50 = arith.addi %get3A_49, %broadcast_in_dim3A : vector<16xi32>
    %swap3A_51 = arith.constant 0 : i32
    %swap3A_52 = arith.index_cast %swap3A_51 : i32 to index
    %swap3A_53 = arith.constant 32 : index
    %swap3A_54 = tpu.vector_load %arg6[%swap3A_52, %swap3A_53] {strides = array<i32>} : memref<2x80xi32, #tpu.memory_space<vmem>>, vector<1x16xi32>,
    %swap3A_55 = vector.shape_cast %swap3A_54 : vector<1x16xi32> to vector<16xi32>
    %swap3A_56 = vector.shape_cast %add3A_50 : vector<16xi32> to vector<1x16xi32>
    tpu.vector_store %arg6[%swap3A_52, %swap3A_53], %swap3A_56 {strides = array<i32>} : memref<2x80xi32, #tpu.memory_space<vmem>>, vector<1x16xi32>,
    %get3A_57 = arith.constant 0 : i32
    %get3A_58 = arith.index_cast %get3A_57 : i32 to index
    %get3A_59 = arith.constant 48 : index
    %get3A_60 = tpu.vector_load %arg6[%get3A_58, %get3A_59] {strides = array<i32>} : memref<2x80xi32, #tpu.memory_space<vmem>>, vector<1x16xi32>,
    %get3A_61 = vector.shape_cast %get3A_60 : vector<1x16xi32> to vector<16xi32>
    %add3A_62 = arith.addi %get3A_61, %broadcast_in_dim3A : vector<16xi32>
    %swap3A_63 = arith.constant 0 : i32
    %swap3A_64 = arith.index_cast %swap3A_63 : i32 to index
    %swap3A_65 = arith.constant 48 : index
    %swap3A_66 = tpu.vector_load %arg6[%swap3A_64, %swap3A_65] {strides = array<i32>} : memref<2x80xi32, #tpu.memory_space<vmem>>, vector<1x16xi32>,
    %swap3A_67 = vector.shape_cast %swap3A_66 : vector<1x16xi32> to vector<16xi32>
    %swap3A_68 = vector.shape_cast %add3A_62 : vector<16xi32> to vector<1x16xi32>
    tpu.vector_store %arg6[%swap3A_64, %swap3A_65], %swap3A_68 {strides = array<i32>} : memref<2x80xi32, #tpu.memory_space<vmem>>, vector<1x16xi32>,
    %get3A_69 = arith.constant 0 : i32
    %get3A_70 = arith.index_cast %get3A_69 : i32 to index
    %get3A_71 = arith.constant 64 : index
    %get3A_72 = tpu.vector_load %arg6[%get3A_70, %get3A_71] {strides = array<i32>} : memref<2x80xi32, #tpu.memory_space<vmem>>, vector<1x16xi32>,
    %get3A_73 = vector.shape_cast %get3A_72 : vector<1x16xi32> to vector<16xi32>
    %add3A_74 = arith.addi %get3A_73, %broadcast_in_dim3A : vector<16xi32>
    %swap3A_75 = arith.constant 0 : i32
    %swap3A_76 = arith.index_cast %swap3A_75 : i32 to index
    %swap3A_77 = arith.constant 64 : index
    %swap3A_78 = tpu.vector_load %arg6[%swap3A_76, %swap3A_77] {strides = array<i32>} : memref<2x80xi32, #tpu.memory_space<vmem>>, vector<1x16xi32>,
    %swap3A_79 = vector.shape_cast %swap3A_78 : vector<1x16xi32> to vector<16xi32>
    %swap3A_80 = vector.shape_cast %add3A_74 : vector<16xi32> to vector<1x16xi32>
    tpu.vector_store %arg6[%swap3A_76, %swap3A_77], %swap3A_80 {strides = array<i32>} : memref<2x80xi32, #tpu.memory_space<vmem>>, vector<1x16xi32>,
    %dma_start3A = arith.constant 0 : i32
    %dma_start3A_81 = arith.constant 0 : i32
    %dma_start3A_82 = arith.constant 0 : i32
    %dma_start3A_83 = arith.constant 0 : i32
    %dma_start3A_84 = tpu.memref_slice %arg8[%dma_start3A_81, %dma_start3A_82, %dma_start3A_83] : memref<2x80x128xf32, #tpu.memory_space<vmem>> -> memref<1x80x128xf32, #tpu.memory_space<vmem>>
    %dma_start3A_85 = tpu.memref_squeeze %dma_start3A_84 : memref<1x80x128xf32, #tpu.memory_space<vmem>> -> memref<80x128xf32, #tpu.memory_space<vmem>>
    %dma_start3A_86 = arith.constant 0 : i32
    %dma_start3A_87 = tpu.memref_slice %arg6[%dma_start3A, %dma_start3A_86] : memref<2x80xi32, #tpu.memory_space<vmem>> -> memref<1x80xi32, #tpu.memory_space<vmem>>
    %dma_start3A_88 = tpu.memref_squeeze %dma_start3A_87 : memref<1x80xi32, #tpu.memory_space<vmem>> -> memref<80xi32, #tpu.memory_space<vmem>>
    %dma_start3A_89 = arith.constant 0 : i32
    %dma_start3A_90 = arith.constant 0 : i32
    %dma_start3A_91 = tpu.memref_slice %arg2[%dma_start3A_89, %dma_start3A_90] : memref<20000x128xf32, #tpu.memory_space<hbm>> -> memref<20000x128xf32, #tpu.memory_space<hbm>>
    tpu.enqueue_indirect_dma source(%dma_start3A_91 : memref<20000x128xf32, #tpu.memory_space<hbm>>) target(%dma_start3A_85 : memref<80x128xf32, #tpu.memory_space<vmem>>) offsets(%dma_start3A_88 : memref<80xi32, #tpu.memory_space<vmem>>) semaphore(%arg10 : memref<!tpu.dma_semaphore, #tpu.memory_space<semaphore_mem>>)
    %run_scoped3A_92 = arith.constant 0 : i32
    "tpu.region"() ({
      %run_scoped3A_376 = tpu.sem_alloc : memref<!tpu.dma_semaphore, #tpu.memory_space<semaphore_mem>>
      %dma_start3A_377 = arith.constant 0 : i32
      %dma_start3A_378 = tpu.memref_slice %arg7[%run_scoped3A_92, %dma_start3A_377] : memref<2x80xi32, #tpu.memory_space<vmem>> -> memref<1x80xi32, #tpu.memory_space<vmem>>
      %dma_start3A_379 = tpu.memref_squeeze %dma_start3A_378 : memref<1x80xi32, #tpu.memory_space<vmem>> -> memref<80xi32, #tpu.memory_space<vmem>>
      %dma_start3A_380 = tpu.memref_slice %arg4[%mul3A_22] : memref<160000xi32, #tpu.memory_space<hbm>> -> memref<80xi32, #tpu.memory_space<hbm>>
      %dma_start3A_381 = arith.constant 0 : i32
      %dma_start3A_382 = tpu.memref_slice %arg7[%run_scoped3A_92, %dma_start3A_381] : memref<2x80xi32, #tpu.memory_space<vmem>> -> memref<1x80xi32, #tpu.memory_space<vmem>>
      %dma_start3A_383 = tpu.memref_squeeze %dma_start3A_382 : memref<1x80xi32, #tpu.memory_space<vmem>> -> memref<80xi32, #tpu.memory_space<vmem>>
      %dma_start3A_384 = tpu.memref_slice %arg4[%mul3A_22] : memref<160000xi32, #tpu.memory_space<hbm>> -> memref<80xi32, #tpu.memory_space<hbm>>
      tpu.enqueue_dma source(%dma_start3A_384 : memref<80xi32, #tpu.memory_space<hbm>>) target(%dma_start3A_383 : memref<80xi32, #tpu.memory_space<vmem>>) target_semaphore(%run_scoped3A_376 : memref<!tpu.dma_semaphore, #tpu.memory_space<semaphore_mem>>)
      %dma_wait3A_385 = arith.constant 0 : i32
      %dma_wait3A_386 = tpu.memref_slice %arg7[%run_scoped3A_92, %dma_wait3A_385] : memref<2x80xi32, #tpu.memory_space<vmem>> -> memref<1x80xi32, #tpu.memory_space<vmem>>
      %dma_wait3A_387 = tpu.memref_squeeze %dma_wait3A_386 : memref<1x80xi32, #tpu.memory_space<vmem>> -> memref<80xi32, #tpu.memory_space<vmem>>
      %dma_wait3A_388 = tpu.memref_slice %arg4[%mul3A_22] : memref<160000xi32, #tpu.memory_space<hbm>> -> memref<80xi32, #tpu.memory_space<hbm>>
      %dma_wait3A_389 = arith.constant 0 : i32
      %dma_wait3A_390 = tpu.memref_slice %arg7[%run_scoped3A_92, %dma_wait3A_389] : memref<2x80xi32, #tpu.memory_space<vmem>> -> memref<1x80xi32, #tpu.memory_space<vmem>>
      %dma_wait3A_391 = tpu.memref_squeeze %dma_wait3A_390 : memref<1x80xi32, #tpu.memory_space<vmem>> -> memref<80xi32, #tpu.memory_space<vmem>>
      %dma_wait3A_392 = tpu.memref_slice %arg4[%mul3A_22] : memref<160000xi32, #tpu.memory_space<hbm>> -> memref<80xi32, #tpu.memory_space<hbm>>
      tpu.wait_dma2 semaphore(%run_scoped3A_376 : memref<!tpu.dma_semaphore, #tpu.memory_space<semaphore_mem>>) src(%dma_wait3A_392 : memref<80xi32, #tpu.memory_space<hbm>>) dst(%dma_wait3A_391 : memref<80xi32, #tpu.memory_space<vmem>>)
      tpu.yield
    }) : () -> ()
    %dma_wait3A = arith.constant 0 : i32
    %dma_wait3A_93 = arith.constant 0 : i32
    %dma_wait3A_94 = arith.constant 0 : i32
    %dma_wait3A_95 = arith.constant 0 : i32
    %dma_wait3A_96 = tpu.memref_slice %arg8[%dma_wait3A_93, %dma_wait3A_94, %dma_wait3A_95] : memref<2x80x128xf32, #tpu.memory_space<vmem>> -> memref<1x80x128xf32, #tpu.memory_space<vmem>>
    %dma_wait3A_97 = tpu.memref_squeeze %dma_wait3A_96 : memref<1x80x128xf32, #tpu.memory_space<vmem>> -> memref<80x128xf32, #tpu.memory_space<vmem>>
    %dma_wait3A_98 = arith.constant 0 : i32
    %dma_wait3A_99 = tpu.memref_slice %arg6[%dma_wait3A, %dma_wait3A_98] : memref<2x80xi32, #tpu.memory_space<vmem>> -> memref<1x80xi32, #tpu.memory_space<vmem>>
    %dma_wait3A_100 = tpu.memref_squeeze %dma_wait3A_99 : memref<1x80xi32, #tpu.memory_space<vmem>> -> memref<80xi32, #tpu.memory_space<vmem>>
    %dma_wait3A_101 = arith.constant 0 : i32
    %dma_wait3A_102 = arith.constant 0 : i32
    %dma_wait3A_103 = tpu.memref_slice %arg2[%dma_wait3A_101, %dma_wait3A_102] : memref<20000x128xf32, #tpu.memory_space<hbm>> -> memref<20000x128xf32, #tpu.memory_space<hbm>>
    tpu.wait_indirect_dma semaphore(%arg10 : memref<!tpu.dma_semaphore, #tpu.memory_space<semaphore_mem>>) src(%dma_wait3A_103 : memref<20000x128xf32, #tpu.memory_space<hbm>>) dst(%dma_wait3A_97 : memref<80x128xf32, #tpu.memory_space<vmem>>)
    %dma_start3A_104 = arith.constant 0 : i32
    %dma_start3A_105 = arith.constant 0 : i32
    %dma_start3A_106 = arith.constant 0 : i32
    %dma_start3A_107 = arith.constant 0 : i32
    %dma_start3A_108 = tpu.memref_slice %arg8[%dma_start3A_104, %dma_start3A_106, %dma_start3A_107] : memref<2x80x128xf32, #tpu.memory_space<vmem>> -> memref<1x80x128xf32, #tpu.memory_space<vmem>>
    %dma_start3A_109 = tpu.memref_squeeze %dma_start3A_108 : memref<1x80x128xf32, #tpu.memory_space<vmem>> -> memref<80x128xf32, #tpu.memory_space<vmem>>
    %dma_start3A_110 = arith.constant 0 : i32
    %dma_start3A_111 = tpu.memref_slice %arg7[%dma_start3A_105, %dma_start3A_110] : memref<2x80xi32, #tpu.memory_space<vmem>> -> memref<1x80xi32, #tpu.memory_space<vmem>>
    %dma_start3A_112 = tpu.memref_squeeze %dma_start3A_111 : memref<1x80xi32, #tpu.memory_space<vmem>> -> memref<80xi32, #tpu.memory_space<vmem>>
    %dma_start3A_113 = arith.constant 0 : i32
    %dma_start3A_114 = arith.constant 0 : i32
    %dma_start3A_115 = tpu.memref_slice %arg14[%dma_start3A_113, %dma_start3A_114] : memref<10000x128xf32, #tpu.memory_space<vmem_shared>> -> memref<10000x128xf32, #tpu.memory_space<vmem_shared>>
    tpu.enqueue_indirect_dma source(%dma_start3A_109 : memref<80x128xf32, #tpu.memory_space<vmem>>) target(%dma_start3A_115 : memref<10000x128xf32, #tpu.memory_space<vmem_shared>>) offsets(%dma_start3A_112 : memref<80xi32, #tpu.memory_space<vmem>>) semaphore(%arg12 : memref<!tpu.dma_semaphore, #tpu.memory_space<semaphore_mem>>) {add = true}
    %add3A_116 = arith.constant 16 : i32
    %add3A_117 = arith.addi %arg1, %add3A_116 : i32
    %mul3A_118 = arith.constant 80 : i32
    %mul3A_119 = arith.muli %add3A_117, %mul3A_118 : i32
    %run_scoped3A_120 = arith.constant 1 : i32
    "tpu.region"() ({
      %run_scoped3A_376 = tpu.sem_alloc : memref<!tpu.dma_semaphore, #tpu.memory_space<semaphore_mem>>
      %dma_start3A_377 = arith.constant 0 : i32
      %dma_start3A_378 = tpu.memref_slice %arg6[%run_scoped3A_120, %dma_start3A_377] : memref<2x80xi32, #tpu.memory_space<vmem>> -> memref<1x80xi32, #tpu.memory_space<vmem>>
      %dma_start3A_379 = tpu.memref_squeeze %dma_start3A_378 : memref<1x80xi32, #tpu.memory_space<vmem>> -> memref<80xi32, #tpu.memory_space<vmem>>
      %dma_start3A_380 = tpu.memref_slice %arg3[%mul3A_119] : memref<160000xi32, #tpu.memory_space<hbm>> -> memref<80xi32, #tpu.memory_space<hbm>>
      %dma_start3A_381 = arith.constant 0 : i32
      %dma_start3A_382 = tpu.memref_slice %arg6[%run_scoped3A_120, %dma_start3A_381] : memref<2x80xi32, #tpu.memory_space<vmem>> -> memref<1x80xi32, #tpu.memory_space<vmem>>
      %dma_start3A_383 = tpu.memref_squeeze %dma_start3A_382 : memref<1x80xi32, #tpu.memory_space<vmem>> -> memref<80xi32, #tpu.memory_space<vmem>>
      %dma_start3A_384 = tpu.memref_slice %arg3[%mul3A_119] : memref<160000xi32, #tpu.memory_space<hbm>> -> memref<80xi32, #tpu.memory_space<hbm>>
      tpu.enqueue_dma source(%dma_start3A_384 : memref<80xi32, #tpu.memory_space<hbm>>) target(%dma_start3A_383 : memref<80xi32, #tpu.memory_space<vmem>>) target_semaphore(%run_scoped3A_376 : memref<!tpu.dma_semaphore, #tpu.memory_space<semaphore_mem>>)
      %dma_wait3A_385 = arith.constant 0 : i32
      %dma_wait3A_386 = tpu.memref_slice %arg6[%run_scoped3A_120, %dma_wait3A_385] : memref<2x80xi32, #tpu.memory_space<vmem>> -> memref<1x80xi32, #tpu.memory_space<vmem>>
      %dma_wait3A_387 = tpu.memref_squeeze %dma_wait3A_386 : memref<1x80xi32, #tpu.memory_space<vmem>> -> memref<80xi32, #tpu.memory_space<vmem>>
      %dma_wait3A_388 = tpu.memref_slice %arg3[%mul3A_119] : memref<160000xi32, #tpu.memory_space<hbm>> -> memref<80xi32, #tpu.memory_space<hbm>>
      %dma_wait3A_389 = arith.constant 0 : i32
      %dma_wait3A_390 = tpu.memref_slice %arg6[%run_scoped3A_120, %dma_wait3A_389] : memref<2x80xi32, #tpu.memory_space<vmem>> -> memref<1x80xi32, #tpu.memory_space<vmem>>
      %dma_wait3A_391 = tpu.memref_squeeze %dma_wait3A_390 : memref<1x80xi32, #tpu.memory_space<vmem>> -> memref<80xi32, #tpu.memory_space<vmem>>
      %dma_wait3A_392 = tpu.memref_slice %arg3[%mul3A_119] : memref<160000xi32, #tpu.memory_space<hbm>> -> memref<80xi32, #tpu.memory_space<hbm>>
      tpu.wait_dma2 semaphore(%run_scoped3A_376 : memref<!tpu.dma_semaphore, #tpu.memory_space<semaphore_mem>>) src(%dma_wait3A_392 : memref<80xi32, #tpu.memory_space<hbm>>) dst(%dma_wait3A_391 : memref<80xi32, #tpu.memory_space<vmem>>)
      tpu.yield
    }) : () -> ()
    %get3A_121 = arith.constant 1 : i32
    %get3A_122 = arith.index_cast %get3A_121 : i32 to index
    %get3A_123 = arith.constant 0 : index
    %get3A_124 = tpu.vector_load %arg6[%get3A_122, %get3A_123] {strides = array<i32>} : memref<2x80xi32, #tpu.memory_space<vmem>>, vector<1x16xi32>,
    %get3A_125 = vector.shape_cast %get3A_124 : vector<1x16xi32> to vector<16xi32>
    %add3A_126 = arith.addi %get3A_125, %broadcast_in_dim3A : vector<16xi32>
    %swap3A_127 = arith.constant 1 : i32
    %swap3A_128 = arith.index_cast %swap3A_127 : i32 to index
    %swap3A_129 = arith.constant 0 : index
    %swap3A_130 = tpu.vector_load %arg6[%swap3A_128, %swap3A_129] {strides = array<i32>} : memref<2x80xi32, #tpu.memory_space<vmem>>, vector<1x16xi32>,
    %swap3A_131 = vector.shape_cast %swap3A_130 : vector<1x16xi32> to vector<16xi32>
    %swap3A_132 = vector.shape_cast %add3A_126 : vector<16xi32> to vector<1x16xi32>
    tpu.vector_store %arg6[%swap3A_128, %swap3A_129], %swap3A_132 {strides = array<i32>} : memref<2x80xi32, #tpu.memory_space<vmem>>, vector<1x16xi32>,
    %get3A_133 = arith.constant 1 : i32
    %get3A_134 = arith.index_cast %get3A_133 : i32 to index
    %get3A_135 = arith.constant 16 : index
    %get3A_136 = tpu.vector_load %arg6[%get3A_134, %get3A_135] {strides = array<i32>} : memref<2x80xi32, #tpu.memory_space<vmem>>, vector<1x16xi32>,
    %get3A_137 = vector.shape_cast %get3A_136 : vector<1x16xi32> to vector<16xi32>
    %add3A_138 = arith.addi %get3A_137, %broadcast_in_dim3A : vector<16xi32>
    %swap3A_139 = arith.constant 1 : i32
    %swap3A_140 = arith.index_cast %swap3A_139 : i32 to index
    %swap3A_141 = arith.constant 16 : index
    %swap3A_142 = tpu.vector_load %arg6[%swap3A_140, %swap3A_141] {strides = array<i32>} : memref<2x80xi32, #tpu.memory_space<vmem>>, vector<1x16xi32>,
    %swap3A_143 = vector.shape_cast %swap3A_142 : vector<1x16xi32> to vector<16xi32>
    %swap3A_144 = vector.shape_cast %add3A_138 : vector<16xi32> to vector<1x16xi32>
    tpu.vector_store %arg6[%swap3A_140, %swap3A_141], %swap3A_144 {strides = array<i32>} : memref<2x80xi32, #tpu.memory_space<vmem>>, vector<1x16xi32>,
    %get3A_145 = arith.constant 1 : i32
    %get3A_146 = arith.index_cast %get3A_145 : i32 to index
    %get3A_147 = arith.constant 32 : index
    %get3A_148 = tpu.vector_load %arg6[%get3A_146, %get3A_147] {strides = array<i32>} : memref<2x80xi32, #tpu.memory_space<vmem>>, vector<1x16xi32>,
    %get3A_149 = vector.shape_cast %get3A_148 : vector<1x16xi32> to vector<16xi32>
    %add3A_150 = arith.addi %get3A_149, %broadcast_in_dim3A : vector<16xi32>
    %swap3A_151 = arith.constant 1 : i32
    %swap3A_152 = arith.index_cast %swap3A_151 : i32 to index
    %swap3A_153 = arith.constant 32 : index
    %swap3A_154 = tpu.vector_load %arg6[%swap3A_152, %swap3A_153] {strides = array<i32>} : memref<2x80xi32, #tpu.memory_space<vmem>>, vector<1x16xi32>,
    %swap3A_155 = vector.shape_cast %swap3A_154 : vector<1x16xi32> to vector<16xi32>
    %swap3A_156 = vector.shape_cast %add3A_150 : vector<16xi32> to vector<1x16xi32>
    tpu.vector_store %arg6[%swap3A_152, %swap3A_153], %swap3A_156 {strides = array<i32>} : memref<2x80xi32, #tpu.memory_space<vmem>>, vector<1x16xi32>,
    %get3A_157 = arith.constant 1 : i32
    %get3A_158 = arith.index_cast %get3A_157 : i32 to index
    %get3A_159 = arith.constant 48 : index
    %get3A_160 = tpu.vector_load %arg6[%get3A_158, %get3A_159] {strides = array<i32>} : memref<2x80xi32, #tpu.memory_space<vmem>>, vector<1x16xi32>,
    %get3A_161 = vector.shape_cast %get3A_160 : vector<1x16xi32> to vector<16xi32>
    %add3A_162 = arith.addi %get3A_161, %broadcast_in_dim3A : vector<16xi32>
    %swap3A_163 = arith.constant 1 : i32
    %swap3A_164 = arith.index_cast %swap3A_163 : i32 to index
    %swap3A_165 = arith.constant 48 : index
    %swap3A_166 = tpu.vector_load %arg6[%swap3A_164, %swap3A_165] {strides = array<i32>} : memref<2x80xi32, #tpu.memory_space<vmem>>, vector<1x16xi32>,
    %swap3A_167 = vector.shape_cast %swap3A_166 : vector<1x16xi32> to vector<16xi32>
    %swap3A_168 = vector.shape_cast %add3A_162 : vector<16xi32> to vector<1x16xi32>
    tpu.vector_store %arg6[%swap3A_164, %swap3A_165], %swap3A_168 {strides = array<i32>} : memref<2x80xi32, #tpu.memory_space<vmem>>, vector<1x16xi32>,
    %get3A_169 = arith.constant 1 : i32
    %get3A_170 = arith.index_cast %get3A_169 : i32 to index
    %get3A_171 = arith.constant 64 : index
    %get3A_172 = tpu.vector_load %arg6[%get3A_170, %get3A_171] {strides = array<i32>} : memref<2x80xi32, #tpu.memory_space<vmem>>, vector<1x16xi32>,
    %get3A_173 = vector.shape_cast %get3A_172 : vector<1x16xi32> to vector<16xi32>
    %add3A_174 = arith.addi %get3A_173, %broadcast_in_dim3A : vector<16xi32>
    %swap3A_175 = arith.constant 1 : i32
    %swap3A_176 = arith.index_cast %swap3A_175 : i32 to index
    %swap3A_177 = arith.constant 64 : index
    %swap3A_178 = tpu.vector_load %arg6[%swap3A_176, %swap3A_177] {strides = array<i32>} : memref<2x80xi32, #tpu.memory_space<vmem>>, vector<1x16xi32>,
    %swap3A_179 = vector.shape_cast %swap3A_178 : vector<1x16xi32> to vector<16xi32>
    %swap3A_180 = vector.shape_cast %add3A_174 : vector<16xi32> to vector<1x16xi32>
    tpu.vector_store %arg6[%swap3A_176, %swap3A_177], %swap3A_180 {strides = array<i32>} : memref<2x80xi32, #tpu.memory_space<vmem>>, vector<1x16xi32>,
    %dma_start3A_181 = arith.constant 1 : i32
    %dma_start3A_182 = arith.constant 1 : i32
    %dma_start3A_183 = arith.constant 0 : i32
    %dma_start3A_184 = arith.constant 0 : i32
    %dma_start3A_185 = tpu.memref_slice %arg8[%dma_start3A_182, %dma_start3A_183, %dma_start3A_184] : memref<2x80x128xf32, #tpu.memory_space<vmem>> -> memref<1x80x128xf32, #tpu.memory_space<vmem>>
    %dma_start3A_186 = tpu.memref_squeeze %dma_start3A_185 : memref<1x80x128xf32, #tpu.memory_space<vmem>> -> memref<80x128xf32, #tpu.memory_space<vmem>>
    %dma_start3A_187 = arith.constant 0 : i32
    %dma_start3A_188 = tpu.memref_slice %arg6[%dma_start3A_181, %dma_start3A_187] : memref<2x80xi32, #tpu.memory_space<vmem>> -> memref<1x80xi32, #tpu.memory_space<vmem>>
    %dma_start3A_189 = tpu.memref_squeeze %dma_start3A_188 : memref<1x80xi32, #tpu.memory_space<vmem>> -> memref<80xi32, #tpu.memory_space<vmem>>
    %dma_start3A_190 = arith.constant 0 : i32
    %dma_start3A_191 = arith.constant 0 : i32
    %dma_start3A_192 = tpu.memref_slice %arg2[%dma_start3A_190, %dma_start3A_191] : memref<20000x128xf32, #tpu.memory_space<hbm>> -> memref<20000x128xf32, #tpu.memory_space<hbm>>
    tpu.enqueue_indirect_dma source(%dma_start3A_192 : memref<20000x128xf32, #tpu.memory_space<hbm>>) target(%dma_start3A_186 : memref<80x128xf32, #tpu.memory_space<vmem>>) offsets(%dma_start3A_189 : memref<80xi32, #tpu.memory_space<vmem>>) semaphore(%arg11 : memref<!tpu.dma_semaphore, #tpu.memory_space<semaphore_mem>>)
    %run_scoped3A_193 = arith.constant 1 : i32
    "tpu.region"() ({
      %run_scoped3A_376 = tpu.sem_alloc : memref<!tpu.dma_semaphore, #tpu.memory_space<semaphore_mem>>
      %dma_start3A_377 = arith.constant 0 : i32
      %dma_start3A_378 = tpu.memref_slice %arg7[%run_scoped3A_193, %dma_start3A_377] : memref<2x80xi32, #tpu.memory_space<vmem>> -> memref<1x80xi32, #tpu.memory_space<vmem>>
      %dma_start3A_379 = tpu.memref_squeeze %dma_start3A_378 : memref<1x80xi32, #tpu.memory_space<vmem>> -> memref<80xi32, #tpu.memory_space<vmem>>
      %dma_start3A_380 = tpu.memref_slice %arg4[%mul3A_119] : memref<160000xi32, #tpu.memory_space<hbm>> -> memref<80xi32, #tpu.memory_space<hbm>>
      %dma_start3A_381 = arith.constant 0 : i32
      %dma_start3A_382 = tpu.memref_slice %arg7[%run_scoped3A_193, %dma_start3A_381] : memref<2x80xi32, #tpu.memory_space<vmem>> -> memref<1x80xi32, #tpu.memory_space<vmem>>
      %dma_start3A_383 = tpu.memref_squeeze %dma_start3A_382 : memref<1x80xi32, #tpu.memory_space<vmem>> -> memref<80xi32, #tpu.memory_space<vmem>>
      %dma_start3A_384 = tpu.memref_slice %arg4[%mul3A_119] : memref<160000xi32, #tpu.memory_space<hbm>> -> memref<80xi32, #tpu.memory_space<hbm>>
      tpu.enqueue_dma source(%dma_start3A_384 : memref<80xi32, #tpu.memory_space<hbm>>) target(%dma_start3A_383 : memref<80xi32, #tpu.memory_space<vmem>>) target_semaphore(%run_scoped3A_376 : memref<!tpu.dma_semaphore, #tpu.memory_space<semaphore_mem>>)
      %dma_wait3A_385 = arith.constant 0 : i32
      %dma_wait3A_386 = tpu.memref_slice %arg7[%run_scoped3A_193, %dma_wait3A_385] : memref<2x80xi32, #tpu.memory_space<vmem>> -> memref<1x80xi32, #tpu.memory_space<vmem>>
      %dma_wait3A_387 = tpu.memref_squeeze %dma_wait3A_386 : memref<1x80xi32, #tpu.memory_space<vmem>> -> memref<80xi32, #tpu.memory_space<vmem>>
      %dma_wait3A_388 = tpu.memref_slice %arg4[%mul3A_119] : memref<160000xi32, #tpu.memory_space<hbm>> -> memref<80xi32, #tpu.memory_space<hbm>>
      %dma_wait3A_389 = arith.constant 0 : i32
      %dma_wait3A_390 = tpu.memref_slice %arg7[%run_scoped3A_193, %dma_wait3A_389] : memref<2x80xi32, #tpu.memory_space<vmem>> -> memref<1x80xi32, #tpu.memory_space<vmem>>
      %dma_wait3A_391 = tpu.memref_squeeze %dma_wait3A_390 : memref<1x80xi32, #tpu.memory_space<vmem>> -> memref<80xi32, #tpu.memory_space<vmem>>
      %dma_wait3A_392 = tpu.memref_slice %arg4[%mul3A_119] : memref<160000xi32, #tpu.memory_space<hbm>> -> memref<80xi32, #tpu.memory_space<hbm>>
      tpu.wait_dma2 semaphore(%run_scoped3A_376 : memref<!tpu.dma_semaphore, #tpu.memory_space<semaphore_mem>>) src(%dma_wait3A_392 : memref<80xi32, #tpu.memory_space<hbm>>) dst(%dma_wait3A_391 : memref<80xi32, #tpu.memory_space<vmem>>)
      tpu.yield
    }) : () -> ()
    %scan3A = arith.constant 0 : i32
    %scan3A_194 = arith.constant 1 : i32
    %scan3A_195 = arith.constant 61 : i32
    %scan3A_196 = arith.addi %scan3A_194, %scan3A_195 : i32
    %scan3A_197 = arith.constant 1 : i32
    %scan3A_198 = scf.for %scan3A_376 = %scan3A_194 to %scan3A_196 step %scan3A_197 iter_args(%scan3A_377 = %scan3A) -> (i32)  : i32 {
      %mul3A_378 = arith.constant 2 : i32
      %mul3A_379 = arith.muli %mul3A_378, %scan3A_376 : i32
      %sub3A = arith.constant 1 : i32
      %sub3A_380 = arith.subi %mul3A_379, %sub3A : i32
      %dma_wait3A_381 = arith.constant 1 : i32
      %dma_wait3A_382 = arith.constant 1 : i32
      %dma_wait3A_383 = arith.constant 0 : i32
      %dma_wait3A_384 = arith.constant 0 : i32
      %dma_wait3A_385 = tpu.memref_slice %arg8[%dma_wait3A_382, %dma_wait3A_383, %dma_wait3A_384] : memref<2x80x128xf32, #tpu.memory_space<vmem>> -> memref<1x80x128xf32, #tpu.memory_space<vmem>>
      %dma_wait3A_386 = tpu.memref_squeeze %dma_wait3A_385 : memref<1x80x128xf32, #tpu.memory_space<vmem>> -> memref<80x128xf32, #tpu.memory_space<vmem>>
      %dma_wait3A_387 = arith.constant 0 : i32
      %dma_wait3A_388 = tpu.memref_slice %arg6[%dma_wait3A_381, %dma_wait3A_387] : memref<2x80xi32, #tpu.memory_space<vmem>> -> memref<1x80xi32, #tpu.memory_space<vmem>>
      %dma_wait3A_389 = tpu.memref_squeeze %dma_wait3A_388 : memref<1x80xi32, #tpu.memory_space<vmem>> -> memref<80xi32, #tpu.memory_space<vmem>>
      %dma_wait3A_390 = arith.constant 0 : i32
      %dma_wait3A_391 = arith.constant 0 : i32
      %dma_wait3A_392 = tpu.memref_slice %arg2[%dma_wait3A_390, %dma_wait3A_391] : memref<20000x128xf32, #tpu.memory_space<hbm>> -> memref<20000x128xf32, #tpu.memory_space<hbm>>
      tpu.wait_indirect_dma semaphore(%arg11 : memref<!tpu.dma_semaphore, #tpu.memory_space<semaphore_mem>>) src(%dma_wait3A_392 : memref<20000x128xf32, #tpu.memory_space<hbm>>) dst(%dma_wait3A_386 : memref<80x128xf32, #tpu.memory_space<vmem>>)
      %dma_start3A_393 = arith.constant 1 : i32
      %dma_start3A_394 = arith.constant 1 : i32
      %dma_start3A_395 = arith.constant 0 : i32
      %dma_start3A_396 = arith.constant 0 : i32
      %dma_start3A_397 = tpu.memref_slice %arg8[%dma_start3A_393, %dma_start3A_395, %dma_start3A_396] : memref<2x80x128xf32, #tpu.memory_space<vmem>> -> memref<1x80x128xf32, #tpu.memory_space<vmem>>
      %dma_start3A_398 = tpu.memref_squeeze %dma_start3A_397 : memref<1x80x128xf32, #tpu.memory_space<vmem>> -> memref<80x128xf32, #tpu.memory_space<vmem>>
      %dma_start3A_399 = arith.constant 0 : i32
      %dma_start3A_400 = tpu.memref_slice %arg7[%dma_start3A_394, %dma_start3A_399] : memref<2x80xi32, #tpu.memory_space<vmem>> -> memref<1x80xi32, #tpu.memory_space<vmem>>
      %dma_start3A_401 = tpu.memref_squeeze %dma_start3A_400 : memref<1x80xi32, #tpu.memory_space<vmem>> -> memref<80xi32, #tpu.memory_space<vmem>>
      %dma_start3A_402 = arith.constant 0 : i32
      %dma_start3A_403 = arith.constant 0 : i32
      %dma_start3A_404 = tpu.memref_slice %arg14[%dma_start3A_402, %dma_start3A_403] : memref<10000x128xf32, #tpu.memory_space<vmem_shared>> -> memref<10000x128xf32, #tpu.memory_space<vmem_shared>>
      tpu.enqueue_indirect_dma source(%dma_start3A_398 : memref<80x128xf32, #tpu.memory_space<vmem>>) target(%dma_start3A_404 : memref<10000x128xf32, #tpu.memory_space<vmem_shared>>) offsets(%dma_start3A_401 : memref<80xi32, #tpu.memory_space<vmem>>) semaphore(%arg13 : memref<!tpu.dma_semaphore, #tpu.memory_space<semaphore_mem>>) {add = true}
      %dma_wait3A_405 = arith.constant 0 : i32
      %dma_wait3A_406 = arith.constant 0 : i32
      %dma_wait3A_407 = arith.constant 0 : i32
      %dma_wait3A_408 = arith.constant 0 : i32
      %dma_wait3A_409 = tpu.memref_slice %arg8[%dma_wait3A_405, %dma_wait3A_407, %dma_wait3A_408] : memref<2x80x128xf32, #tpu.memory_space<vmem>> -> memref<1x80x128xf32, #tpu.memory_space<vmem>>
      %dma_wait3A_410 = tpu.memref_squeeze %dma_wait3A_409 : memref<1x80x128xf32, #tpu.memory_space<vmem>> -> memref<80x128xf32, #tpu.memory_space<vmem>>
      %dma_wait3A_411 = arith.constant 0 : i32
      %dma_wait3A_412 = tpu.memref_slice %arg7[%dma_wait3A_406, %dma_wait3A_411] : memref<2x80xi32, #tpu.memory_space<vmem>> -> memref<1x80xi32, #tpu.memory_space<vmem>>
      %dma_wait3A_413 = tpu.memref_squeeze %dma_wait3A_412 : memref<1x80xi32, #tpu.memory_space<vmem>> -> memref<80xi32, #tpu.memory_space<vmem>>
      %dma_wait3A_414 = arith.constant 0 : i32
      %dma_wait3A_415 = arith.constant 0 : i32
      %dma_wait3A_416 = tpu.memref_slice %arg14[%dma_wait3A_414, %dma_wait3A_415] : memref<10000x128xf32, #tpu.memory_space<vmem_shared>> -> memref<10000x128xf32, #tpu.memory_space<vmem_shared>>
      tpu.wait_indirect_dma semaphore(%arg12 : memref<!tpu.dma_semaphore, #tpu.memory_space<semaphore_mem>>) src(%dma_wait3A_410 : memref<80x128xf32, #tpu.memory_space<vmem>>) dst(%dma_wait3A_416 : memref<10000x128xf32, #tpu.memory_space<vmem_shared>>)
      %add3A_417 = arith.constant 1 : i32
      %add3A_418 = arith.addi %sub3A_380, %add3A_417 : i32
      %mul3A_419 = arith.constant 16 : i32
      %mul3A_420 = arith.muli %mul3A_419, %add3A_418 : i32
      %add3A_421 = arith.addi %arg1, %mul3A_420 : i32
      %mul3A_422 = arith.constant 80 : i32
      %mul3A_423 = arith.muli %add3A_421, %mul3A_422 : i32
      %run_scoped3A_424 = arith.constant 0 : i32
      "tpu.region"() ({
        %run_scoped3A_616 = tpu.sem_alloc : memref<!tpu.dma_semaphore, #tpu.memory_space<semaphore_mem>>
        %dma_start3A_617 = arith.constant 0 : i32
        %dma_start3A_618 = tpu.memref_slice %arg6[%run_scoped3A_424, %dma_start3A_617] : memref<2x80xi32, #tpu.memory_space<vmem>> -> memref<1x80xi32, #tpu.memory_space<vmem>>
        %dma_start3A_619 = tpu.memref_squeeze %dma_start3A_618 : memref<1x80xi32, #tpu.memory_space<vmem>> -> memref<80xi32, #tpu.memory_space<vmem>>
        %dma_start3A_620 = tpu.memref_slice %arg3[%mul3A_423] : memref<160000xi32, #tpu.memory_space<hbm>> -> memref<80xi32, #tpu.memory_space<hbm>>
        %dma_start3A_621 = arith.constant 0 : i32
        %dma_start3A_622 = tpu.memref_slice %arg6[%run_scoped3A_424, %dma_start3A_621] : memref<2x80xi32, #tpu.memory_space<vmem>> -> memref<1x80xi32, #tpu.memory_space<vmem>>
        %dma_start3A_623 = tpu.memref_squeeze %dma_start3A_622 : memref<1x80xi32, #tpu.memory_space<vmem>> -> memref<80xi32, #tpu.memory_space<vmem>>
        %dma_start3A_624 = tpu.memref_slice %arg3[%mul3A_423] : memref<160000xi32, #tpu.memory_space<hbm>> -> memref<80xi32, #tpu.memory_space<hbm>>
        tpu.enqueue_dma source(%dma_start3A_624 : memref<80xi32, #tpu.memory_space<hbm>>) target(%dma_start3A_623 : memref<80xi32, #tpu.memory_space<vmem>>) target_semaphore(%run_scoped3A_616 : memref<!tpu.dma_semaphore, #tpu.memory_space<semaphore_mem>>)
        %dma_wait3A_625 = arith.constant 0 : i32
        %dma_wait3A_626 = tpu.memref_slice %arg6[%run_scoped3A_424, %dma_wait3A_625] : memref<2x80xi32, #tpu.memory_space<vmem>> -> memref<1x80xi32, #tpu.memory_space<vmem>>
        %dma_wait3A_627 = tpu.memref_squeeze %dma_wait3A_626 : memref<1x80xi32, #tpu.memory_space<vmem>> -> memref<80xi32, #tpu.memory_space<vmem>>
        %dma_wait3A_628 = tpu.memref_slice %arg3[%mul3A_423] : memref<160000xi32, #tpu.memory_space<hbm>> -> memref<80xi32, #tpu.memory_space<hbm>>
        %dma_wait3A_629 = arith.constant 0 : i32
        %dma_wait3A_630 = tpu.memref_slice %arg6[%run_scoped3A_424, %dma_wait3A_629] : memref<2x80xi32, #tpu.memory_space<vmem>> -> memref<1x80xi32, #tpu.memory_space<vmem>>
        %dma_wait3A_631 = tpu.memref_squeeze %dma_wait3A_630 : memref<1x80xi32, #tpu.memory_space<vmem>> -> memref<80xi32, #tpu.memory_space<vmem>>
        %dma_wait3A_632 = tpu.memref_slice %arg3[%mul3A_423] : memref<160000xi32, #tpu.memory_space<hbm>> -> memref<80xi32, #tpu.memory_space<hbm>>
        tpu.wait_dma2 semaphore(%run_scoped3A_616 : memref<!tpu.dma_semaphore, #tpu.memory_space<semaphore_mem>>) src(%dma_wait3A_632 : memref<80xi32, #tpu.memory_space<hbm>>) dst(%dma_wait3A_631 : memref<80xi32, #tpu.memory_space<vmem>>)
        tpu.yield
      }) : () -> ()
      %get3A_425 = arith.constant 0 : i32
      %get3A_426 = arith.index_cast %get3A_425 : i32 to index
      %get3A_427 = arith.constant 0 : index
      %get3A_428 = tpu.vector_load %arg6[%get3A_426, %get3A_427] {strides = array<i32>} : memref<2x80xi32, #tpu.memory_space<vmem>>, vector<1x16xi32>,
      %get3A_429 = vector.shape_cast %get3A_428 : vector<1x16xi32> to vector<16xi32>
      %add3A_430 = arith.addi %get3A_429, %broadcast_in_dim3A : vector<16xi32>
      %swap3A_431 = arith.constant 0 : i32
      %swap3A_432 = arith.index_cast %swap3A_431 : i32 to index
      %swap3A_433 = arith.constant 0 : index
      %swap3A_434 = tpu.vector_load %arg6[%swap3A_432, %swap3A_433] {strides = array<i32>} : memref<2x80xi32, #tpu.memory_space<vmem>>, vector<1x16xi32>,
      %swap3A_435 = vector.shape_cast %swap3A_434 : vector<1x16xi32> to vector<16xi32>
      %swap3A_436 = vector.shape_cast %add3A_430 : vector<16xi32> to vector<1x16xi32>
      tpu.vector_store %arg6[%swap3A_432, %swap3A_433], %swap3A_436 {strides = array<i32>} : memref<2x80xi32, #tpu.memory_space<vmem>>, vector<1x16xi32>,
      %get3A_437 = arith.constant 0 : i32
      %get3A_438 = arith.index_cast %get3A_437 : i32 to index
      %get3A_439 = arith.constant 16 : index
      %get3A_440 = tpu.vector_load %arg6[%get3A_438, %get3A_439] {strides = array<i32>} : memref<2x80xi32, #tpu.memory_space<vmem>>, vector<1x16xi32>,
      %get3A_441 = vector.shape_cast %get3A_440 : vector<1x16xi32> to vector<16xi32>
      %add3A_442 = arith.addi %get3A_441, %broadcast_in_dim3A : vector<16xi32>
      %swap3A_443 = arith.constant 0 : i32
      %swap3A_444 = arith.index_cast %swap3A_443 : i32 to index
      %swap3A_445 = arith.constant 16 : index
      %swap3A_446 = tpu.vector_load %arg6[%swap3A_444, %swap3A_445] {strides = array<i32>} : memref<2x80xi32, #tpu.memory_space<vmem>>, vector<1x16xi32>,
      %swap3A_447 = vector.shape_cast %swap3A_446 : vector<1x16xi32> to vector<16xi32>
      %swap3A_448 = vector.shape_cast %add3A_442 : vector<16xi32> to vector<1x16xi32>
      tpu.vector_store %arg6[%swap3A_444, %swap3A_445], %swap3A_448 {strides = array<i32>} : memref<2x80xi32, #tpu.memory_space<vmem>>, vector<1x16xi32>,
      %get3A_449 = arith.constant 0 : i32
      %get3A_450 = arith.index_cast %get3A_449 : i32 to index
      %get3A_451 = arith.constant 32 : index
      %get3A_452 = tpu.vector_load %arg6[%get3A_450, %get3A_451] {strides = array<i32>} : memref<2x80xi32, #tpu.memory_space<vmem>>, vector<1x16xi32>,
      %get3A_453 = vector.shape_cast %get3A_452 : vector<1x16xi32> to vector<16xi32>
      %add3A_454 = arith.addi %get3A_453, %broadcast_in_dim3A : vector<16xi32>
      %swap3A_455 = arith.constant 0 : i32
      %swap3A_456 = arith.index_cast %swap3A_455 : i32 to index
      %swap3A_457 = arith.constant 32 : index
      %swap3A_458 = tpu.vector_load %arg6[%swap3A_456, %swap3A_457] {strides = array<i32>} : memref<2x80xi32, #tpu.memory_space<vmem>>, vector<1x16xi32>,
      %swap3A_459 = vector.shape_cast %swap3A_458 : vector<1x16xi32> to vector<16xi32>
      %swap3A_460 = vector.shape_cast %add3A_454 : vector<16xi32> to vector<1x16xi32>
      tpu.vector_store %arg6[%swap3A_456, %swap3A_457], %swap3A_460 {strides = array<i32>} : memref<2x80xi32, #tpu.memory_space<vmem>>, vector<1x16xi32>,
      %get3A_461 = arith.constant 0 : i32
      %get3A_462 = arith.index_cast %get3A_461 : i32 to index
      %get3A_463 = arith.constant 48 : index
      %get3A_464 = tpu.vector_load %arg6[%get3A_462, %get3A_463] {strides = array<i32>} : memref<2x80xi32, #tpu.memory_space<vmem>>, vector<1x16xi32>,
      %get3A_465 = vector.shape_cast %get3A_464 : vector<1x16xi32> to vector<16xi32>
      %add3A_466 = arith.addi %get3A_465, %broadcast_in_dim3A : vector<16xi32>
      %swap3A_467 = arith.constant 0 : i32
      %swap3A_468 = arith.index_cast %swap3A_467 : i32 to index
      %swap3A_469 = arith.constant 48 : index
      %swap3A_470 = tpu.vector_load %arg6[%swap3A_468, %swap3A_469] {strides = array<i32>} : memref<2x80xi32, #tpu.memory_space<vmem>>, vector<1x16xi32>,
      %swap3A_471 = vector.shape_cast %swap3A_470 : vector<1x16xi32> to vector<16xi32>
      %swap3A_472 = vector.shape_cast %add3A_466 : vector<16xi32> to vector<1x16xi32>
      tpu.vector_store %arg6[%swap3A_468, %swap3A_469], %swap3A_472 {strides = array<i32>} : memref<2x80xi32, #tpu.memory_space<vmem>>, vector<1x16xi32>,
      %get3A_473 = arith.constant 0 : i32
      %get3A_474 = arith.index_cast %get3A_473 : i32 to index
      %get3A_475 = arith.constant 64 : index
      %get3A_476 = tpu.vector_load %arg6[%get3A_474, %get3A_475] {strides = array<i32>} : memref<2x80xi32, #tpu.memory_space<vmem>>, vector<1x16xi32>,
      %get3A_477 = vector.shape_cast %get3A_476 : vector<1x16xi32> to vector<16xi32>
      %add3A_478 = arith.addi %get3A_477, %broadcast_in_dim3A : vector<16xi32>
      %swap3A_479 = arith.constant 0 : i32
      %swap3A_480 = arith.index_cast %swap3A_479 : i32 to index
      %swap3A_481 = arith.constant 64 : index
      %swap3A_482 = tpu.vector_load %arg6[%swap3A_480, %swap3A_481] {strides = array<i32>} : memref<2x80xi32, #tpu.memory_space<vmem>>, vector<1x16xi32>,
      %swap3A_483 = vector.shape_cast %swap3A_482 : vector<1x16xi32> to vector<16xi32>
      %swap3A_484 = vector.shape_cast %add3A_478 : vector<16xi32> to vector<1x16xi32>
      tpu.vector_store %arg6[%swap3A_480, %swap3A_481], %swap3A_484 {strides = array<i32>} : memref<2x80xi32, #tpu.memory_space<vmem>>, vector<1x16xi32>,
      %dma_start3A_485 = arith.constant 0 : i32
      %dma_start3A_486 = arith.constant 0 : i32
      %dma_start3A_487 = arith.constant 0 : i32
      %dma_start3A_488 = arith.constant 0 : i32
      %dma_start3A_489 = tpu.memref_slice %arg8[%dma_start3A_486, %dma_start3A_487, %dma_start3A_488] : memref<2x80x128xf32, #tpu.memory_space<vmem>> -> memref<1x80x128xf32, #tpu.memory_space<vmem>>
      %dma_start3A_490 = tpu.memref_squeeze %dma_start3A_489 : memref<1x80x128xf32, #tpu.memory_space<vmem>> -> memref<80x128xf32, #tpu.memory_space<vmem>>
      %dma_start3A_491 = arith.constant 0 : i32
      %dma_start3A_492 = tpu.memref_slice %arg6[%dma_start3A_485, %dma_start3A_491] : memref<2x80xi32, #tpu.memory_space<vmem>> -> memref<1x80xi32, #tpu.memory_space<vmem>>
      %dma_start3A_493 = tpu.memref_squeeze %dma_start3A_492 : memref<1x80xi32, #tpu.memory_space<vmem>> -> memref<80xi32, #tpu.memory_space<vmem>>
      %dma_start3A_494 = arith.constant 0 : i32
      %dma_start3A_495 = arith.constant 0 : i32
      %dma_start3A_496 = tpu.memref_slice %arg2[%dma_start3A_494, %dma_start3A_495] : memref<20000x128xf32, #tpu.memory_space<hbm>> -> memref<20000x128xf32, #tpu.memory_space<hbm>>
      tpu.enqueue_indirect_dma source(%dma_start3A_496 : memref<20000x128xf32, #tpu.memory_space<hbm>>) target(%dma_start3A_490 : memref<80x128xf32, #tpu.memory_space<vmem>>) offsets(%dma_start3A_493 : memref<80xi32, #tpu.memory_space<vmem>>) semaphore(%arg10 : memref<!tpu.dma_semaphore, #tpu.memory_space<semaphore_mem>>)
      %run_scoped3A_497 = arith.constant 0 : i32
      "tpu.region"() ({
        %run_scoped3A_616 = tpu.sem_alloc : memref<!tpu.dma_semaphore, #tpu.memory_space<semaphore_mem>>
        %dma_start3A_617 = arith.constant 0 : i32
        %dma_start3A_618 = tpu.memref_slice %arg7[%run_scoped3A_497, %dma_start3A_617] : memref<2x80xi32, #tpu.memory_space<vmem>> -> memref<1x80xi32, #tpu.memory_space<vmem>>
        %dma_start3A_619 = tpu.memref_squeeze %dma_start3A_618 : memref<1x80xi32, #tpu.memory_space<vmem>> -> memref<80xi32, #tpu.memory_space<vmem>>
        %dma_start3A_620 = tpu.memref_slice %arg4[%mul3A_423] : memref<160000xi32, #tpu.memory_space<hbm>> -> memref<80xi32, #tpu.memory_space<hbm>>
        %dma_start3A_621 = arith.constant 0 : i32
        %dma_start3A_622 = tpu.memref_slice %arg7[%run_scoped3A_497, %dma_start3A_621] : memref<2x80xi32, #tpu.memory_space<vmem>> -> memref<1x80xi32, #tpu.memory_space<vmem>>
        %dma_start3A_623 = tpu.memref_squeeze %dma_start3A_622 : memref<1x80xi32, #tpu.memory_space<vmem>> -> memref<80xi32, #tpu.memory_space<vmem>>
        %dma_start3A_624 = tpu.memref_slice %arg4[%mul3A_423] : memref<160000xi32, #tpu.memory_space<hbm>> -> memref<80xi32, #tpu.memory_space<hbm>>
        tpu.enqueue_dma source(%dma_start3A_624 : memref<80xi32, #tpu.memory_space<hbm>>) target(%dma_start3A_623 : memref<80xi32, #tpu.memory_space<vmem>>) target_semaphore(%run_scoped3A_616 : memref<!tpu.dma_semaphore, #tpu.memory_space<semaphore_mem>>)
        %dma_wait3A_625 = arith.constant 0 : i32
        %dma_wait3A_626 = tpu.memref_slice %arg7[%run_scoped3A_497, %dma_wait3A_625] : memref<2x80xi32, #tpu.memory_space<vmem>> -> memref<1x80xi32, #tpu.memory_space<vmem>>
        %dma_wait3A_627 = tpu.memref_squeeze %dma_wait3A_626 : memref<1x80xi32, #tpu.memory_space<vmem>> -> memref<80xi32, #tpu.memory_space<vmem>>
        %dma_wait3A_628 = tpu.memref_slice %arg4[%mul3A_423] : memref<160000xi32, #tpu.memory_space<hbm>> -> memref<80xi32, #tpu.memory_space<hbm>>
        %dma_wait3A_629 = arith.constant 0 : i32
        %dma_wait3A_630 = tpu.memref_slice %arg7[%run_scoped3A_497, %dma_wait3A_629] : memref<2x80xi32, #tpu.memory_space<vmem>> -> memref<1x80xi32, #tpu.memory_space<vmem>>
        %dma_wait3A_631 = tpu.memref_squeeze %dma_wait3A_630 : memref<1x80xi32, #tpu.memory_space<vmem>> -> memref<80xi32, #tpu.memory_space<vmem>>
        %dma_wait3A_632 = tpu.memref_slice %arg4[%mul3A_423] : memref<160000xi32, #tpu.memory_space<hbm>> -> memref<80xi32, #tpu.memory_space<hbm>>
        tpu.wait_dma2 semaphore(%run_scoped3A_616 : memref<!tpu.dma_semaphore, #tpu.memory_space<semaphore_mem>>) src(%dma_wait3A_632 : memref<80xi32, #tpu.memory_space<hbm>>) dst(%dma_wait3A_631 : memref<80xi32, #tpu.memory_space<vmem>>)
        tpu.yield
      }) : () -> ()
      %dma_wait3A_498 = arith.constant 0 : i32
      %dma_wait3A_499 = arith.constant 0 : i32
      %dma_wait3A_500 = arith.constant 0 : i32
      %dma_wait3A_501 = arith.constant 0 : i32
      %dma_wait3A_502 = tpu.memref_slice %arg8[%dma_wait3A_499, %dma_wait3A_500, %dma_wait3A_501] : memref<2x80x128xf32, #tpu.memory_space<vmem>> -> memref<1x80x128xf32, #tpu.memory_space<vmem>>
      %dma_wait3A_503 = tpu.memref_squeeze %dma_wait3A_502 : memref<1x80x128xf32, #tpu.memory_space<vmem>> -> memref<80x128xf32, #tpu.memory_space<vmem>>
      %dma_wait3A_504 = arith.constant 0 : i32
      %dma_wait3A_505 = tpu.memref_slice %arg6[%dma_wait3A_498, %dma_wait3A_504] : memref<2x80xi32, #tpu.memory_space<vmem>> -> memref<1x80xi32, #tpu.memory_space<vmem>>
      %dma_wait3A_506 = tpu.memref_squeeze %dma_wait3A_505 : memref<1x80xi32, #tpu.memory_space<vmem>> -> memref<80xi32, #tpu.memory_space<vmem>>
      %dma_wait3A_507 = arith.constant 0 : i32
      %dma_wait3A_508 = arith.constant 0 : i32
      %dma_wait3A_509 = tpu.memref_slice %arg2[%dma_wait3A_507, %dma_wait3A_508] : memref<20000x128xf32, #tpu.memory_space<hbm>> -> memref<20000x128xf32, #tpu.memory_space<hbm>>
      tpu.wait_indirect_dma semaphore(%arg10 : memref<!tpu.dma_semaphore, #tpu.memory_space<semaphore_mem>>) src(%dma_wait3A_509 : memref<20000x128xf32, #tpu.memory_space<hbm>>) dst(%dma_wait3A_503 : memref<80x128xf32, #tpu.memory_space<vmem>>)
      %dma_start3A_510 = arith.constant 0 : i32
      %dma_start3A_511 = arith.constant 0 : i32
      %dma_start3A_512 = arith.constant 0 : i32
      %dma_start3A_513 = arith.constant 0 : i32
      %dma_start3A_514 = tpu.memref_slice %arg8[%dma_start3A_510, %dma_start3A_512, %dma_start3A_513] : memref<2x80x128xf32, #tpu.memory_space<vmem>> -> memref<1x80x128xf32, #tpu.memory_space<vmem>>
      %dma_start3A_515 = tpu.memref_squeeze %dma_start3A_514 : memref<1x80x128xf32, #tpu.memory_space<vmem>> -> memref<80x128xf32, #tpu.memory_space<vmem>>
      %dma_start3A_516 = arith.constant 0 : i32
      %dma_start3A_517 = tpu.memref_slice %arg7[%dma_start3A_511, %dma_start3A_516] : memref<2x80xi32, #tpu.memory_space<vmem>> -> memref<1x80xi32, #tpu.memory_space<vmem>>
      %dma_start3A_518 = tpu.memref_squeeze %dma_start3A_517 : memref<1x80xi32, #tpu.memory_space<vmem>> -> memref<80xi32, #tpu.memory_space<vmem>>
      %dma_start3A_519 = arith.constant 0 : i32
      %dma_start3A_520 = arith.constant 0 : i32
      %dma_start3A_521 = tpu.memref_slice %arg14[%dma_start3A_519, %dma_start3A_520] : memref<10000x128xf32, #tpu.memory_space<vmem_shared>> -> memref<10000x128xf32, #tpu.memory_space<vmem_shared>>
      tpu.enqueue_indirect_dma source(%dma_start3A_515 : memref<80x128xf32, #tpu.memory_space<vmem>>) target(%dma_start3A_521 : memref<10000x128xf32, #tpu.memory_space<vmem_shared>>) offsets(%dma_start3A_518 : memref<80xi32, #tpu.memory_space<vmem>>) semaphore(%arg12 : memref<!tpu.dma_semaphore, #tpu.memory_space<semaphore_mem>>) {add = true}
      %dma_wait3A_522 = arith.constant 1 : i32
      %dma_wait3A_523 = arith.constant 1 : i32
      %dma_wait3A_524 = arith.constant 0 : i32
      %dma_wait3A_525 = arith.constant 0 : i32
      %dma_wait3A_526 = tpu.memref_slice %arg8[%dma_wait3A_522, %dma_wait3A_524, %dma_wait3A_525] : memref<2x80x128xf32, #tpu.memory_space<vmem>> -> memref<1x80x128xf32, #tpu.memory_space<vmem>>
      %dma_wait3A_527 = tpu.memref_squeeze %dma_wait3A_526 : memref<1x80x128xf32, #tpu.memory_space<vmem>> -> memref<80x128xf32, #tpu.memory_space<vmem>>
      %dma_wait3A_528 = arith.constant 0 : i32
      %dma_wait3A_529 = tpu.memref_slice %arg7[%dma_wait3A_523, %dma_wait3A_528] : memref<2x80xi32, #tpu.memory_space<vmem>> -> memref<1x80xi32, #tpu.memory_space<vmem>>
      %dma_wait3A_530 = tpu.memref_squeeze %dma_wait3A_529 : memref<1x80xi32, #tpu.memory_space<vmem>> -> memref<80xi32, #tpu.memory_space<vmem>>
      %dma_wait3A_531 = arith.constant 0 : i32
      %dma_wait3A_532 = arith.constant 0 : i32
      %dma_wait3A_533 = tpu.memref_slice %arg14[%dma_wait3A_531, %dma_wait3A_532] : memref<10000x128xf32, #tpu.memory_space<vmem_shared>> -> memref<10000x128xf32, #tpu.memory_space<vmem_shared>>
      tpu.wait_indirect_dma semaphore(%arg13 : memref<!tpu.dma_semaphore, #tpu.memory_space<semaphore_mem>>) src(%dma_wait3A_527 : memref<80x128xf32, #tpu.memory_space<vmem>>) dst(%dma_wait3A_533 : memref<10000x128xf32, #tpu.memory_space<vmem_shared>>)
      %add3A_534 = arith.constant 2 : i32
      %add3A_535 = arith.addi %sub3A_380, %add3A_534 : i32
      %mul3A_536 = arith.constant 16 : i32
      %mul3A_537 = arith.muli %mul3A_536, %add3A_535 : i32
      %add3A_538 = arith.addi %arg1, %mul3A_537 : i32
      %mul3A_539 = arith.constant 80 : i32
      %mul3A_540 = arith.muli %add3A_538, %mul3A_539 : i32
      %run_scoped3A_541 = arith.constant 1 : i32
      "tpu.region"() ({
        %run_scoped3A_616 = tpu.sem_alloc : memref<!tpu.dma_semaphore, #tpu.memory_space<semaphore_mem>>
        %dma_start3A_617 = arith.constant 0 : i32
        %dma_start3A_618 = tpu.memref_slice %arg6[%run_scoped3A_541, %dma_start3A_617] : memref<2x80xi32, #tpu.memory_space<vmem>> -> memref<1x80xi32, #tpu.memory_space<vmem>>
        %dma_start3A_619 = tpu.memref_squeeze %dma_start3A_618 : memref<1x80xi32, #tpu.memory_space<vmem>> -> memref<80xi32, #tpu.memory_space<vmem>>
        %dma_start3A_620 = tpu.memref_slice %arg3[%mul3A_540] : memref<160000xi32, #tpu.memory_space<hbm>> -> memref<80xi32, #tpu.memory_space<hbm>>
        %dma_start3A_621 = arith.constant 0 : i32
        %dma_start3A_622 = tpu.memref_slice %arg6[%run_scoped3A_541, %dma_start3A_621] : memref<2x80xi32, #tpu.memory_space<vmem>> -> memref<1x80xi32, #tpu.memory_space<vmem>>
        %dma_start3A_623 = tpu.memref_squeeze %dma_start3A_622 : memref<1x80xi32, #tpu.memory_space<vmem>> -> memref<80xi32, #tpu.memory_space<vmem>>
        %dma_start3A_624 = tpu.memref_slice %arg3[%mul3A_540] : memref<160000xi32, #tpu.memory_space<hbm>> -> memref<80xi32, #tpu.memory_space<hbm>>
        tpu.enqueue_dma source(%dma_start3A_624 : memref<80xi32, #tpu.memory_space<hbm>>) target(%dma_start3A_623 : memref<80xi32, #tpu.memory_space<vmem>>) target_semaphore(%run_scoped3A_616 : memref<!tpu.dma_semaphore, #tpu.memory_space<semaphore_mem>>)
        %dma_wait3A_625 = arith.constant 0 : i32
        %dma_wait3A_626 = tpu.memref_slice %arg6[%run_scoped3A_541, %dma_wait3A_625] : memref<2x80xi32, #tpu.memory_space<vmem>> -> memref<1x80xi32, #tpu.memory_space<vmem>>
        %dma_wait3A_627 = tpu.memref_squeeze %dma_wait3A_626 : memref<1x80xi32, #tpu.memory_space<vmem>> -> memref<80xi32, #tpu.memory_space<vmem>>
        %dma_wait3A_628 = tpu.memref_slice %arg3[%mul3A_540] : memref<160000xi32, #tpu.memory_space<hbm>> -> memref<80xi32, #tpu.memory_space<hbm>>
        %dma_wait3A_629 = arith.constant 0 : i32
        %dma_wait3A_630 = tpu.memref_slice %arg6[%run_scoped3A_541, %dma_wait3A_629] : memref<2x80xi32, #tpu.memory_space<vmem>> -> memref<1x80xi32, #tpu.memory_space<vmem>>
        %dma_wait3A_631 = tpu.memref_squeeze %dma_wait3A_630 : memref<1x80xi32, #tpu.memory_space<vmem>> -> memref<80xi32, #tpu.memory_space<vmem>>
        %dma_wait3A_632 = tpu.memref_slice %arg3[%mul3A_540] : memref<160000xi32, #tpu.memory_space<hbm>> -> memref<80xi32, #tpu.memory_space<hbm>>
        tpu.wait_dma2 semaphore(%run_scoped3A_616 : memref<!tpu.dma_semaphore, #tpu.memory_space<semaphore_mem>>) src(%dma_wait3A_632 : memref<80xi32, #tpu.memory_space<hbm>>) dst(%dma_wait3A_631 : memref<80xi32, #tpu.memory_space<vmem>>)
        tpu.yield
      }) : () -> ()
      %get3A_542 = arith.constant 1 : i32
      %get3A_543 = arith.index_cast %get3A_542 : i32 to index
      %get3A_544 = arith.constant 0 : index
      %get3A_545 = tpu.vector_load %arg6[%get3A_543, %get3A_544] {strides = array<i32>} : memref<2x80xi32, #tpu.memory_space<vmem>>, vector<1x16xi32>,
      %get3A_546 = vector.shape_cast %get3A_545 : vector<1x16xi32> to vector<16xi32>
      %add3A_547 = arith.addi %get3A_546, %broadcast_in_dim3A : vector<16xi32>
      %swap3A_548 = arith.constant 1 : i32
      %swap3A_549 = arith.index_cast %swap3A_548 : i32 to index
      %swap3A_550 = arith.constant 0 : index
      %swap3A_551 = tpu.vector_load %arg6[%swap3A_549, %swap3A_550] {strides = array<i32>} : memref<2x80xi32, #tpu.memory_space<vmem>>, vector<1x16xi32>,
      %swap3A_552 = vector.shape_cast %swap3A_551 : vector<1x16xi32> to vector<16xi32>
      %swap3A_553 = vector.shape_cast %add3A_547 : vector<16xi32> to vector<1x16xi32>
      tpu.vector_store %arg6[%swap3A_549, %swap3A_550], %swap3A_553 {strides = array<i32>} : memref<2x80xi32, #tpu.memory_space<vmem>>, vector<1x16xi32>,
      %get3A_554 = arith.constant 1 : i32
      %get3A_555 = arith.index_cast %get3A_554 : i32 to index
      %get3A_556 = arith.constant 16 : index
      %get3A_557 = tpu.vector_load %arg6[%get3A_555, %get3A_556] {strides = array<i32>} : memref<2x80xi32, #tpu.memory_space<vmem>>, vector<1x16xi32>,
      %get3A_558 = vector.shape_cast %get3A_557 : vector<1x16xi32> to vector<16xi32>
      %add3A_559 = arith.addi %get3A_558, %broadcast_in_dim3A : vector<16xi32>
      %swap3A_560 = arith.constant 1 : i32
      %swap3A_561 = arith.index_cast %swap3A_560 : i32 to index
      %swap3A_562 = arith.constant 16 : index
      %swap3A_563 = tpu.vector_load %arg6[%swap3A_561, %swap3A_562] {strides = array<i32>} : memref<2x80xi32, #tpu.memory_space<vmem>>, vector<1x16xi32>,
      %swap3A_564 = vector.shape_cast %swap3A_563 : vector<1x16xi32> to vector<16xi32>
      %swap3A_565 = vector.shape_cast %add3A_559 : vector<16xi32> to vector<1x16xi32>
      tpu.vector_store %arg6[%swap3A_561, %swap3A_562], %swap3A_565 {strides = array<i32>} : memref<2x80xi32, #tpu.memory_space<vmem>>, vector<1x16xi32>,
      %get3A_566 = arith.constant 1 : i32
      %get3A_567 = arith.index_cast %get3A_566 : i32 to index
      %get3A_568 = arith.constant 32 : index
      %get3A_569 = tpu.vector_load %arg6[%get3A_567, %get3A_568] {strides = array<i32>} : memref<2x80xi32, #tpu.memory_space<vmem>>, vector<1x16xi32>,
      %get3A_570 = vector.shape_cast %get3A_569 : vector<1x16xi32> to vector<16xi32>
      %add3A_571 = arith.addi %get3A_570, %broadcast_in_dim3A : vector<16xi32>
      %swap3A_572 = arith.constant 1 : i32
      %swap3A_573 = arith.index_cast %swap3A_572 : i32 to index
      %swap3A_574 = arith.constant 32 : index
      %swap3A_575 = tpu.vector_load %arg6[%swap3A_573, %swap3A_574] {strides = array<i32>} : memref<2x80xi32, #tpu.memory_space<vmem>>, vector<1x16xi32>,
      %swap3A_576 = vector.shape_cast %swap3A_575 : vector<1x16xi32> to vector<16xi32>
      %swap3A_577 = vector.shape_cast %add3A_571 : vector<16xi32> to vector<1x16xi32>
      tpu.vector_store %arg6[%swap3A_573, %swap3A_574], %swap3A_577 {strides = array<i32>} : memref<2x80xi32, #tpu.memory_space<vmem>>, vector<1x16xi32>,
      %get3A_578 = arith.constant 1 : i32
      %get3A_579 = arith.index_cast %get3A_578 : i32 to index
      %get3A_580 = arith.constant 48 : index
      %get3A_581 = tpu.vector_load %arg6[%get3A_579, %get3A_580] {strides = array<i32>} : memref<2x80xi32, #tpu.memory_space<vmem>>, vector<1x16xi32>,
      %get3A_582 = vector.shape_cast %get3A_581 : vector<1x16xi32> to vector<16xi32>
      %add3A_583 = arith.addi %get3A_582, %broadcast_in_dim3A : vector<16xi32>
      %swap3A_584 = arith.constant 1 : i32
      %swap3A_585 = arith.index_cast %swap3A_584 : i32 to index
      %swap3A_586 = arith.constant 48 : index
      %swap3A_587 = tpu.vector_load %arg6[%swap3A_585, %swap3A_586] {strides = array<i32>} : memref<2x80xi32, #tpu.memory_space<vmem>>, vector<1x16xi32>,
      %swap3A_588 = vector.shape_cast %swap3A_587 : vector<1x16xi32> to vector<16xi32>
      %swap3A_589 = vector.shape_cast %add3A_583 : vector<16xi32> to vector<1x16xi32>
      tpu.vector_store %arg6[%swap3A_585, %swap3A_586], %swap3A_589 {strides = array<i32>} : memref<2x80xi32, #tpu.memory_space<vmem>>, vector<1x16xi32>,
      %get3A_590 = arith.constant 1 : i32
      %get3A_591 = arith.index_cast %get3A_590 : i32 to index
      %get3A_592 = arith.constant 64 : index
      %get3A_593 = tpu.vector_load %arg6[%get3A_591, %get3A_592] {strides = array<i32>} : memref<2x80xi32, #tpu.memory_space<vmem>>, vector<1x16xi32>,
      %get3A_594 = vector.shape_cast %get3A_593 : vector<1x16xi32> to vector<16xi32>
      %add3A_595 = arith.addi %get3A_594, %broadcast_in_dim3A : vector<16xi32>
      %swap3A_596 = arith.constant 1 : i32
      %swap3A_597 = arith.index_cast %swap3A_596 : i32 to index
      %swap3A_598 = arith.constant 64 : index
      %swap3A_599 = tpu.vector_load %arg6[%swap3A_597, %swap3A_598] {strides = array<i32>} : memref<2x80xi32, #tpu.memory_space<vmem>>, vector<1x16xi32>,
      %swap3A_600 = vector.shape_cast %swap3A_599 : vector<1x16xi32> to vector<16xi32>
      %swap3A_601 = vector.shape_cast %add3A_595 : vector<16xi32> to vector<1x16xi32>
      tpu.vector_store %arg6[%swap3A_597, %swap3A_598], %swap3A_601 {strides = array<i32>} : memref<2x80xi32, #tpu.memory_space<vmem>>, vector<1x16xi32>,
      %dma_start3A_602 = arith.constant 1 : i32
      %dma_start3A_603 = arith.constant 1 : i32
      %dma_start3A_604 = arith.constant 0 : i32
      %dma_start3A_605 = arith.constant 0 : i32
      %dma_start3A_606 = tpu.memref_slice %arg8[%dma_start3A_603, %dma_start3A_604, %dma_start3A_605] : memref<2x80x128xf32, #tpu.memory_space<vmem>> -> memref<1x80x128xf32, #tpu.memory_space<vmem>>
      %dma_start3A_607 = tpu.memref_squeeze %dma_start3A_606 : memref<1x80x128xf32, #tpu.memory_space<vmem>> -> memref<80x128xf32, #tpu.memory_space<vmem>>
      %dma_start3A_608 = arith.constant 0 : i32
      %dma_start3A_609 = tpu.memref_slice %arg6[%dma_start3A_602, %dma_start3A_608] : memref<2x80xi32, #tpu.memory_space<vmem>> -> memref<1x80xi32, #tpu.memory_space<vmem>>
      %dma_start3A_610 = tpu.memref_squeeze %dma_start3A_609 : memref<1x80xi32, #tpu.memory_space<vmem>> -> memref<80xi32, #tpu.memory_space<vmem>>
      %dma_start3A_611 = arith.constant 0 : i32
      %dma_start3A_612 = arith.constant 0 : i32
      %dma_start3A_613 = tpu.memref_slice %arg2[%dma_start3A_611, %dma_start3A_612] : memref<20000x128xf32, #tpu.memory_space<hbm>> -> memref<20000x128xf32, #tpu.memory_space<hbm>>
      tpu.enqueue_indirect_dma source(%dma_start3A_613 : memref<20000x128xf32, #tpu.memory_space<hbm>>) target(%dma_start3A_607 : memref<80x128xf32, #tpu.memory_space<vmem>>) offsets(%dma_start3A_610 : memref<80xi32, #tpu.memory_space<vmem>>) semaphore(%arg11 : memref<!tpu.dma_semaphore, #tpu.memory_space<semaphore_mem>>)
      %run_scoped3A_614 = arith.constant 1 : i32
      "tpu.region"() ({
        %run_scoped3A_616 = tpu.sem_alloc : memref<!tpu.dma_semaphore, #tpu.memory_space<semaphore_mem>>
        %dma_start3A_617 = arith.constant 0 : i32
        %dma_start3A_618 = tpu.memref_slice %arg7[%run_scoped3A_614, %dma_start3A_617] : memref<2x80xi32, #tpu.memory_space<vmem>> -> memref<1x80xi32, #tpu.memory_space<vmem>>
        %dma_start3A_619 = tpu.memref_squeeze %dma_start3A_618 : memref<1x80xi32, #tpu.memory_space<vmem>> -> memref<80xi32, #tpu.memory_space<vmem>>
        %dma_start3A_620 = tpu.memref_slice %arg4[%mul3A_540] : memref<160000xi32, #tpu.memory_space<hbm>> -> memref<80xi32, #tpu.memory_space<hbm>>
        %dma_start3A_621 = arith.constant 0 : i32
        %dma_start3A_622 = tpu.memref_slice %arg7[%run_scoped3A_614, %dma_start3A_621] : memref<2x80xi32, #tpu.memory_space<vmem>> -> memref<1x80xi32, #tpu.memory_space<vmem>>
        %dma_start3A_623 = tpu.memref_squeeze %dma_start3A_622 : memref<1x80xi32, #tpu.memory_space<vmem>> -> memref<80xi32, #tpu.memory_space<vmem>>
        %dma_start3A_624 = tpu.memref_slice %arg4[%mul3A_540] : memref<160000xi32, #tpu.memory_space<hbm>> -> memref<80xi32, #tpu.memory_space<hbm>>
        tpu.enqueue_dma source(%dma_start3A_624 : memref<80xi32, #tpu.memory_space<hbm>>) target(%dma_start3A_623 : memref<80xi32, #tpu.memory_space<vmem>>) target_semaphore(%run_scoped3A_616 : memref<!tpu.dma_semaphore, #tpu.memory_space<semaphore_mem>>)
        %dma_wait3A_625 = arith.constant 0 : i32
        %dma_wait3A_626 = tpu.memref_slice %arg7[%run_scoped3A_614, %dma_wait3A_625] : memref<2x80xi32, #tpu.memory_space<vmem>> -> memref<1x80xi32, #tpu.memory_space<vmem>>
        %dma_wait3A_627 = tpu.memref_squeeze %dma_wait3A_626 : memref<1x80xi32, #tpu.memory_space<vmem>> -> memref<80xi32, #tpu.memory_space<vmem>>
        %dma_wait3A_628 = tpu.memref_slice %arg4[%mul3A_540] : memref<160000xi32, #tpu.memory_space<hbm>> -> memref<80xi32, #tpu.memory_space<hbm>>
        %dma_wait3A_629 = arith.constant 0 : i32
        %dma_wait3A_630 = tpu.memref_slice %arg7[%run_scoped3A_614, %dma_wait3A_629] : memref<2x80xi32, #tpu.memory_space<vmem>> -> memref<1x80xi32, #tpu.memory_space<vmem>>
        %dma_wait3A_631 = tpu.memref_squeeze %dma_wait3A_630 : memref<1x80xi32, #tpu.memory_space<vmem>> -> memref<80xi32, #tpu.memory_space<vmem>>
        %dma_wait3A_632 = tpu.memref_slice %arg4[%mul3A_540] : memref<160000xi32, #tpu.memory_space<hbm>> -> memref<80xi32, #tpu.memory_space<hbm>>
        tpu.wait_dma2 semaphore(%run_scoped3A_616 : memref<!tpu.dma_semaphore, #tpu.memory_space<semaphore_mem>>) src(%dma_wait3A_632 : memref<80xi32, #tpu.memory_space<hbm>>) dst(%dma_wait3A_631 : memref<80xi32, #tpu.memory_space<vmem>>)
        tpu.yield
      }) : () -> ()
      %scan3A_615 = arith.constant 0 : i32
      scf.yield %scan3A_615 : i32
    }
    %scan3A_199 = arith.constant 61 : i32
    %dma_wait3A_200 = arith.constant 1 : i32
    %dma_wait3A_201 = arith.constant 1 : i32
    %dma_wait3A_202 = arith.constant 0 : i32
    %dma_wait3A_203 = arith.constant 0 : i32
    %dma_wait3A_204 = tpu.memref_slice %arg8[%dma_wait3A_201, %dma_wait3A_202, %dma_wait3A_203] : memref<2x80x128xf32, #tpu.memory_space<vmem>> -> memref<1x80x128xf32, #tpu.memory_space<vmem>>
    %dma_wait3A_205 = tpu.memref_squeeze %dma_wait3A_204 : memref<1x80x128xf32, #tpu.memory_space<vmem>> -> memref<80x128xf32, #tpu.memory_space<vmem>>
    %dma_wait3A_206 = arith.constant 0 : i32
    %dma_wait3A_207 = tpu.memref_slice %arg6[%dma_wait3A_200, %dma_wait3A_206] : memref<2x80xi32, #tpu.memory_space<vmem>> -> memref<1x80xi32, #tpu.memory_space<vmem>>
    %dma_wait3A_208 = tpu.memref_squeeze %dma_wait3A_207 : memref<1x80xi32, #tpu.memory_space<vmem>> -> memref<80xi32, #tpu.memory_space<vmem>>
    %dma_wait3A_209 = arith.constant 0 : i32
    %dma_wait3A_210 = arith.constant 0 : i32
    %dma_wait3A_211 = tpu.memref_slice %arg2[%dma_wait3A_209, %dma_wait3A_210] : memref<20000x128xf32, #tpu.memory_space<hbm>> -> memref<20000x128xf32, #tpu.memory_space<hbm>>
    tpu.wait_indirect_dma semaphore(%arg11 : memref<!tpu.dma_semaphore, #tpu.memory_space<semaphore_mem>>) src(%dma_wait3A_211 : memref<20000x128xf32, #tpu.memory_space<hbm>>) dst(%dma_wait3A_205 : memref<80x128xf32, #tpu.memory_space<vmem>>)
    %dma_start3A_212 = arith.constant 1 : i32
    %dma_start3A_213 = arith.constant 1 : i32
    %dma_start3A_214 = arith.constant 0 : i32
    %dma_start3A_215 = arith.constant 0 : i32
    %dma_start3A_216 = tpu.memref_slice %arg8[%dma_start3A_212, %dma_start3A_214, %dma_start3A_215] : memref<2x80x128xf32, #tpu.memory_space<vmem>> -> memref<1x80x128xf32, #tpu.memory_space<vmem>>
    %dma_start3A_217 = tpu.memref_squeeze %dma_start3A_216 : memref<1x80x128xf32, #tpu.memory_space<vmem>> -> memref<80x128xf32, #tpu.memory_space<vmem>>
    %dma_start3A_218 = arith.constant 0 : i32
    %dma_start3A_219 = tpu.memref_slice %arg7[%dma_start3A_213, %dma_start3A_218] : memref<2x80xi32, #tpu.memory_space<vmem>> -> memref<1x80xi32, #tpu.memory_space<vmem>>
    %dma_start3A_220 = tpu.memref_squeeze %dma_start3A_219 : memref<1x80xi32, #tpu.memory_space<vmem>> -> memref<80xi32, #tpu.memory_space<vmem>>
    %dma_start3A_221 = arith.constant 0 : i32
    %dma_start3A_222 = arith.constant 0 : i32
    %dma_start3A_223 = tpu.memref_slice %arg14[%dma_start3A_221, %dma_start3A_222] : memref<10000x128xf32, #tpu.memory_space<vmem_shared>> -> memref<10000x128xf32, #tpu.memory_space<vmem_shared>>
    tpu.enqueue_indirect_dma source(%dma_start3A_217 : memref<80x128xf32, #tpu.memory_space<vmem>>) target(%dma_start3A_223 : memref<10000x128xf32, #tpu.memory_space<vmem_shared>>) offsets(%dma_start3A_220 : memref<80xi32, #tpu.memory_space<vmem>>) semaphore(%arg13 : memref<!tpu.dma_semaphore, #tpu.memory_space<semaphore_mem>>) {add = true}
    %dma_wait3A_224 = arith.constant 0 : i32
    %dma_wait3A_225 = arith.constant 0 : i32
    %dma_wait3A_226 = arith.constant 0 : i32
    %dma_wait3A_227 = arith.constant 0 : i32
    %dma_wait3A_228 = tpu.memref_slice %arg8[%dma_wait3A_224, %dma_wait3A_226, %dma_wait3A_227] : memref<2x80x128xf32, #tpu.memory_space<vmem>> -> memref<1x80x128xf32, #tpu.memory_space<vmem>>
    %dma_wait3A_229 = tpu.memref_squeeze %dma_wait3A_228 : memref<1x80x128xf32, #tpu.memory_space<vmem>> -> memref<80x128xf32, #tpu.memory_space<vmem>>
    %dma_wait3A_230 = arith.constant 0 : i32
    %dma_wait3A_231 = tpu.memref_slice %arg7[%dma_wait3A_225, %dma_wait3A_230] : memref<2x80xi32, #tpu.memory_space<vmem>> -> memref<1x80xi32, #tpu.memory_space<vmem>>
    %dma_wait3A_232 = tpu.memref_squeeze %dma_wait3A_231 : memref<1x80xi32, #tpu.memory_space<vmem>> -> memref<80xi32, #tpu.memory_space<vmem>>
    %dma_wait3A_233 = arith.constant 0 : i32
    %dma_wait3A_234 = arith.constant 0 : i32
    %dma_wait3A_235 = tpu.memref_slice %arg14[%dma_wait3A_233, %dma_wait3A_234] : memref<10000x128xf32, #tpu.memory_space<vmem_shared>> -> memref<10000x128xf32, #tpu.memory_space<vmem_shared>>
    tpu.wait_indirect_dma semaphore(%arg12 : memref<!tpu.dma_semaphore, #tpu.memory_space<semaphore_mem>>) src(%dma_wait3A_229 : memref<80x128xf32, #tpu.memory_space<vmem>>) dst(%dma_wait3A_235 : memref<10000x128xf32, #tpu.memory_space<vmem_shared>>)
    %add3A_236 = arith.constant 1984 : i32
    %add3A_237 = arith.addi %arg1, %add3A_236 : i32
    %mul3A_238 = arith.constant 80 : i32
    %mul3A_239 = arith.muli %add3A_237, %mul3A_238 : i32
    %run_scoped3A_240 = arith.constant 0 : i32
    "tpu.region"() ({
      %run_scoped3A_376 = tpu.sem_alloc : memref<!tpu.dma_semaphore, #tpu.memory_space<semaphore_mem>>
      %dma_start3A_377 = arith.constant 0 : i32
      %dma_start3A_378 = tpu.memref_slice %arg6[%run_scoped3A_240, %dma_start3A_377] : memref<2x80xi32, #tpu.memory_space<vmem>> -> memref<1x80xi32, #tpu.memory_space<vmem>>
      %dma_start3A_379 = tpu.memref_squeeze %dma_start3A_378 : memref<1x80xi32, #tpu.memory_space<vmem>> -> memref<80xi32, #tpu.memory_space<vmem>>
      %dma_start3A_380 = tpu.memref_slice %arg3[%mul3A_239] : memref<160000xi32, #tpu.memory_space<hbm>> -> memref<80xi32, #tpu.memory_space<hbm>>
      %dma_start3A_381 = arith.constant 0 : i32
      %dma_start3A_382 = tpu.memref_slice %arg6[%run_scoped3A_240, %dma_start3A_381] : memref<2x80xi32, #tpu.memory_space<vmem>> -> memref<1x80xi32, #tpu.memory_space<vmem>>
      %dma_start3A_383 = tpu.memref_squeeze %dma_start3A_382 : memref<1x80xi32, #tpu.memory_space<vmem>> -> memref<80xi32, #tpu.memory_space<vmem>>
      %dma_start3A_384 = tpu.memref_slice %arg3[%mul3A_239] : memref<160000xi32, #tpu.memory_space<hbm>> -> memref<80xi32, #tpu.memory_space<hbm>>
      tpu.enqueue_dma source(%dma_start3A_384 : memref<80xi32, #tpu.memory_space<hbm>>) target(%dma_start3A_383 : memref<80xi32, #tpu.memory_space<vmem>>) target_semaphore(%run_scoped3A_376 : memref<!tpu.dma_semaphore, #tpu.memory_space<semaphore_mem>>)
      %dma_wait3A_385 = arith.constant 0 : i32
      %dma_wait3A_386 = tpu.memref_slice %arg6[%run_scoped3A_240, %dma_wait3A_385] : memref<2x80xi32, #tpu.memory_space<vmem>> -> memref<1x80xi32, #tpu.memory_space<vmem>>
      %dma_wait3A_387 = tpu.memref_squeeze %dma_wait3A_386 : memref<1x80xi32, #tpu.memory_space<vmem>> -> memref<80xi32, #tpu.memory_space<vmem>>
      %dma_wait3A_388 = tpu.memref_slice %arg3[%mul3A_239] : memref<160000xi32, #tpu.memory_space<hbm>> -> memref<80xi32, #tpu.memory_space<hbm>>
      %dma_wait3A_389 = arith.constant 0 : i32
      %dma_wait3A_390 = tpu.memref_slice %arg6[%run_scoped3A_240, %dma_wait3A_389] : memref<2x80xi32, #tpu.memory_space<vmem>> -> memref<1x80xi32, #tpu.memory_space<vmem>>
      %dma_wait3A_391 = tpu.memref_squeeze %dma_wait3A_390 : memref<1x80xi32, #tpu.memory_space<vmem>> -> memref<80xi32, #tpu.memory_space<vmem>>
      %dma_wait3A_392 = tpu.memref_slice %arg3[%mul3A_239] : memref<160000xi32, #tpu.memory_space<hbm>> -> memref<80xi32, #tpu.memory_space<hbm>>
      tpu.wait_dma2 semaphore(%run_scoped3A_376 : memref<!tpu.dma_semaphore, #tpu.memory_space<semaphore_mem>>) src(%dma_wait3A_392 : memref<80xi32, #tpu.memory_space<hbm>>) dst(%dma_wait3A_391 : memref<80xi32, #tpu.memory_space<vmem>>)
      tpu.yield
    }) : () -> ()
    %get3A_241 = arith.constant 0 : i32
    %get3A_242 = arith.index_cast %get3A_241 : i32 to index
    %get3A_243 = arith.constant 0 : index
    %get3A_244 = tpu.vector_load %arg6[%get3A_242, %get3A_243] {strides = array<i32>} : memref<2x80xi32, #tpu.memory_space<vmem>>, vector<1x16xi32>,
    %get3A_245 = vector.shape_cast %get3A_244 : vector<1x16xi32> to vector<16xi32>
    %add3A_246 = arith.addi %get3A_245, %broadcast_in_dim3A : vector<16xi32>
    %swap3A_247 = arith.constant 0 : i32
    %swap3A_248 = arith.index_cast %swap3A_247 : i32 to index
    %swap3A_249 = arith.constant 0 : index
    %swap3A_250 = tpu.vector_load %arg6[%swap3A_248, %swap3A_249] {strides = array<i32>} : memref<2x80xi32, #tpu.memory_space<vmem>>, vector<1x16xi32>,
    %swap3A_251 = vector.shape_cast %swap3A_250 : vector<1x16xi32> to vector<16xi32>
    %swap3A_252 = vector.shape_cast %add3A_246 : vector<16xi32> to vector<1x16xi32>
    tpu.vector_store %arg6[%swap3A_248, %swap3A_249], %swap3A_252 {strides = array<i32>} : memref<2x80xi32, #tpu.memory_space<vmem>>, vector<1x16xi32>,
    %get3A_253 = arith.constant 0 : i32
    %get3A_254 = arith.index_cast %get3A_253 : i32 to index
    %get3A_255 = arith.constant 16 : index
    %get3A_256 = tpu.vector_load %arg6[%get3A_254, %get3A_255] {strides = array<i32>} : memref<2x80xi32, #tpu.memory_space<vmem>>, vector<1x16xi32>,
    %get3A_257 = vector.shape_cast %get3A_256 : vector<1x16xi32> to vector<16xi32>
    %add3A_258 = arith.addi %get3A_257, %broadcast_in_dim3A : vector<16xi32>
    %swap3A_259 = arith.constant 0 : i32
    %swap3A_260 = arith.index_cast %swap3A_259 : i32 to index
    %swap3A_261 = arith.constant 16 : index
    %swap3A_262 = tpu.vector_load %arg6[%swap3A_260, %swap3A_261] {strides = array<i32>} : memref<2x80xi32, #tpu.memory_space<vmem>>, vector<1x16xi32>,
    %swap3A_263 = vector.shape_cast %swap3A_262 : vector<1x16xi32> to vector<16xi32>
    %swap3A_264 = vector.shape_cast %add3A_258 : vector<16xi32> to vector<1x16xi32>
    tpu.vector_store %arg6[%swap3A_260, %swap3A_261], %swap3A_264 {strides = array<i32>} : memref<2x80xi32, #tpu.memory_space<vmem>>, vector<1x16xi32>,
    %get3A_265 = arith.constant 0 : i32
    %get3A_266 = arith.index_cast %get3A_265 : i32 to index
    %get3A_267 = arith.constant 32 : index
    %get3A_268 = tpu.vector_load %arg6[%get3A_266, %get3A_267] {strides = array<i32>} : memref<2x80xi32, #tpu.memory_space<vmem>>, vector<1x16xi32>,
    %get3A_269 = vector.shape_cast %get3A_268 : vector<1x16xi32> to vector<16xi32>
    %add3A_270 = arith.addi %get3A_269, %broadcast_in_dim3A : vector<16xi32>
    %swap3A_271 = arith.constant 0 : i32
    %swap3A_272 = arith.index_cast %swap3A_271 : i32 to index
    %swap3A_273 = arith.constant 32 : index
    %swap3A_274 = tpu.vector_load %arg6[%swap3A_272, %swap3A_273] {strides = array<i32>} : memref<2x80xi32, #tpu.memory_space<vmem>>, vector<1x16xi32>,
    %swap3A_275 = vector.shape_cast %swap3A_274 : vector<1x16xi32> to vector<16xi32>
    %swap3A_276 = vector.shape_cast %add3A_270 : vector<16xi32> to vector<1x16xi32>
    tpu.vector_store %arg6[%swap3A_272, %swap3A_273], %swap3A_276 {strides = array<i32>} : memref<2x80xi32, #tpu.memory_space<vmem>>, vector<1x16xi32>,
    %get3A_277 = arith.constant 0 : i32
    %get3A_278 = arith.index_cast %get3A_277 : i32 to index
    %get3A_279 = arith.constant 48 : index
    %get3A_280 = tpu.vector_load %arg6[%get3A_278, %get3A_279] {strides = array<i32>} : memref<2x80xi32, #tpu.memory_space<vmem>>, vector<1x16xi32>,
    %get3A_281 = vector.shape_cast %get3A_280 : vector<1x16xi32> to vector<16xi32>
    %add3A_282 = arith.addi %get3A_281, %broadcast_in_dim3A : vector<16xi32>
    %swap3A_283 = arith.constant 0 : i32
    %swap3A_284 = arith.index_cast %swap3A_283 : i32 to index
    %swap3A_285 = arith.constant 48 : index
    %swap3A_286 = tpu.vector_load %arg6[%swap3A_284, %swap3A_285] {strides = array<i32>} : memref<2x80xi32, #tpu.memory_space<vmem>>, vector<1x16xi32>,
    %swap3A_287 = vector.shape_cast %swap3A_286 : vector<1x16xi32> to vector<16xi32>
    %swap3A_288 = vector.shape_cast %add3A_282 : vector<16xi32> to vector<1x16xi32>
    tpu.vector_store %arg6[%swap3A_284, %swap3A_285], %swap3A_288 {strides = array<i32>} : memref<2x80xi32, #tpu.memory_space<vmem>>, vector<1x16xi32>,
    %get3A_289 = arith.constant 0 : i32
    %get3A_290 = arith.index_cast %get3A_289 : i32 to index
    %get3A_291 = arith.constant 64 : index
    %get3A_292 = tpu.vector_load %arg6[%get3A_290, %get3A_291] {strides = array<i32>} : memref<2x80xi32, #tpu.memory_space<vmem>>, vector<1x16xi32>,
    %get3A_293 = vector.shape_cast %get3A_292 : vector<1x16xi32> to vector<16xi32>
    %add3A_294 = arith.addi %get3A_293, %broadcast_in_dim3A : vector<16xi32>
    %swap3A_295 = arith.constant 0 : i32
    %swap3A_296 = arith.index_cast %swap3A_295 : i32 to index
    %swap3A_297 = arith.constant 64 : index
    %swap3A_298 = tpu.vector_load %arg6[%swap3A_296, %swap3A_297] {strides = array<i32>} : memref<2x80xi32, #tpu.memory_space<vmem>>, vector<1x16xi32>,
    %swap3A_299 = vector.shape_cast %swap3A_298 : vector<1x16xi32> to vector<16xi32>
    %swap3A_300 = vector.shape_cast %add3A_294 : vector<16xi32> to vector<1x16xi32>
    tpu.vector_store %arg6[%swap3A_296, %swap3A_297], %swap3A_300 {strides = array<i32>} : memref<2x80xi32, #tpu.memory_space<vmem>>, vector<1x16xi32>,
    %dma_start3A_301 = arith.constant 0 : i32
    %dma_start3A_302 = arith.constant 0 : i32
    %dma_start3A_303 = arith.constant 0 : i32
    %dma_start3A_304 = arith.constant 0 : i32
    %dma_start3A_305 = tpu.memref_slice %arg8[%dma_start3A_302, %dma_start3A_303, %dma_start3A_304] : memref<2x80x128xf32, #tpu.memory_space<vmem>> -> memref<1x80x128xf32, #tpu.memory_space<vmem>>
    %dma_start3A_306 = tpu.memref_squeeze %dma_start3A_305 : memref<1x80x128xf32, #tpu.memory_space<vmem>> -> memref<80x128xf32, #tpu.memory_space<vmem>>
    %dma_start3A_307 = arith.constant 0 : i32
    %dma_start3A_308 = tpu.memref_slice %arg6[%dma_start3A_301, %dma_start3A_307] : memref<2x80xi32, #tpu.memory_space<vmem>> -> memref<1x80xi32, #tpu.memory_space<vmem>>
    %dma_start3A_309 = tpu.memref_squeeze %dma_start3A_308 : memref<1x80xi32, #tpu.memory_space<vmem>> -> memref<80xi32, #tpu.memory_space<vmem>>
    %dma_start3A_310 = arith.constant 0 : i32
    %dma_start3A_311 = arith.constant 0 : i32
    %dma_start3A_312 = tpu.memref_slice %arg2[%dma_start3A_310, %dma_start3A_311] : memref<20000x128xf32, #tpu.memory_space<hbm>> -> memref<20000x128xf32, #tpu.memory_space<hbm>>
    tpu.enqueue_indirect_dma source(%dma_start3A_312 : memref<20000x128xf32, #tpu.memory_space<hbm>>) target(%dma_start3A_306 : memref<80x128xf32, #tpu.memory_space<vmem>>) offsets(%dma_start3A_309 : memref<80xi32, #tpu.memory_space<vmem>>) semaphore(%arg10 : memref<!tpu.dma_semaphore, #tpu.memory_space<semaphore_mem>>)
    %run_scoped3A_313 = arith.constant 0 : i32
    "tpu.region"() ({
      %run_scoped3A_376 = tpu.sem_alloc : memref<!tpu.dma_semaphore, #tpu.memory_space<semaphore_mem>>
      %dma_start3A_377 = arith.constant 0 : i32
      %dma_start3A_378 = tpu.memref_slice %arg7[%run_scoped3A_313, %dma_start3A_377] : memref<2x80xi32, #tpu.memory_space<vmem>> -> memref<1x80xi32, #tpu.memory_space<vmem>>
      %dma_start3A_379 = tpu.memref_squeeze %dma_start3A_378 : memref<1x80xi32, #tpu.memory_space<vmem>> -> memref<80xi32, #tpu.memory_space<vmem>>
      %dma_start3A_380 = tpu.memref_slice %arg4[%mul3A_239] : memref<160000xi32, #tpu.memory_space<hbm>> -> memref<80xi32, #tpu.memory_space<hbm>>
      %dma_start3A_381 = arith.constant 0 : i32
      %dma_start3A_382 = tpu.memref_slice %arg7[%run_scoped3A_313, %dma_start3A_381] : memref<2x80xi32, #tpu.memory_space<vmem>> -> memref<1x80xi32, #tpu.memory_space<vmem>>
      %dma_start3A_383 = tpu.memref_squeeze %dma_start3A_382 : memref<1x80xi32, #tpu.memory_space<vmem>> -> memref<80xi32, #tpu.memory_space<vmem>>
      %dma_start3A_384 = tpu.memref_slice %arg4[%mul3A_239] : memref<160000xi32, #tpu.memory_space<hbm>> -> memref<80xi32, #tpu.memory_space<hbm>>
      tpu.enqueue_dma source(%dma_start3A_384 : memref<80xi32, #tpu.memory_space<hbm>>) target(%dma_start3A_383 : memref<80xi32, #tpu.memory_space<vmem>>) target_semaphore(%run_scoped3A_376 : memref<!tpu.dma_semaphore, #tpu.memory_space<semaphore_mem>>)
      %dma_wait3A_385 = arith.constant 0 : i32
      %dma_wait3A_386 = tpu.memref_slice %arg7[%run_scoped3A_313, %dma_wait3A_385] : memref<2x80xi32, #tpu.memory_space<vmem>> -> memref<1x80xi32, #tpu.memory_space<vmem>>
      %dma_wait3A_387 = tpu.memref_squeeze %dma_wait3A_386 : memref<1x80xi32, #tpu.memory_space<vmem>> -> memref<80xi32, #tpu.memory_space<vmem>>
      %dma_wait3A_388 = tpu.memref_slice %arg4[%mul3A_239] : memref<160000xi32, #tpu.memory_space<hbm>> -> memref<80xi32, #tpu.memory_space<hbm>>
      %dma_wait3A_389 = arith.constant 0 : i32
      %dma_wait3A_390 = tpu.memref_slice %arg7[%run_scoped3A_313, %dma_wait3A_389] : memref<2x80xi32, #tpu.memory_space<vmem>> -> memref<1x80xi32, #tpu.memory_space<vmem>>
      %dma_wait3A_391 = tpu.memref_squeeze %dma_wait3A_390 : memref<1x80xi32, #tpu.memory_space<vmem>> -> memref<80xi32, #tpu.memory_space<vmem>>
      %dma_wait3A_392 = tpu.memref_slice %arg4[%mul3A_239] : memref<160000xi32, #tpu.memory_space<hbm>> -> memref<80xi32, #tpu.memory_space<hbm>>
      tpu.wait_dma2 semaphore(%run_scoped3A_376 : memref<!tpu.dma_semaphore, #tpu.memory_space<semaphore_mem>>) src(%dma_wait3A_392 : memref<80xi32, #tpu.memory_space<hbm>>) dst(%dma_wait3A_391 : memref<80xi32, #tpu.memory_space<vmem>>)
      tpu.yield
    }) : () -> ()
    %dma_wait3A_314 = arith.constant 0 : i32
    %dma_wait3A_315 = arith.constant 0 : i32
    %dma_wait3A_316 = arith.constant 0 : i32
    %dma_wait3A_317 = arith.constant 0 : i32
    %dma_wait3A_318 = tpu.memref_slice %arg8[%dma_wait3A_315, %dma_wait3A_316, %dma_wait3A_317] : memref<2x80x128xf32, #tpu.memory_space<vmem>> -> memref<1x80x128xf32, #tpu.memory_space<vmem>>
    %dma_wait3A_319 = tpu.memref_squeeze %dma_wait3A_318 : memref<1x80x128xf32, #tpu.memory_space<vmem>> -> memref<80x128xf32, #tpu.memory_space<vmem>>
    %dma_wait3A_320 = arith.constant 0 : i32
    %dma_wait3A_321 = tpu.memref_slice %arg6[%dma_wait3A_314, %dma_wait3A_320] : memref<2x80xi32, #tpu.memory_space<vmem>> -> memref<1x80xi32, #tpu.memory_space<vmem>>
    %dma_wait3A_322 = tpu.memref_squeeze %dma_wait3A_321 : memref<1x80xi32, #tpu.memory_space<vmem>> -> memref<80xi32, #tpu.memory_space<vmem>>
    %dma_wait3A_323 = arith.constant 0 : i32
    %dma_wait3A_324 = arith.constant 0 : i32
    %dma_wait3A_325 = tpu.memref_slice %arg2[%dma_wait3A_323, %dma_wait3A_324] : memref<20000x128xf32, #tpu.memory_space<hbm>> -> memref<20000x128xf32, #tpu.memory_space<hbm>>
    tpu.wait_indirect_dma semaphore(%arg10 : memref<!tpu.dma_semaphore, #tpu.memory_space<semaphore_mem>>) src(%dma_wait3A_325 : memref<20000x128xf32, #tpu.memory_space<hbm>>) dst(%dma_wait3A_319 : memref<80x128xf32, #tpu.memory_space<vmem>>)
    %dma_start3A_326 = arith.constant 0 : i32
    %dma_start3A_327 = arith.constant 0 : i32
    %dma_start3A_328 = arith.constant 0 : i32
    %dma_start3A_329 = arith.constant 0 : i32
    %dma_start3A_330 = tpu.memref_slice %arg8[%dma_start3A_326, %dma_start3A_328, %dma_start3A_329] : memref<2x80x128xf32, #tpu.memory_space<vmem>> -> memref<1x80x128xf32, #tpu.memory_space<vmem>>
    %dma_start3A_331 = tpu.memref_squeeze %dma_start3A_330 : memref<1x80x128xf32, #tpu.memory_space<vmem>> -> memref<80x128xf32, #tpu.memory_space<vmem>>
    %dma_start3A_332 = arith.constant 0 : i32
    %dma_start3A_333 = tpu.memref_slice %arg7[%dma_start3A_327, %dma_start3A_332] : memref<2x80xi32, #tpu.memory_space<vmem>> -> memref<1x80xi32, #tpu.memory_space<vmem>>
    %dma_start3A_334 = tpu.memref_squeeze %dma_start3A_333 : memref<1x80xi32, #tpu.memory_space<vmem>> -> memref<80xi32, #tpu.memory_space<vmem>>
    %dma_start3A_335 = arith.constant 0 : i32
    %dma_start3A_336 = arith.constant 0 : i32
    %dma_start3A_337 = tpu.memref_slice %arg14[%dma_start3A_335, %dma_start3A_336] : memref<10000x128xf32, #tpu.memory_space<vmem_shared>> -> memref<10000x128xf32, #tpu.memory_space<vmem_shared>>
    tpu.enqueue_indirect_dma source(%dma_start3A_331 : memref<80x128xf32, #tpu.memory_space<vmem>>) target(%dma_start3A_337 : memref<10000x128xf32, #tpu.memory_space<vmem_shared>>) offsets(%dma_start3A_334 : memref<80xi32, #tpu.memory_space<vmem>>) semaphore(%arg12 : memref<!tpu.dma_semaphore, #tpu.memory_space<semaphore_mem>>) {add = true}
    %dma_wait3A_338 = arith.constant 1 : i32
    %dma_wait3A_339 = arith.constant 1 : i32
    %dma_wait3A_340 = arith.constant 0 : i32
    %dma_wait3A_341 = arith.constant 0 : i32
    %dma_wait3A_342 = tpu.memref_slice %arg8[%dma_wait3A_338, %dma_wait3A_340, %dma_wait3A_341] : memref<2x80x128xf32, #tpu.memory_space<vmem>> -> memref<1x80x128xf32, #tpu.memory_space<vmem>>
    %dma_wait3A_343 = tpu.memref_squeeze %dma_wait3A_342 : memref<1x80x128xf32, #tpu.memory_space<vmem>> -> memref<80x128xf32, #tpu.memory_space<vmem>>
    %dma_wait3A_344 = arith.constant 0 : i32
    %dma_wait3A_345 = tpu.memref_slice %arg7[%dma_wait3A_339, %dma_wait3A_344] : memref<2x80xi32, #tpu.memory_space<vmem>> -> memref<1x80xi32, #tpu.memory_space<vmem>>
    %dma_wait3A_346 = tpu.memref_squeeze %dma_wait3A_345 : memref<1x80xi32, #tpu.memory_space<vmem>> -> memref<80xi32, #tpu.memory_space<vmem>>
    %dma_wait3A_347 = arith.constant 0 : i32
    %dma_wait3A_348 = arith.constant 0 : i32
    %dma_wait3A_349 = tpu.memref_slice %arg14[%dma_wait3A_347, %dma_wait3A_348] : memref<10000x128xf32, #tpu.memory_space<vmem_shared>> -> memref<10000x128xf32, #tpu.memory_space<vmem_shared>>
    tpu.wait_indirect_dma semaphore(%arg13 : memref<!tpu.dma_semaphore, #tpu.memory_space<semaphore_mem>>) src(%dma_wait3A_343 : memref<80x128xf32, #tpu.memory_space<vmem>>) dst(%dma_wait3A_349 : memref<10000x128xf32, #tpu.memory_space<vmem_shared>>)
    %dma_wait3A_350 = arith.constant 0 : i32
    %dma_wait3A_351 = arith.constant 0 : i32
    %dma_wait3A_352 = arith.constant 0 : i32
    %dma_wait3A_353 = arith.constant 0 : i32
    %dma_wait3A_354 = tpu.memref_slice %arg8[%dma_wait3A_350, %dma_wait3A_352, %dma_wait3A_353] : memref<2x80x128xf32, #tpu.memory_space<vmem>> -> memref<1x80x128xf32, #tpu.memory_space<vmem>>
    %dma_wait3A_355 = tpu.memref_squeeze %dma_wait3A_354 : memref<1x80x128xf32, #tpu.memory_space<vmem>> -> memref<80x128xf32, #tpu.memory_space<vmem>>
    %dma_wait3A_356 = arith.constant 0 : i32
    %dma_wait3A_357 = tpu.memref_slice %arg7[%dma_wait3A_351, %dma_wait3A_356] : memref<2x80xi32, #tpu.memory_space<vmem>> -> memref<1x80xi32, #tpu.memory_space<vmem>>
    %dma_wait3A_358 = tpu.memref_squeeze %dma_wait3A_357 : memref<1x80xi32, #tpu.memory_space<vmem>> -> memref<80xi32, #tpu.memory_space<vmem>>
    %dma_wait3A_359 = arith.constant 0 : i32
    %dma_wait3A_360 = arith.constant 0 : i32
    %dma_wait3A_361 = tpu.memref_slice %arg14[%dma_wait3A_359, %dma_wait3A_360] : memref<10000x128xf32, #tpu.memory_space<vmem_shared>> -> memref<10000x128xf32, #tpu.memory_space<vmem_shared>>
    tpu.wait_indirect_dma semaphore(%arg12 : memref<!tpu.dma_semaphore, #tpu.memory_space<semaphore_mem>>) src(%dma_wait3A_355 : memref<80x128xf32, #tpu.memory_space<vmem>>) dst(%dma_wait3A_361 : memref<10000x128xf32, #tpu.memory_space<vmem_shared>>)
    %barrier3A_362 = arith.constant 0 : index
    tpu.barrier barrier_id(%barrier3A_362)
    %mul3A_363 = arith.constant 624 : i32
    %mul3A_364 = arith.muli %arg1, %mul3A_363 : i32
    %add3A_365 = arith.constant 0 : i32
    %add3A_366 = arith.addi %mul3A_364, %add3A_365 : i32
    "tpu.region"() ({
      %run_scoped3A_376 = tpu.sem_alloc : memref<!tpu.dma_semaphore, #tpu.memory_space<semaphore_mem>>
      %dma_start3A_377 = arith.constant 0 : i32
      %dma_start3A_378 = arith.constant 0 : i32
      %dma_start3A_379 = tpu.memref_slice %arg9[%dma_start3A_377, %dma_start3A_378] : memref<208x128xf32, #tpu.memory_space<vmem>> -> memref<208x128xf32, #tpu.memory_space<vmem>>
      %dma_start3A_380 = arith.constant 0 : i32
      %dma_start3A_381 = tpu.memref_slice %arg14[%add3A_366, %dma_start3A_380] : memref<10000x128xf32, #tpu.memory_space<vmem_shared>> -> memref<208x128xf32, #tpu.memory_space<vmem_shared>>
      %dma_start3A_382 = arith.constant 0 : i32
      %dma_start3A_383 = arith.constant 0 : i32
      %dma_start3A_384 = tpu.memref_slice %arg9[%dma_start3A_382, %dma_start3A_383] : memref<208x128xf32, #tpu.memory_space<vmem>> -> memref<208x128xf32, #tpu.memory_space<vmem>>
      %dma_start3A_385 = arith.constant 0 : i32
      %dma_start3A_386 = tpu.memref_slice %arg14[%add3A_366, %dma_start3A_385] : memref<10000x128xf32, #tpu.memory_space<vmem_shared>> -> memref<208x128xf32, #tpu.memory_space<vmem_shared>>
      tpu.enqueue_dma source(%dma_start3A_386 : memref<208x128xf32, #tpu.memory_space<vmem_shared>>) target(%dma_start3A_384 : memref<208x128xf32, #tpu.memory_space<vmem>>) target_semaphore(%run_scoped3A_376 : memref<!tpu.dma_semaphore, #tpu.memory_space<semaphore_mem>>)
      %dma_wait3A_387 = arith.constant 0 : i32
      %dma_wait3A_388 = arith.constant 0 : i32
      %dma_wait3A_389 = tpu.memref_slice %arg9[%dma_wait3A_387, %dma_wait3A_388] : memref<208x128xf32, #tpu.memory_space<vmem>> -> memref<208x128xf32, #tpu.memory_space<vmem>>
      %dma_wait3A_390 = arith.constant 0 : i32
      %dma_wait3A_391 = tpu.memref_slice %arg14[%add3A_366, %dma_wait3A_390] : memref<10000x128xf32, #tpu.memory_space<vmem_shared>> -> memref<208x128xf32, #tpu.memory_space<vmem_shared>>
      %dma_wait3A_392 = arith.constant 0 : i32
      %dma_wait3A_393 = arith.constant 0 : i32
      %dma_wait3A_394 = tpu.memref_slice %arg9[%dma_wait3A_392, %dma_wait3A_393] : memref<208x128xf32, #tpu.memory_space<vmem>> -> memref<208x128xf32, #tpu.memory_space<vmem>>
      %dma_wait3A_395 = arith.constant 0 : i32
      %dma_wait3A_396 = tpu.memref_slice %arg14[%add3A_366, %dma_wait3A_395] : memref<10000x128xf32, #tpu.memory_space<vmem_shared>> -> memref<208x128xf32, #tpu.memory_space<vmem_shared>>
      tpu.wait_dma2 semaphore(%run_scoped3A_376 : memref<!tpu.dma_semaphore, #tpu.memory_space<semaphore_mem>>) src(%dma_wait3A_396 : memref<208x128xf32, #tpu.memory_space<vmem_shared>>) dst(%dma_wait3A_394 : memref<208x128xf32, #tpu.memory_space<vmem>>)
      tpu.yield
    }) : () -> ()
    "tpu.region"() ({
      %run_scoped3A_376 = tpu.sem_alloc : memref<!tpu.dma_semaphore, #tpu.memory_space<semaphore_mem>>
      %dma_start3A_377 = arith.constant 0 : i32
      %dma_start3A_378 = arith.constant 0 : i32
      %dma_start3A_379 = tpu.memref_slice %arg9[%dma_start3A_377, %dma_start3A_378] : memref<208x128xf32, #tpu.memory_space<vmem>> -> memref<208x128xf32, #tpu.memory_space<vmem>>
      %dma_start3A_380 = arith.constant 0 : i32
      %dma_start3A_381 = tpu.memref_slice %arg5[%arg0, %add3A_366, %dma_start3A_380] : memref<2x10000x128xf32, #tpu.memory_space<hbm>> -> memref<1x208x128xf32, #tpu.memory_space<hbm>>
      %dma_start3A_382 = tpu.memref_squeeze %dma_start3A_381 : memref<1x208x128xf32, #tpu.memory_space<hbm>> -> memref<208x128xf32, #tpu.memory_space<hbm>>
      %dma_start3A_383 = arith.constant 0 : i32
      %dma_start3A_384 = tpu.memref_slice %arg5[%arg0, %add3A_366, %dma_start3A_383] : memref<2x10000x128xf32, #tpu.memory_space<hbm>> -> memref<1x208x128xf32, #tpu.memory_space<hbm>>
      %dma_start3A_385 = tpu.memref_squeeze %dma_start3A_384 : memref<1x208x128xf32, #tpu.memory_space<hbm>> -> memref<208x128xf32, #tpu.memory_space<hbm>>
      %dma_start3A_386 = arith.constant 0 : i32
      %dma_start3A_387 = arith.constant 0 : i32
      %dma_start3A_388 = tpu.memref_slice %arg9[%dma_start3A_386, %dma_start3A_387] : memref<208x128xf32, #tpu.memory_space<vmem>> -> memref<208x128xf32, #tpu.memory_space<vmem>>
      tpu.enqueue_dma source(%dma_start3A_388 : memref<208x128xf32, #tpu.memory_space<vmem>>) target(%dma_start3A_385 : memref<208x128xf32, #tpu.memory_space<hbm>>) target_semaphore(%run_scoped3A_376 : memref<!tpu.dma_semaphore, #tpu.memory_space<semaphore_mem>>)
      %dma_wait3A_389 = arith.constant 0 : i32
      %dma_wait3A_390 = arith.constant 0 : i32
      %dma_wait3A_391 = tpu.memref_slice %arg9[%dma_wait3A_389, %dma_wait3A_390] : memref<208x128xf32, #tpu.memory_space<vmem>> -> memref<208x128xf32, #tpu.memory_space<vmem>>
      %dma_wait3A_392 = arith.constant 0 : i32
      %dma_wait3A_393 = tpu.memref_slice %arg5[%arg0, %add3A_366, %dma_wait3A_392] : memref<2x10000x128xf32, #tpu.memory_space<hbm>> -> memref<1x208x128xf32, #tpu.memory_space<hbm>>
      %dma_wait3A_394 = tpu.memref_squeeze %dma_wait3A_393 : memref<1x208x128xf32, #tpu.memory_space<hbm>> -> memref<208x128xf32, #tpu.memory_space<hbm>>
      %dma_wait3A_395 = arith.constant 0 : i32
      %dma_wait3A_396 = tpu.memref_slice %arg5[%arg0, %add3A_366, %dma_wait3A_395] : memref<2x10000x128xf32, #tpu.memory_space<hbm>> -> memref<1x208x128xf32, #tpu.memory_space<hbm>>
      %dma_wait3A_397 = tpu.memref_squeeze %dma_wait3A_396 : memref<1x208x128xf32, #tpu.memory_space<hbm>> -> memref<208x128xf32, #tpu.memory_space<hbm>>
      %dma_wait3A_398 = arith.constant 0 : i32
      %dma_wait3A_399 = arith.constant 0 : i32
      %dma_wait3A_400 = tpu.memref_slice %arg9[%dma_wait3A_398, %dma_wait3A_399] : memref<208x128xf32, #tpu.memory_space<vmem>> -> memref<208x128xf32, #tpu.memory_space<vmem>>
      tpu.wait_dma2 semaphore(%run_scoped3A_376 : memref<!tpu.dma_semaphore, #tpu.memory_space<semaphore_mem>>) src(%dma_wait3A_400 : memref<208x128xf32, #tpu.memory_space<vmem>>) dst(%dma_wait3A_397 : memref<208x128xf32, #tpu.memory_space<hbm>>)
      tpu.yield
    }) : () -> ()
    %add3A_367 = arith.constant 208 : i32
    %add3A_368 = arith.addi %mul3A_364, %add3A_367 : i32
    "tpu.region"() ({
      %run_scoped3A_376 = tpu.sem_alloc : memref<!tpu.dma_semaphore, #tpu.memory_space<semaphore_mem>>
      %dma_start3A_377 = arith.constant 0 : i32
      %dma_start3A_378 = arith.constant 0 : i32
      %dma_start3A_379 = tpu.memref_slice %arg9[%dma_start3A_377, %dma_start3A_378] : memref<208x128xf32, #tpu.memory_space<vmem>> -> memref<208x128xf32, #tpu.memory_space<vmem>>
      %dma_start3A_380 = arith.constant 0 : i32
      %dma_start3A_381 = tpu.memref_slice %arg14[%add3A_368, %dma_start3A_380] : memref<10000x128xf32, #tpu.memory_space<vmem_shared>> -> memref<208x128xf32, #tpu.memory_space<vmem_shared>>
      %dma_start3A_382 = arith.constant 0 : i32
      %dma_start3A_383 = arith.constant 0 : i32
      %dma_start3A_384 = tpu.memref_slice %arg9[%dma_start3A_382, %dma_start3A_383] : memref<208x128xf32, #tpu.memory_space<vmem>> -> memref<208x128xf32, #tpu.memory_space<vmem>>
      %dma_start3A_385 = arith.constant 0 : i32
      %dma_start3A_386 = tpu.memref_slice %arg14[%add3A_368, %dma_start3A_385] : memref<10000x128xf32, #tpu.memory_space<vmem_shared>> -> memref<208x128xf32, #tpu.memory_space<vmem_shared>>
      tpu.enqueue_dma source(%dma_start3A_386 : memref<208x128xf32, #tpu.memory_space<vmem_shared>>) target(%dma_start3A_384 : memref<208x128xf32, #tpu.memory_space<vmem>>) target_semaphore(%run_scoped3A_376 : memref<!tpu.dma_semaphore, #tpu.memory_space<semaphore_mem>>)
      %dma_wait3A_387 = arith.constant 0 : i32
      %dma_wait3A_388 = arith.constant 0 : i32
      %dma_wait3A_389 = tpu.memref_slice %arg9[%dma_wait3A_387, %dma_wait3A_388] : memref<208x128xf32, #tpu.memory_space<vmem>> -> memref<208x128xf32, #tpu.memory_space<vmem>>
      %dma_wait3A_390 = arith.constant 0 : i32
      %dma_wait3A_391 = tpu.memref_slice %arg14[%add3A_368, %dma_wait3A_390] : memref<10000x128xf32, #tpu.memory_space<vmem_shared>> -> memref<208x128xf32, #tpu.memory_space<vmem_shared>>
      %dma_wait3A_392 = arith.constant 0 : i32
      %dma_wait3A_393 = arith.constant 0 : i32
      %dma_wait3A_394 = tpu.memref_slice %arg9[%dma_wait3A_392, %dma_wait3A_393] : memref<208x128xf32, #tpu.memory_space<vmem>> -> memref<208x128xf32, #tpu.memory_space<vmem>>
      %dma_wait3A_395 = arith.constant 0 : i32
      %dma_wait3A_396 = tpu.memref_slice %arg14[%add3A_368, %dma_wait3A_395] : memref<10000x128xf32, #tpu.memory_space<vmem_shared>> -> memref<208x128xf32, #tpu.memory_space<vmem_shared>>
      tpu.wait_dma2 semaphore(%run_scoped3A_376 : memref<!tpu.dma_semaphore, #tpu.memory_space<semaphore_mem>>) src(%dma_wait3A_396 : memref<208x128xf32, #tpu.memory_space<vmem_shared>>) dst(%dma_wait3A_394 : memref<208x128xf32, #tpu.memory_space<vmem>>)
      tpu.yield
    }) : () -> ()
    "tpu.region"() ({
      %run_scoped3A_376 = tpu.sem_alloc : memref<!tpu.dma_semaphore, #tpu.memory_space<semaphore_mem>>
      %dma_start3A_377 = arith.constant 0 : i32
      %dma_start3A_378 = arith.constant 0 : i32
      %dma_start3A_379 = tpu.memref_slice %arg9[%dma_start3A_377, %dma_start3A_378] : memref<208x128xf32, #tpu.memory_space<vmem>> -> memref<208x128xf32, #tpu.memory_space<vmem>>
      %dma_start3A_380 = arith.constant 0 : i32
      %dma_start3A_381 = tpu.memref_slice %arg5[%arg0, %add3A_368, %dma_start3A_380] : memref<2x10000x128xf32, #tpu.memory_space<hbm>> -> memref<1x208x128xf32, #tpu.memory_space<hbm>>
      %dma_start3A_382 = tpu.memref_squeeze %dma_start3A_381 : memref<1x208x128xf32, #tpu.memory_space<hbm>> -> memref<208x128xf32, #tpu.memory_space<hbm>>
      %dma_start3A_383 = arith.constant 0 : i32
      %dma_start3A_384 = tpu.memref_slice %arg5[%arg0, %add3A_368, %dma_start3A_383] : memref<2x10000x128xf32, #tpu.memory_space<hbm>> -> memref<1x208x128xf32, #tpu.memory_space<hbm>>
      %dma_start3A_385 = tpu.memref_squeeze %dma_start3A_384 : memref<1x208x128xf32, #tpu.memory_space<hbm>> -> memref<208x128xf32, #tpu.memory_space<hbm>>
      %dma_start3A_386 = arith.constant 0 : i32
      %dma_start3A_387 = arith.constant 0 : i32
      %dma_start3A_388 = tpu.memref_slice %arg9[%dma_start3A_386, %dma_start3A_387] : memref<208x128xf32, #tpu.memory_space<vmem>> -> memref<208x128xf32, #tpu.memory_space<vmem>>
      tpu.enqueue_dma source(%dma_start3A_388 : memref<208x128xf32, #tpu.memory_space<vmem>>) target(%dma_start3A_385 : memref<208x128xf32, #tpu.memory_space<hbm>>) target_semaphore(%run_scoped3A_376 : memref<!tpu.dma_semaphore, #tpu.memory_space<semaphore_mem>>)
      %dma_wait3A_389 = arith.constant 0 : i32
      %dma_wait3A_390 = arith.constant 0 : i32
      %dma_wait3A_391 = tpu.memref_slice %arg9[%dma_wait3A_389, %dma_wait3A_390] : memref<208x128xf32, #tpu.memory_space<vmem>> -> memref<208x128xf32, #tpu.memory_space<vmem>>
      %dma_wait3A_392 = arith.constant 0 : i32
      %dma_wait3A_393 = tpu.memref_slice %arg5[%arg0, %add3A_368, %dma_wait3A_392] : memref<2x10000x128xf32, #tpu.memory_space<hbm>> -> memref<1x208x128xf32, #tpu.memory_space<hbm>>
      %dma_wait3A_394 = tpu.memref_squeeze %dma_wait3A_393 : memref<1x208x128xf32, #tpu.memory_space<hbm>> -> memref<208x128xf32, #tpu.memory_space<hbm>>
      %dma_wait3A_395 = arith.constant 0 : i32
      %dma_wait3A_396 = tpu.memref_slice %arg5[%arg0, %add3A_368, %dma_wait3A_395] : memref<2x10000x128xf32, #tpu.memory_space<hbm>> -> memref<1x208x128xf32, #tpu.memory_space<hbm>>
      %dma_wait3A_397 = tpu.memref_squeeze %dma_wait3A_396 : memref<1x208x128xf32, #tpu.memory_space<hbm>> -> memref<208x128xf32, #tpu.memory_space<hbm>>
      %dma_wait3A_398 = arith.constant 0 : i32
      %dma_wait3A_399 = arith.constant 0 : i32
      %dma_wait3A_400 = tpu.memref_slice %arg9[%dma_wait3A_398, %dma_wait3A_399] : memref<208x128xf32, #tpu.memory_space<vmem>> -> memref<208x128xf32, #tpu.memory_space<vmem>>
      tpu.wait_dma2 semaphore(%run_scoped3A_376 : memref<!tpu.dma_semaphore, #tpu.memory_space<semaphore_mem>>) src(%dma_wait3A_400 : memref<208x128xf32, #tpu.memory_space<vmem>>) dst(%dma_wait3A_397 : memref<208x128xf32, #tpu.memory_space<hbm>>)
      tpu.yield
    }) : () -> ()
    %add3A_369 = arith.constant 416 : i32
    %add3A_370 = arith.addi %mul3A_364, %add3A_369 : i32
    "tpu.region"() ({
      %run_scoped3A_376 = tpu.sem_alloc : memref<!tpu.dma_semaphore, #tpu.memory_space<semaphore_mem>>
      %dma_start3A_377 = arith.constant 0 : i32
      %dma_start3A_378 = arith.constant 0 : i32
      %dma_start3A_379 = tpu.memref_slice %arg9[%dma_start3A_377, %dma_start3A_378] : memref<208x128xf32, #tpu.memory_space<vmem>> -> memref<208x128xf32, #tpu.memory_space<vmem>>
      %dma_start3A_380 = arith.constant 0 : i32
      %dma_start3A_381 = tpu.memref_slice %arg14[%add3A_370, %dma_start3A_380] : memref<10000x128xf32, #tpu.memory_space<vmem_shared>> -> memref<208x128xf32, #tpu.memory_space<vmem_shared>>
      %dma_start3A_382 = arith.constant 0 : i32
      %dma_start3A_383 = arith.constant 0 : i32
      %dma_start3A_384 = tpu.memref_slice %arg9[%dma_start3A_382, %dma_start3A_383] : memref<208x128xf32, #tpu.memory_space<vmem>> -> memref<208x128xf32, #tpu.memory_space<vmem>>
      %dma_start3A_385 = arith.constant 0 : i32
      %dma_start3A_386 = tpu.memref_slice %arg14[%add3A_370, %dma_start3A_385] : memref<10000x128xf32, #tpu.memory_space<vmem_shared>> -> memref<208x128xf32, #tpu.memory_space<vmem_shared>>
      tpu.enqueue_dma source(%dma_start3A_386 : memref<208x128xf32, #tpu.memory_space<vmem_shared>>) target(%dma_start3A_384 : memref<208x128xf32, #tpu.memory_space<vmem>>) target_semaphore(%run_scoped3A_376 : memref<!tpu.dma_semaphore, #tpu.memory_space<semaphore_mem>>)
      %dma_wait3A_387 = arith.constant 0 : i32
      %dma_wait3A_388 = arith.constant 0 : i32
      %dma_wait3A_389 = tpu.memref_slice %arg9[%dma_wait3A_387, %dma_wait3A_388] : memref<208x128xf32, #tpu.memory_space<vmem>> -> memref<208x128xf32, #tpu.memory_space<vmem>>
      %dma_wait3A_390 = arith.constant 0 : i32
      %dma_wait3A_391 = tpu.memref_slice %arg14[%add3A_370, %dma_wait3A_390] : memref<10000x128xf32, #tpu.memory_space<vmem_shared>> -> memref<208x128xf32, #tpu.memory_space<vmem_shared>>
      %dma_wait3A_392 = arith.constant 0 : i32
      %dma_wait3A_393 = arith.constant 0 : i32
      %dma_wait3A_394 = tpu.memref_slice %arg9[%dma_wait3A_392, %dma_wait3A_393] : memref<208x128xf32, #tpu.memory_space<vmem>> -> memref<208x128xf32, #tpu.memory_space<vmem>>
      %dma_wait3A_395 = arith.constant 0 : i32
      %dma_wait3A_396 = tpu.memref_slice %arg14[%add3A_370, %dma_wait3A_395] : memref<10000x128xf32, #tpu.memory_space<vmem_shared>> -> memref<208x128xf32, #tpu.memory_space<vmem_shared>>
      tpu.wait_dma2 semaphore(%run_scoped3A_376 : memref<!tpu.dma_semaphore, #tpu.memory_space<semaphore_mem>>) src(%dma_wait3A_396 : memref<208x128xf32, #tpu.memory_space<vmem_shared>>) dst(%dma_wait3A_394 : memref<208x128xf32, #tpu.memory_space<vmem>>)
      tpu.yield
    }) : () -> ()
    "tpu.region"() ({
      %run_scoped3A_376 = tpu.sem_alloc : memref<!tpu.dma_semaphore, #tpu.memory_space<semaphore_mem>>
      %dma_start3A_377 = arith.constant 0 : i32
      %dma_start3A_378 = arith.constant 0 : i32
      %dma_start3A_379 = tpu.memref_slice %arg9[%dma_start3A_377, %dma_start3A_378] : memref<208x128xf32, #tpu.memory_space<vmem>> -> memref<208x128xf32, #tpu.memory_space<vmem>>
      %dma_start3A_380 = arith.constant 0 : i32
      %dma_start3A_381 = tpu.memref_slice %arg5[%arg0, %add3A_370, %dma_start3A_380] : memref<2x10000x128xf32, #tpu.memory_space<hbm>> -> memref<1x208x128xf32, #tpu.memory_space<hbm>>
      %dma_start3A_382 = tpu.memref_squeeze %dma_start3A_381 : memref<1x208x128xf32, #tpu.memory_space<hbm>> -> memref<208x128xf32, #tpu.memory_space<hbm>>
      %dma_start3A_383 = arith.constant 0 : i32
      %dma_start3A_384 = tpu.memref_slice %arg5[%arg0, %add3A_370, %dma_start3A_383] : memref<2x10000x128xf32, #tpu.memory_space<hbm>> -> memref<1x208x128xf32, #tpu.memory_space<hbm>>
      %dma_start3A_385 = tpu.memref_squeeze %dma_start3A_384 : memref<1x208x128xf32, #tpu.memory_space<hbm>> -> memref<208x128xf32, #tpu.memory_space<hbm>>
      %dma_start3A_386 = arith.constant 0 : i32
      %dma_start3A_387 = arith.constant 0 : i32
      %dma_start3A_388 = tpu.memref_slice %arg9[%dma_start3A_386, %dma_start3A_387] : memref<208x128xf32, #tpu.memory_space<vmem>> -> memref<208x128xf32, #tpu.memory_space<vmem>>
      tpu.enqueue_dma source(%dma_start3A_388 : memref<208x128xf32, #tpu.memory_space<vmem>>) target(%dma_start3A_385 : memref<208x128xf32, #tpu.memory_space<hbm>>) target_semaphore(%run_scoped3A_376 : memref<!tpu.dma_semaphore, #tpu.memory_space<semaphore_mem>>)
      %dma_wait3A_389 = arith.constant 0 : i32
      %dma_wait3A_390 = arith.constant 0 : i32
      %dma_wait3A_391 = tpu.memref_slice %arg9[%dma_wait3A_389, %dma_wait3A_390] : memref<208x128xf32, #tpu.memory_space<vmem>> -> memref<208x128xf32, #tpu.memory_space<vmem>>
      %dma_wait3A_392 = arith.constant 0 : i32
      %dma_wait3A_393 = tpu.memref_slice %arg5[%arg0, %add3A_370, %dma_wait3A_392] : memref<2x10000x128xf32, #tpu.memory_space<hbm>> -> memref<1x208x128xf32, #tpu.memory_space<hbm>>
      %dma_wait3A_394 = tpu.memref_squeeze %dma_wait3A_393 : memref<1x208x128xf32, #tpu.memory_space<hbm>> -> memref<208x128xf32, #tpu.memory_space<hbm>>
      %dma_wait3A_395 = arith.constant 0 : i32
      %dma_wait3A_396 = tpu.memref_slice %arg5[%arg0, %add3A_370, %dma_wait3A_395] : memref<2x10000x128xf32, #tpu.memory_space<hbm>> -> memref<1x208x128xf32, #tpu.memory_space<hbm>>
      %dma_wait3A_397 = tpu.memref_squeeze %dma_wait3A_396 : memref<1x208x128xf32, #tpu.memory_space<hbm>> -> memref<208x128xf32, #tpu.memory_space<hbm>>
      %dma_wait3A_398 = arith.constant 0 : i32
      %dma_wait3A_399 = arith.constant 0 : i32
      %dma_wait3A_400 = tpu.memref_slice %arg9[%dma_wait3A_398, %dma_wait3A_399] : memref<208x128xf32, #tpu.memory_space<vmem>> -> memref<208x128xf32, #tpu.memory_space<vmem>>
      tpu.wait_dma2 semaphore(%run_scoped3A_376 : memref<!tpu.dma_semaphore, #tpu.memory_space<semaphore_mem>>) src(%dma_wait3A_400 : memref<208x128xf32, #tpu.memory_space<vmem>>) dst(%dma_wait3A_397 : memref<208x128xf32, #tpu.memory_space<hbm>>)
      tpu.yield
    }) : () -> ()
    %eq3A_371 = arith.constant 15 : i32
    %eq3A_372 = arith.cmpi eq, %arg1, %eq3A_371 : i32
    %convert_element_type3A_373 = arith.extui %eq3A_372 : i1 to i32
    %cond3A_374 = arith.constant 0 : i32
    %cond3A_375 = arith.cmpi ne, %convert_element_type3A_373, %cond3A_374 : i32
    scf.if %cond3A_375 {
      "tpu.region"() ({
        %run_scoped3A_376 = tpu.sem_alloc : memref<!tpu.dma_semaphore, #tpu.memory_space<semaphore_mem>>
        %dma_start3A_377 = arith.constant 0 : i32
        %dma_start3A_378 = arith.constant 0 : i32
        %dma_start3A_379 = tpu.memref_slice %arg9[%dma_start3A_377, %dma_start3A_378] : memref<208x128xf32, #tpu.memory_space<vmem>> -> memref<16x128xf32, #tpu.memory_space<vmem>>
        %dma_start3A_380 = arith.constant 9984 : i32
        %dma_start3A_381 = arith.constant 0 : i32
        %dma_start3A_382 = tpu.memref_slice %arg14[%dma_start3A_380, %dma_start3A_381] : memref<10000x128xf32, #tpu.memory_space<vmem_shared>> -> memref<16x128xf32, #tpu.memory_space<vmem_shared>>
        %dma_start3A_383 = arith.constant 0 : i32
        %dma_start3A_384 = arith.constant 0 : i32
        %dma_start3A_385 = tpu.memref_slice %arg9[%dma_start3A_383, %dma_start3A_384] : memref<208x128xf32, #tpu.memory_space<vmem>> -> memref<16x128xf32, #tpu.memory_space<vmem>>
        %dma_start3A_386 = arith.constant 9984 : i32
        %dma_start3A_387 = arith.constant 0 : i32
        %dma_start3A_388 = tpu.memref_slice %arg14[%dma_start3A_386, %dma_start3A_387] : memref<10000x128xf32, #tpu.memory_space<vmem_shared>> -> memref<16x128xf32, #tpu.memory_space<vmem_shared>>
        tpu.enqueue_dma source(%dma_start3A_388 : memref<16x128xf32, #tpu.memory_space<vmem_shared>>) target(%dma_start3A_385 : memref<16x128xf32, #tpu.memory_space<vmem>>) target_semaphore(%run_scoped3A_376 : memref<!tpu.dma_semaphore, #tpu.memory_space<semaphore_mem>>)
        %dma_wait3A_389 = arith.constant 0 : i32
        %dma_wait3A_390 = arith.constant 0 : i32
        %dma_wait3A_391 = tpu.memref_slice %arg9[%dma_wait3A_389, %dma_wait3A_390] : memref<208x128xf32, #tpu.memory_space<vmem>> -> memref<16x128xf32, #tpu.memory_space<vmem>>
        %dma_wait3A_392 = arith.constant 9984 : i32
        %dma_wait3A_393 = arith.constant 0 : i32
        %dma_wait3A_394 = tpu.memref_slice %arg14[%dma_wait3A_392, %dma_wait3A_393] : memref<10000x128xf32, #tpu.memory_space<vmem_shared>> -> memref<16x128xf32, #tpu.memory_space<vmem_shared>>
        %dma_wait3A_395 = arith.constant 0 : i32
        %dma_wait3A_396 = arith.constant 0 : i32
        %dma_wait3A_397 = tpu.memref_slice %arg9[%dma_wait3A_395, %dma_wait3A_396] : memref<208x128xf32, #tpu.memory_space<vmem>> -> memref<16x128xf32, #tpu.memory_space<vmem>>
        %dma_wait3A_398 = arith.constant 9984 : i32
        %dma_wait3A_399 = arith.constant 0 : i32
        %dma_wait3A_400 = tpu.memref_slice %arg14[%dma_wait3A_398, %dma_wait3A_399] : memref<10000x128xf32, #tpu.memory_space<vmem_shared>> -> memref<16x128xf32, #tpu.memory_space<vmem_shared>>
        tpu.wait_dma2 semaphore(%run_scoped3A_376 : memref<!tpu.dma_semaphore, #tpu.memory_space<semaphore_mem>>) src(%dma_wait3A_400 : memref<16x128xf32, #tpu.memory_space<vmem_shared>>) dst(%dma_wait3A_397 : memref<16x128xf32, #tpu.memory_space<vmem>>)
        tpu.yield
      }) : () -> ()
      "tpu.region"() ({
        %run_scoped3A_376 = tpu.sem_alloc : memref<!tpu.dma_semaphore, #tpu.memory_space<semaphore_mem>>
        %dma_start3A_377 = arith.constant 0 : i32
        %dma_start3A_378 = arith.constant 0 : i32
        %dma_start3A_379 = tpu.memref_slice %arg9[%dma_start3A_377, %dma_start3A_378] : memref<208x128xf32, #tpu.memory_space<vmem>> -> memref<16x128xf32, #tpu.memory_space<vmem>>
        %dma_start3A_380 = arith.constant 9984 : i32
        %dma_start3A_381 = arith.constant 0 : i32
        %dma_start3A_382 = tpu.memref_slice %arg5[%arg0, %dma_start3A_380, %dma_start3A_381] : memref<2x10000x128xf32, #tpu.memory_space<hbm>> -> memref<1x16x128xf32, #tpu.memory_space<hbm>>
        %dma_start3A_383 = tpu.memref_squeeze %dma_start3A_382 : memref<1x16x128xf32, #tpu.memory_space<hbm>> -> memref<16x128xf32, #tpu.memory_space<hbm>>
        %dma_start3A_384 = arith.constant 9984 : i32
        %dma_start3A_385 = arith.constant 0 : i32
        %dma_start3A_386 = tpu.memref_slice %arg5[%arg0, %dma_start3A_384, %dma_start3A_385] : memref<2x10000x128xf32, #tpu.memory_space<hbm>> -> memref<1x16x128xf32, #tpu.memory_space<hbm>>
        %dma_start3A_387 = tpu.memref_squeeze %dma_start3A_386 : memref<1x16x128xf32, #tpu.memory_space<hbm>> -> memref<16x128xf32, #tpu.memory_space<hbm>>
        %dma_start3A_388 = arith.constant 0 : i32
        %dma_start3A_389 = arith.constant 0 : i32
        %dma_start3A_390 = tpu.memref_slice %arg9[%dma_start3A_388, %dma_start3A_389] : memref<208x128xf32, #tpu.memory_space<vmem>> -> memref<16x128xf32, #tpu.memory_space<vmem>>
        tpu.enqueue_dma source(%dma_start3A_390 : memref<16x128xf32, #tpu.memory_space<vmem>>) target(%dma_start3A_387 : memref<16x128xf32, #tpu.memory_space<hbm>>) target_semaphore(%run_scoped3A_376 : memref<!tpu.dma_semaphore, #tpu.memory_space<semaphore_mem>>)
        %dma_wait3A_391 = arith.constant 0 : i32
        %dma_wait3A_392 = arith.constant 0 : i32
        %dma_wait3A_393 = tpu.memref_slice %arg9[%dma_wait3A_391, %dma_wait3A_392] : memref<208x128xf32, #tpu.memory_space<vmem>> -> memref<16x128xf32, #tpu.memory_space<vmem>>
        %dma_wait3A_394 = arith.constant 9984 : i32
        %dma_wait3A_395 = arith.constant 0 : i32
        %dma_wait3A_396 = tpu.memref_slice %arg5[%arg0, %dma_wait3A_394, %dma_wait3A_395] : memref<2x10000x128xf32, #tpu.memory_space<hbm>> -> memref<1x16x128xf32, #tpu.memory_space<hbm>>
        %dma_wait3A_397 = tpu.memref_squeeze %dma_wait3A_396 : memref<1x16x128xf32, #tpu.memory_space<hbm>> -> memref<16x128xf32, #tpu.memory_space<hbm>>
        %dma_wait3A_398 = arith.constant 9984 : i32
        %dma_wait3A_399 = arith.constant 0 : i32
        %dma_wait3A_400 = tpu.memref_slice %arg5[%arg0, %dma_wait3A_398, %dma_wait3A_399] : memref<2x10000x128xf32, #tpu.memory_space<hbm>> -> memref<1x16x128xf32, #tpu.memory_space<hbm>>
        %dma_wait3A_401 = tpu.memref_squeeze %dma_wait3A_400 : memref<1x16x128xf32, #tpu.memory_space<hbm>> -> memref<16x128xf32, #tpu.memory_space<hbm>>
        %dma_wait3A_402 = arith.constant 0 : i32
        %dma_wait3A_403 = arith.constant 0 : i32
        %dma_wait3A_404 = tpu.memref_slice %arg9[%dma_wait3A_402, %dma_wait3A_403] : memref<208x128xf32, #tpu.memory_space<vmem>> -> memref<16x128xf32, #tpu.memory_space<vmem>>
        tpu.wait_dma2 semaphore(%run_scoped3A_376 : memref<!tpu.dma_semaphore, #tpu.memory_space<semaphore_mem>>) src(%dma_wait3A_404 : memref<16x128xf32, #tpu.memory_space<vmem>>) dst(%dma_wait3A_401 : memref<16x128xf32, #tpu.memory_space<hbm>>)
        tpu.yield
      }) : () -> ()
    } else {
    }
    return
  }
}

module attributes {stable_mosaic.version = 14 : i64} {
  func.func @_mm_body(%arg0: i32, %arg1: i32, %arg2: memref<2000x256xf32, #tpu.memory_space<vmem>>, %arg3: memref<1x256x128xf32, #tpu.memory_space<vmem>>, %arg4: memref<2x2000x16xf32, #tpu.memory_space<vmem>>, %arg5: memref<2000x128xf32, #tpu.memory_space<vmem>>, %arg6: memref<2000x16xf32, #tpu.memory_space<vmem>>) attributes {dimension_semantics = [#tpu.dimension_semantics<arbitrary>, #tpu.dimension_semantics<arbitrary>], iteration_bounds = array<i64: 5, 2>, scalar_prefetch = 0 : i64, scratch_operands = 0 : i64, tpu.core_type = #tpu.core_type<tc>, window_params = [{transform_indices = @transform_0, window_bounds = array<i64: 2000, 256>}, {transform_indices = @transform_1, window_bounds = array<i64: 1, 256, 128>}, {transform_indices = @transform_2, window_bounds = array<i64: 2, 2000, 16>}, {transform_indices = @transform_3, window_bounds = array<i64: 2000, 128>}, {transform_indices = @transform_4, window_bounds = array<i64: 2000, 16>}]} {
    %get3A = arith.constant 0 : index
    %get3A_0 = arith.constant 0 : index
    %get3A_1 = vector.load %arg2[%get3A, %get3A_0] : memref<2000x256xf32, #tpu.memory_space<vmem>>, vector<2000x256xf32>
    %get3A_2 = arith.constant 0 : index
    %get3A_3 = arith.constant 0 : index
    %get3A_4 = arith.constant 0 : index
    %get3A_5 = vector.load %arg3[%get3A_2, %get3A_3, %get3A_4] : memref<1x256x128xf32, #tpu.memory_space<vmem>>, vector<1x256x128xf32>
    %squeeze3A = vector.shape_cast %get3A_5 : vector<1x256x128xf32> to vector<256x128xf32>
    %dot_general3A = arith.constant dense<0.000000e+00> : vector<2000x128xf32>
    %dot_general3A_6 = tpu.matmul %get3A_1, %squeeze3A, %dot_general3A {dimension_numbers = #tpu.dot_dimension_numbers<[1], [0], [0], [1], [0, 0, 1, 1], [], []>, transpose_lhs_hint = false} : vector<2000x256xf32>, vector<256x128xf32>, vector<2000x128xf32> -> vector<2000x128xf32>
    %get3A_7 = arith.constant 0 : index
    %get3A_8 = arith.constant 0 : index
    %get3A_9 = arith.constant 0 : index
    %get3A_10 = vector.load %arg4[%get3A_7, %get3A_8, %get3A_9] : memref<2x2000x16xf32, #tpu.memory_space<vmem>>, vector<2x2000x16xf32>
    %slice3A = vector.extract_strided_slice %get3A_10 {offsets = [0, 0, 0], sizes = [1, 2000, 1], strides = [1, 1, 1]} : vector<2x2000x16xf32> to vector<1x2000x1xf32>
    %squeeze3A_11 = vector.shape_cast %slice3A : vector<1x2000x1xf32> to vector<2000x1xf32>
    %slice3A_12 = vector.extract_strided_slice %get3A_10 {offsets = [1, 0, 0], sizes = [1, 2000, 1], strides = [1, 1, 1]} : vector<2x2000x16xf32> to vector<1x2000x1xf32>
    %squeeze3A_13 = vector.shape_cast %slice3A_12 : vector<1x2000x1xf32> to vector<2000x1xf32>
    %add3A = arith.addf %squeeze3A_11, %squeeze3A_13 : vector<2000x1xf32>
    %add3A_14 = arith.constant 1.000000e+00 : f32
    %add3A_15 = vector.broadcast %add3A_14 : f32 to vector<2000x1xf32>
    %add3A_16 = arith.addf %add3A, %add3A_15 : vector<2000x1xf32>
    %rsqrt3A = math.rsqrt %add3A_16 : vector<2000x1xf32>
    %mul3A = vector.broadcast %rsqrt3A : vector<2000x1xf32> to vector<2000x128xf32>
    %mul3A_17 = arith.mulf %dot_general3A_6, %mul3A : vector<2000x128xf32>
    %swap3A = arith.constant 0 : index
    %swap3A_18 = arith.constant 0 : index
    %swap3A_19 = vector.load %arg5[%swap3A, %swap3A_18] : memref<2000x128xf32, #tpu.memory_space<vmem>>, vector<2000x128xf32>
    tpu.vector_store %arg5[%swap3A, %swap3A_18], %mul3A_17 {strides = array<i32>} : memref<2000x128xf32, #tpu.memory_space<vmem>>, vector<2000x128xf32>,
    %broadcast_in_dim3A = vector.shape_cast %rsqrt3A : vector<2000x1xf32> to vector<2000x1xf32>
    %broadcast_in_dim3A_20 = vector.broadcast %broadcast_in_dim3A : vector<2000x1xf32> to vector<2000x16xf32>
    %swap3A_21 = arith.constant 0 : index
    %swap3A_22 = arith.constant 0 : index
    %swap3A_23 = vector.load %arg6[%swap3A_21, %swap3A_22] : memref<2000x16xf32, #tpu.memory_space<vmem>>, vector<2000x16xf32>
    tpu.vector_store %arg6[%swap3A_21, %swap3A_22], %broadcast_in_dim3A_20 {strides = array<i32>} : memref<2000x16xf32, #tpu.memory_space<vmem>>, vector<2000x16xf32>,
    return
  }
  func.func @transform_0(%arg0: i32, %arg1: i32) -> (i32, i32) {
    %c0_i32 = arith.constant 0 : i32
    %c0_i32_0 = arith.constant 0 : i32
    return %arg0, %c0_i32 : i32, i32
  }
  func.func @transform_1(%arg0: i32, %arg1: i32) -> (i32, i32, i32) {
    %c0_i32 = arith.constant 0 : i32
    %c0_i32_0 = arith.constant 0 : i32
    %c0_i32_1 = arith.constant 0 : i32
    return %arg1, %c0_i32, %c0_i32_0 : i32, i32, i32
  }
  func.func @transform_2(%arg0: i32, %arg1: i32) -> (i32, i32, i32) {
    %c0_i32 = arith.constant 0 : i32
    %c0_i32_0 = arith.constant 0 : i32
    %c0_i32_1 = arith.constant 0 : i32
    return %c0_i32, %arg0, %c0_i32_0 : i32, i32, i32
  }
  func.func @transform_3(%arg0: i32, %arg1: i32) -> (i32, i32) {
    %mul3A = arith.constant 5 : i32
    %mul3A_0 = arith.muli %arg1, %mul3A : i32
    %add3A = arith.addi %mul3A_0, %arg0 : i32
    %c0_i32 = arith.constant 0 : i32
    %c0_i32_1 = arith.constant 0 : i32
    return %add3A, %c0_i32 : i32, i32
  }
  func.func @transform_4(%arg0: i32, %arg1: i32) -> (i32, i32) {
    %c0_i32 = arith.constant 0 : i32
    %c0_i32_0 = arith.constant 0 : i32
    return %arg0, %c0_i32 : i32, i32
  }
}

module attributes {stable_mosaic.version = 14 : i64} {
  func.func @_epi_body(%arg0: i32, %arg1: memref<1x2000x128xf32, #tpu.memory_space<vmem>>, %arg2: memref<1x2000x128xf32, #tpu.memory_space<vmem>>, %arg3: memref<2000x16xf32, #tpu.memory_space<vmem>>, %arg4: memref<1x256xf32, #tpu.memory_space<vmem>>, %arg5: memref<2000x256xf32, #tpu.memory_space<vmem>>) attributes {dimension_semantics = [#tpu.dimension_semantics<arbitrary>], iteration_bounds = array<i64: 5>, scalar_prefetch = 0 : i64, scratch_operands = 0 : i64, tpu.core_type = #tpu.core_type<tc>, window_params = [{transform_indices = @transform_0, window_bounds = array<i64: 1, 2000, 128>}, {transform_indices = @transform_1, window_bounds = array<i64: 1, 2000, 128>}, {transform_indices = @transform_2, window_bounds = array<i64: 2000, 16>}, {pipeline_mode = #tpu.pipeline_mode<synchronous>, transform_indices = @transform_3, window_bounds = array<i64: 1, 256>}, {transform_indices = @transform_4, window_bounds = array<i64: 2000, 256>}]} {
    %get3A = arith.constant 0 : index
    %get3A_0 = arith.constant 0 : index
    %get3A_1 = arith.constant 0 : index
    %get3A_2 = vector.load %arg1[%get3A, %get3A_0, %get3A_1] : memref<1x2000x128xf32, #tpu.memory_space<vmem>>, vector<1x2000x128xf32>
    %squeeze3A = vector.shape_cast %get3A_2 : vector<1x2000x128xf32> to vector<2000x128xf32>
    %get3A_3 = arith.constant 0 : index
    %get3A_4 = arith.constant 0 : index
    %get3A_5 = arith.constant 0 : index
    %get3A_6 = vector.load %arg2[%get3A_3, %get3A_4, %get3A_5] : memref<1x2000x128xf32, #tpu.memory_space<vmem>>, vector<1x2000x128xf32>
    %squeeze3A_7 = vector.shape_cast %get3A_6 : vector<1x2000x128xf32> to vector<2000x128xf32>
    %concatenate3A = tpu.concatenate %squeeze3A, %squeeze3A_7 in 1 : vector<2000x128xf32>, vector<2000x128xf32> -> vector<2000x256xf32>
    %get3A_8 = arith.constant 0 : index
    %get3A_9 = arith.constant 0 : index
    %get3A_10 = vector.load %arg3[%get3A_8, %get3A_9] : memref<2000x16xf32, #tpu.memory_space<vmem>>, vector<2000x16xf32>
    %slice3A = vector.extract_strided_slice %get3A_10 {offsets = [0, 0], sizes = [2000, 1], strides = [1, 1]} : vector<2000x16xf32> to vector<2000x1xf32>
    %mul3A = vector.broadcast %slice3A : vector<2000x1xf32> to vector<2000x256xf32>
    %mul3A_11 = arith.mulf %concatenate3A, %mul3A : vector<2000x256xf32>
    %get3A_12 = arith.constant 0 : index
    %get3A_13 = arith.constant 0 : index
    %get3A_14 = vector.load %arg4[%get3A_12, %get3A_13] : memref<1x256xf32, #tpu.memory_space<vmem>>, vector<1x256xf32>
    %add3A = vector.broadcast %get3A_14 : vector<1x256xf32> to vector<2000x256xf32>
    %add3A_15 = arith.addf %mul3A_11, %add3A : vector<2000x256xf32>
    %max3A = arith.constant 0.000000e+00 : f32
    %max3A_16 = vector.broadcast %max3A : f32 to vector<2000x256xf32>
    %max3A_17 = arith.maximumf %add3A_15, %max3A_16 : vector<2000x256xf32>
    %swap3A = arith.constant 0 : index
    %swap3A_18 = arith.constant 0 : index
    %swap3A_19 = vector.load %arg5[%swap3A, %swap3A_18] : memref<2000x256xf32, #tpu.memory_space<vmem>>, vector<2000x256xf32>
    tpu.vector_store %arg5[%swap3A, %swap3A_18], %max3A_17 {strides = array<i32>} : memref<2000x256xf32, #tpu.memory_space<vmem>>, vector<2000x256xf32>,
    return
  }
  func.func @transform_0(%arg0: i32) -> (i32, i32, i32) {
    %c0_i32 = arith.constant 0 : i32
    %c0_i32_0 = arith.constant 0 : i32
    %c0_i32_1 = arith.constant 0 : i32
    return %c0_i32, %arg0, %c0_i32_0 : i32, i32, i32
  }
  func.func @transform_1(%arg0: i32) -> (i32, i32, i32) {
    %c1_i32 = arith.constant 1 : i32
    %c0_i32 = arith.constant 0 : i32
    %c0_i32_0 = arith.constant 0 : i32
    return %c1_i32, %arg0, %c0_i32 : i32, i32, i32
  }
  func.func @transform_2(%arg0: i32) -> (i32, i32) {
    %c0_i32 = arith.constant 0 : i32
    %c0_i32_0 = arith.constant 0 : i32
    return %arg0, %c0_i32 : i32, i32
  }
  func.func @transform_3(%arg0: i32) -> (i32, i32) {
    %c0_i32 = arith.constant 0 : i32
    %c0_i32_0 = arith.constant 0 : i32
    %c0_i32_1 = arith.constant 0 : i32
    return %c0_i32, %c0_i32_0 : i32, i32
  }
  func.func @transform_4(%arg0: i32) -> (i32, i32) {
    %c0_i32 = arith.constant 0 : i32
    %c0_i32_0 = arith.constant 0 : i32
    return %arg0, %c0_i32 : i32, i32
  }
}

</mosaic_0001>

<sc_bundles>
// kernel: kernel.6.cloned.1.call-start
scs
__scs_entry_jumppad:
0x0: {  	(pc) =	sbr.rel $0x88, $3  }
0x1: {  	(tag) =	ssettag $0x0;
	lr =	simm.s32 $0x1  }
0x2: {  	[smem:$0x3F9D] =	sst lr;
	_ =	strace $0xD0000000  }
0x3: {  	_ = 	snop  }
0x4: {  	_ = 	snop  }
0x5: {  	_ = 	snop  }
0x6: {  	_ = 	snop  }
0x7: {  	_ = 	snop  }
__scs_overlays_trampoline_lowered:
0x8: {  	[smem:$0x3FAC] =	sst s0  }
0x9: {  	[smem:$0x3FAD] =	sst s1  }
0xa: {  	[smem:$0x3FAE] =	sst s2  }
0xb: {  	[smem:$0x3FAF] =	sst s3  }
0xc: {  	[smem:$0x3FB0] =	sst s4  }
0xd: {  	[smem:$0x3FB1] =	sst s5  }
0xe: {  	[smem:$0x3FB2] =	sst s6  }
0xf: {  	[smem:$0x3FB3] =	sst s7  }
0x10: {  	[smem:$0x3FB4] =	sst s8  }
0x11: {  	[smem:$0x3FB5] =	sst s9;
	s0 =	simm.s32 @!p0 $0x0  }
0x12: {  	s1 =	sld [smem:$0x3F9B];
	s0 =	simm.s32 @p0 $0x1  }
0x13: {  	[smem:$0x3FB6] =	sst s0;
	s0 =	simm.s32 @!p1 $0x0  }
0x14: {  	s2 =	sld [smem:$0x3F9A];
	s0 =	simm.s32 @p1 $0x1  }
0x15: {  	[smem:$0x3FB7] =	sst s0;
	s0 =	simm.s32 @!p2 $0x0  }
0x16: {  	s3 =	sld [smem:$0x3FDB];
	s0 =	simm.s32 @p2 $0x1  }
0x17: {  	s4 =	simm.s32 $0x1BF5;
	[smem:$0x3FB9] =	sst s0  }
0x18: {  	s0 =	sld [smem:$0x3F9C];
	_ =	swait.ge [sflag:s4], $0x0  }
0x19: {  	s7 =	sld [smem:$0x3F9D]  }
0x1a: {  	s8 =	sadd.s32 $0xFFFFE003, lr  }
0x1b: {  	s9 =	sadd.s32 $0xFFFFFEF7, lr;
	s5 =	simm.s32 $0xFFFFFFFF;
	p2 =	slt.u32 s8, $0xFFFFF086  }
0x1c: {  	p1 =	slt.u32 s9, $0xF7A;
	s5 =	simm.s32 @!p2 $0x0  }
0x1d: {  	s5 =	simm.s32 @p1 $0x1;
	p0 =	seq.s32 s7, s2  }
0x1e: {  	s7 =	smul.u32 @!p0 $0xF7A, s2;
	p2 =	seq.s32 @!p0 s5, $0x0  }
0x1f: {  	s9 =	smul.u32 $0xF7A, s1;
	s8 =	simm.s32 @!p0 $0x1BF5;
	p2 =	por !p2, p0  }
0x20: {  	[sflag:s8] =	ssyncset.s32 @!p0 $0xFFFFF086;
	s6 =	sadd.s32 @!p0 s3, s7;
	s7 =	simm.s32 @!p0 $0x108  }
0x21: {  	s3 =	sadd.s32 s3, s9;
	s6 =	sadd.s32 @!p0 $0x88, s6;
	s7 =	simm.s32 @p2 $0x1082  }
0x22: {  	[simem:s7], [sflag:s8] =	dma.local @!p0 [hbm:s6], $0xF7A  }
0x23: {  	s9 =	sor.u32 $0xD0000000, s2;
	s6 =	simm.s32 $0x108;
	_ =	swait.ge @!p0 [sflag:s8], $0x0  }
0x24: {  	s3 =	sadd.s32 $0x88, s3;
	s6 =	simm.s32 @!p1 $0x1082;
	[sflag:s4] =	ssyncset.s32 $0xFFFFF086  }
0x25: {  	[simem:s6], [sflag:s4] =	dma.local [hbm:s3], $0xF7A  }
0x26: {  	[smem:$0x3F9D] =	sst s1;
	(tag) =	ssettag s2;
	_ =	strace s9  }
0x27: {  	s1 =	sld [smem:$0x3FAD]  }
0x28: {  	s2 =	sld [smem:$0x3FAE]  }
0x29: {  	s4 =	sld [smem:$0x3FB0]  }
0x2a: {  	p0 =	seq.s32 s5, $0x0;
	s5 =	sld [smem:$0x3FB1]  }
0x2b: {  	s6 =	sld [smem:$0x3FB2]  }
0x2c: {  	s7 =	sld [smem:$0x3FB3]  }
0x2d: {  	s3 =	simm.s32 $0x108;
	s8 =	sld [smem:$0x3FB4]  }
0x2e: {  	s3 =	simm.s32 @!p0 $0x1082;
	s9 =	sld [smem:$0x3FB5]  }
0x2f: {  	lr =	sadd.s32 s0, s3;
	s0 =	sld [smem:$0x3FAC]  }
0x30: {  	s3 =	sld [smem:$0x3FAF]  }
0x31: {  	[smem:$0x3FB8] =	sst s10  }
0x32: {  	s10 =	sld [smem:$0x3FB6];
	_ =	sdelay $0x3  }
0x33: {  	p0 =	seq.s32 s10, $0x1;
	s10 =	sld [smem:$0x3FB8];
	_ =	sdelay $0x3  }
0x34: {  	[smem:$0x3FB8] =	sst s10  }
0x35: {  	s10 =	sld [smem:$0x3FB7];
	_ =	sdelay $0x3  }
0x36: {  	p1 =	seq.s32 s10, $0x1;
	s10 =	sld [smem:$0x3FB8];
	_ =	sdelay $0x3  }
0x37: {  	[smem:$0x3FB8] =	sst s10  }
0x38: {  	s10 =	sld [smem:$0x3FB9]  }
0x39: {  	_ = 	snop;
	(pc) =	sbr.ind lr, $3  }
0x3a: {  	_ = 	snop  }
0x3b: {  	_ = 	snop  }
0x3c: {  	p2 =	seq.s32 s10, $0x1;
	s10 =	sld [smem:$0x3FB8]  }
0x3d: {  	_ =	shalt  }
0x3e: {  	_ =	shalt  }
0x3f: {  	_ =	shalt  }
0x40: {  	_ =	shalt  }
0x41: {  	_ =	shalt  }
0x42: {  	_ =	shalt  }
0x43: {  	_ =	shalt  }
0x44: {  	_ =	shalt  }
0x45: {  	_ =	shalt  }
0x46: {  	_ =	shalt  }
0x47: {  	_ =	shalt  }
0x48: {  	_ =	shalt  }
0x49: {  	_ =	shalt  }
0x4a: {  	_ =	shalt  }
0x4b: {  	_ =	shalt  }
0x4c: {  	_ =	shalt  }
0x4d: {  	_ =	shalt  }
0x4e: {  	_ =	shalt  }
0x4f: {  	_ =	shalt  }
0x50: {  	_ =	shalt  }
0x51: {  	_ =	shalt  }
0x52: {  	_ =	shalt  }
0x53: {  	_ =	shalt  }
0x54: {  	_ =	shalt  }
0x55: {  	_ =	shalt  }
0x56: {  	_ =	shalt  }
0x57: {  	_ =	shalt  }
0x58: {  	_ =	shalt  }
0x59: {  	_ =	shalt  }
0x5a: {  	_ =	shalt  }
0x5b: {  	_ =	shalt  }
0x5c: {  	_ =	shalt  }
0x5d: {  	_ =	shalt  }
0x5e: {  	_ =	shalt  }
0x5f: {  	_ =	shalt  }
0x60: {  	_ =	shalt  }
0x61: {  	_ =	shalt  }
0x62: {  	_ =	shalt  }
0x63: {  	_ =	shalt  }
0x64: {  	_ =	shalt  }
0x65: {  	_ =	shalt  }
0x66: {  	_ =	shalt  }
0x67: {  	_ =	shalt  }
0x68: {  	_ =	shalt  }
0x69: {  	_ =	shalt  }
0x6a: {  	_ =	shalt  }
0x6b: {  	_ =	shalt  }
0x6c: {  	_ =	shalt  }
0x6d: {  	_ =	shalt  }
0x6e: {  	_ =	shalt  }
0x6f: {  	_ =	shalt  }
0x70: {  	_ =	shalt  }
0x71: {  	_ =	shalt  }
0x72: {  	_ =	shalt  }
0x73: {  	_ =	shalt  }
0x74: {  	_ =	shalt  }
0x75: {  	_ =	shalt  }
0x76: {  	_ =	shalt  }
0x77: {  	_ =	shalt  }
0x78: {  	_ =	shalt  }
0x79: {  	_ =	shalt  }
0x7a: {  	_ =	shalt  }
0x7b: {  	_ =	shalt  }
0x7c: {  	_ =	shalt  }
0x7d: {  	_ =	shalt  }
0x7e: {  	_ =	shalt  }
0x7f: {  	_ =	shalt  }
0x80: {  	_ =	shalt  }
0x81: {  	_ =	shalt  }
0x82: {  	_ =	shalt  }
0x83: {  	_ =	shalt  }
0x84: {  	_ =	shalt  }
0x85: {  	_ =	shalt  }
0x86: {  	_ =	shalt  }
0x87: {  	_ =	shalt  }
.Lfunc_end0:
.L_simem_size_0:
called_computation_lowered:
.L_overlay_start_0:
0x88: {  	s2 =	sld [smem:$0x3FD9]  }
0x89: {  	s3 =	sld [smem:$0x3FFE];
	_ =	sdelay $0x1  }
0x8a: {  	s1 =	srdreg.scid  }
0x8b: {  	s0 =	sand.u32 $0x1, s1  }
0x8c: {  	s17 =	sshll.u32 s0, $0xA;
	s2 =	sadd.s32 s3, s2  }
0x8d: {  	s2 =	sadd.s32 s2, s17  }
0x8e: {  	[smem:$0x3FC4] =	sst s2  }
0x8f: {  	_ = 	snop  }
0x90: {  	s2 =	sld [smem:$0x3FD0];
	(tm) =	ssettm $0x1  }
0x91: {  	s18 =	sld [smem:$0x3FFB];
	_ =	sdelay $0x3  }
0x92: {  	_ =	strace s18  }
0x93: {  	s3 =	sld [smem:$0x3FFC];
	_ =	sdelay $0x3  }
0x94: {  	_ =	strace s3  }
0x95: {  	s3 =	sld [smem:$0x3FFD];
	_ =	sdelay $0x3  }
0x96: {  	_ =	strace s3  }
0x97: {  	_ =	strace $0x8FFFFFFF  }
0x98: {  	s19 =	sld [smem:$0x3FDB];
	_ =	sdelay $0x1  }
0x99: {  	s4 =	simm.s32 $_scs_section_size  }
0x9a: {  	s5 =	simm.s32 $_size__tile_overlayer_lowered;
	s6 =	simm.s32 $_tile_overlayer_lowered  }
0x9b: {  	s22 =	simm.s32 $0x1BFF;
	s21 =	sshll.u32 s6, $0x1;
	s3 =	sadd.s32 s4, s19  }
0x9c: {  	s7 =	simm.s32 $0x0;
	s20 =	sshll.u32 s5, $0x1;
	s5 =	sadd.s32 s21, s3  }
0x9d: {  	[timem:s7], [sflag:s22] =	dma.local [hbm:s5], s20  }
0x9e: {  	_ =	swait.ge [sflag:s22], s20  }
0x9f: {  	s4 =	ssub.s32 $0x0, s20;
	[sflag:s22] =	ssyncset.done $0x0  }
0xa0: {  	[sflag:s22] =	ssyncadd.s32 s4;
	_ =	sdelay $0x1  }
0xa1: {  	s23 =	simm.s32 $0x1B8B  }
0xa2: {  	_ =	swait.ge [sflag:s23], $0x1  }
0xa3: {  	[sflag:s23] =	ssyncset.done $0x0  }
0xa4: {  	s25 =	simm.s32 $0x1B8E;
	s24 =	sld [smem:$0x3FFE];
	[sflag:s23] =	ssyncadd.s32 $0xFFFFFFFF  }
0xa5: {  	s26 =	simm.s32 $execute0_lowered;
	[smem:$0x3FD2] =	sst s25  }
0xa6: {  	s5 =	sshll.u32 s26, $0x1;
	_ =	strace $0x80000046;
	[dreg:$0x1] =	wrdreg $0xFFFFFFFF  }
0xa7: {  	s28 =	simm.s32 $_size_execute0_lowered;
	s3 =	sadd.s32 s3, s5;
	[dreg:$0x0] =	wrdreg $0x0  }
0xa8: {  	s5 =	sshll.u32 s28, $0x1;
	[dreg:$0x2] =	wrdreg s3  }
0xa9: {  	[dreg:$0x3] =	wrdreg s5  }
0xaa: {  	[dreg:$0x4] =	wrdreg $0xC0  }
0xab: {  	_ =	task [dreg:s7], $0x5FFFF  }
0xac: {  	[dreg:$0x1] =	wrdreg $0xFFFFFFFF  }
0xad: {  	[dreg:$0x0] =	wrdreg $0x60  }
0xae: {  	[dreg:$0x2] =	wrdreg s24  }
0xaf: {  	[dreg:$0x3] =	wrdreg s2  }
0xb0: {  	[dreg:$0x4] =	wrdreg $0xA9000  }
0xb1: {  	[dreg:$0x5] =	wrdreg $0x9  }
0xb2: {  	_ =	task.clear_ibuf [dreg:s7], $0x6FFFF;
	_ =	strace $0x90000046  }
0xb3: {  	s29 =	simm.s32 $0x9;
	_ =	strace $0x80000048  }
0xb4: {  	_ =	swait.ge [sflag:s29], $0x1  }
0xb5: {  	[sflag:s29] =	ssyncadd.s32 $0xFFFFFFFF  }
0xb6: {  	_ =	strace $0x90000048  }
0xb7: {  	_ =	sfence  }
0xb8: {  	s30 =	sld [smem:$0x0];
	_ =	sdelay $0x2  }
0xb9: {  	s31 =	sshll.u32 s1, $0xD;
	s1 =	sshrl.u32 s1, $0x2  }
0xba: {  	s3 =	sand.u32 $0x4000, s31;
	s1 =	sadd.s32 s1, s30  }
0xbb: {  	s0 =	sor.u32 s3, s0;
	s1 =	sshll.u32 s1, $0x11  }
0xbc: {  	s0 =	sor.u32 s1, s0  }
0xbd: {  	s0 =	sadd.s32 $0x8F2B, s0  }
0xbe: {  	[sflag:s0] =	ssyncadd.remote.s32 $0x1  }
0xbf: {  	_ =	sfence.sel $0xFFFF  }
0xc0: {  	[dreg:$0x0] =	wrdreg $0xFFFFFFFF;
	(pc) =	sbr.abs _section_cstart, $3  }
0xc1: {  	[dreg:$0x1] =	wrdreg $0xFFFFFFFF  }
0xc2: {  	_ =	task.clear_ibuf [dreg:s7], $0x2FFFF;
	_ =	strace $0x9FFFFFFF  }
0xc3: {  	(tm) =	ssettm $0x7FFFFFFF  }
tec
execute0_lowered:
.L_overlay_start_1:
0x0: {  	(tag) =	ssettag $0x1  }
0x1: {  	s4 =	rddreg [dreg:$0x0]  }
0x2: {  	s14 =	rddreg [dreg:$0x1]  }
0x3: {  	s2 =	rddreg [dreg:$0x2]  }
0x4: {  	s0 =	rddreg [dreg:$0x3];
	s5 =	srdreg.scid  }
0x5: {  	s3 =	simm.s32 $0x0;
	s1 =	stileid.u32;
	s19 =	simm.s32 $0x80  }
0x6: {  	s20 =	simm.s32 $0x100;
	s21 =	simm.s32 $0x1;
	s22 =	simm.s32 $0x2  }
0x7: {  	s15 =	sand.u32 $0x1, s5;
	[smem:$0x7FF] =	sst s3;
	s6 =	smul.u32 $0x4E000, s1  }
0x8: {  	s10 =	smul.u32 $0x13800, s1;
	s11 =	sadd.s32 $0x5A00, s4;
	s18 =	sshll.u32 s1, $0x4  }
0x9: {  	p0 =	sne.s32 s1, $0xF;
	s5 =	ssub.s32 $0x2, s15;
	_ =	strace $0x80000047  }
0xa: {  	s28 =	sshll.u32 s15, $0x4;
	s17 =	smul.u32 $0x138800, s15;
	s18 =	sadd.s32 s18, s11  }
0xb: {  	s31 =	sshll.u32 s15, $0x8;
	s7 =	sshrl.u32 s5, $0x1;
	s23 =	sor.u32 s1, s28  }
0xc: {  	s29 =	sshrl.u32 s6, $0x2;
	s12 =	sadd.s32 $0x6800, s10;
	s13 =	sadd.s32 $0xD000, s10  }
0xd: {  	s16 =	ssub.s32 s5, s7;
	s4 =	sadd.s32 s29, s2;
	s5 =	sadd.s32 s12, s2  }
0xe: {  	s6 =	sadd.s32 s13, s2;
	s8 =	sshll.u32 s23, $0x4;
	s7 =	sadd.s32 $0x138000, s2  }
0xf: {  	s30 =	sadd.s32 s10, s17;
	s10 =	sadd.s32 $0x4E00, s18;
	s12 =	sadd.s32 s17, s12  }
0x10: {  	s13 =	sadd.s32 s17, s13;
	s17 =	sshrl.u32 s17, $0x3;
	p1 =	sgt.u32 s23, $0x1  }
0x11: {  	s23 =	simm.s32 $0x0;
	s8 =	sadd.s32 s11, s8;
	s11 =	sshrl.u32 s30, $0x3  }
0x12: {  	s12 =	sshrl.u32 s12, $0x3;
	s13 =	sshrl.u32 s13, $0x3;
	s15 =	smax.u32 s16, $0x1  }
0x13: {  	s16 =	sadd.s32 s31, s18;
	s18 =	simm.s32 $0x3;
	s11 =	sadd.s32 s14, s11  }
0x14: {  	s12 =	sadd.s32 s14, s12;
	s13 =	sadd.s32 s14, s13;
	s14 =	sadd.s32 s14, s17  }
0x15: {  	v0 =	vimm.f32 $1.000000000e+00;
	v1 =	vimm.f32 $0.0e+00;
	s9 =	sadd.s32 $0x200, s8;
	s17 =	simm.s32 $0x4100;
	s14 =	sadd.s32 $0x27000, s14  }
.LBB2_1:
0x16: {  	s24 =	simm.s32 $0x0  }
.LBB2_2:
0x17: {  	p2 =	sne.s32 s24, $0xFE00  }
.Ltmp0:
0x18: {  	_ = 	snop;
	(pc) =	sbr.rel @p2 .LBB2_2-.Ltmp0, $3  }
0x19: {  	_ =	sdelay $0x1  }
0x1a: {  	s25 =	sshra.s32 s24, $0x2  }
0x1b: {  	s24 =	sadd.s32 $0x200, s24;
	[tilespmem:s25+$0x100] =	vst v0  }
0x1c: {  	s24 =	simm.s32 $0x200;
	s25 =	simm.s32 $0x0  }
.LBB2_4:
0x1d: {  	p2 =	sne.s32 s24, $0x19E00;
	[tilespmem:s25+$0x4100] =	vst v1;
	s25 =	smov.u32 s24;
	s24 =	sadd.s32 $0x200, s24  }
.Ltmp1:
0x1e: {  	(pc) =	sbr.rel @p2 .LBB2_4-.Ltmp1, $2  }
0x1f: {  	_ =	sdelay $0x2  }
0x20: {  	s25 =	sshra.s32 s25, $0x2  }
0x21: {  	[tilespmem:s25+$0x4100] =	vst v1  }
0x22: {  	[spmem:s4] =	stream.linear.scatter [tilespmem:s17], [sflag:$0x3], $0x6800, $0x38;
	[tilespmem:$0xD010] =	vst v63  }
0x23: {  	_ =	swait.ge [sflag:s18], $0x6800  }
0x24: {  	[sflag:s18] =	ssyncset.done $0x0  }
0x25: {  	[sflag:s18] =	ssyncadd.s32 $0xFFFF9800  }
0x26: {  	[spmem:s5] =	stream.linear.scatter [tilespmem:s17], [sflag:$0x3], $0x6800, $0x38;
	[tilespmem:$0xD010] =	vst v63  }
0x27: {  	_ =	swait.ge [sflag:s18], $0x6800  }
0x28: {  	[sflag:s18] =	ssyncset.done $0x0  }
0x29: {  	[sflag:s18] =	ssyncadd.s32 $0xFFFF9800  }
0x2a: {  	[spmem:s6] =	stream.linear.scatter [tilespmem:s17], [sflag:$0x3], $0x6800, $0x38;
	[tilespmem:$0xD010] =	vst v63  }
0x2b: {  	_ =	swait.ge [sflag:s18], $0x6800  }
0x2c: {  	[sflag:s18] =	ssyncset.done $0x0  }
0x2d: {  	s24 =	simm.s32 @!p0 $0x4100;
	[sflag:s18] =	ssyncadd.s32 $0xFFFF9800  }
0x2e: {  	[spmem:s7] =	stream.linear.scatter @!p0 [tilespmem:s24], [sflag:$0x3], $0x800, $0x38;
	[tilespmem:$0xD010] =	vst v63  }
0x2f: {  	s24 =	simm.s32 @!p0 $0x3  }
0x30: {  	_ =	swait.ge @!p0 [sflag:s24], $0x800  }
0x31: {  	[sflag:s24] =	ssyncset.done @!p0 $0x0  }
0x32: {  	[sflag:s24] =	ssyncadd.s32 @!p0 $0xFFFFF800  }
0x33: {  	[bflag:$0x0] =	sbarrier.arrive $0xFFFF  }
0x34: {  	[tilespmem:s3], [sflag:$0x3] =	stream.linear.gather [hbm4b:s8+s3], $0x80, $0x38;
	[tilespmem:$0xD010] =	vst v63  }
0x35: {  	_ =	swait.ge [sflag:s18], $0x80  }
0x36: {  	[sflag:s18] =	ssyncset.done $0x0  }
0x37: {  	[sflag:s18] =	ssyncadd.s32 $0xFFFFFF80  }
0x38: {  	[spmem:s2] =	stream.indirect.scatter.add.f32 [tilespmem:s20], [sflag:$0x1], $0x10, s3, s19, $0xb8;
	[tilespmem:$0xD010] =	vst v63  }
0x39: {  	_ = 	snop  }
0x3a: {  	[tilespmem:s19], [sflag:$0x3] =	stream.linear.gather [hbm4b:s9+s3], $0x80, $0x38;
	[tilespmem:$0xD010] =	vst v63  }
0x3b: {  	_ =	swait.ge [sflag:s18], $0x80  }
0x3c: {  	[sflag:s18] =	ssyncset.done $0x0  }
0x3d: {  	[sflag:s18] =	ssyncadd.s32 $0xFFFFFF80  }
0x3e: {  	[spmem:s2] =	stream.indirect.scatter.add.f32 [tilespmem:s20], [sflag:$0x2], $0x10, s19, s19, $0xb8;
	[tilespmem:$0xD010] =	vst v63  }
0x3f: {  	_ =	swait.ge [sflag:s21], $0x800  }
0x40: {  	s30 =	sadd.s32 $0xFFFFB800, s16;
	[sflag:s21] =	ssyncset.done $0x0  }
0x41: {  	s31 =	sadd.s32 $0x4C00, s30;
	[sflag:s21] =	ssyncadd.s32 $0xFFFFF800  }
0x42: {  	[tilespmem:s3], [sflag:$0x3] =	stream.linear.gather [hbm4b:s31+s3], $0x80, $0x38;
	[tilespmem:$0xD010] =	vst v63  }
0x43: {  	_ =	swait.ge [sflag:s18], $0x80  }
0x44: {  	[sflag:s18] =	ssyncset.done $0x0  }
0x45: {  	[sflag:s18] =	ssyncadd.s32 $0xFFFFFF80  }
0x46: {  	[spmem:s2] =	stream.indirect.scatter.add.f32 [tilespmem:s20], [sflag:$0x1], $0x10, s3, s19, $0xb8;
	[tilespmem:$0xD010] =	vst v63  }
0x47: {  	_ =	swait.ge [sflag:s22], $0x800  }
0x48: {  	[sflag:s22] =	ssyncset.done $0x0  }
0x49: {  	s24 =	sadd.s32 $0x4E00, s30;
	[sflag:s22] =	ssyncadd.s32 $0xFFFFF800  }
0x4a: {  	[tilespmem:s19], [sflag:$0x3] =	stream.linear.gather [hbm4b:s24+s3], $0x80, $0x38;
	[tilespmem:$0xD010] =	vst v63  }
0x4b: {  	_ =	swait.ge [sflag:s18], $0x80  }
0x4c: {  	s24 =	simm.s32 $0xFFFFBC00;
	[sflag:s18] =	ssyncset.done $0x0  }
.LBB2_6:
0x4d: {  	p2 =	sne.s32 s24, $0xFFFFFC00  }
0x4e: {  	[sflag:s18] =	ssyncadd.s32 $0xFFFFFF80;
	s25 =	smov.u32 s24;
	s24 =	sadd.s32 $0x400, s24  }
0x4f: {  	[spmem:s2] =	stream.indirect.scatter.add.f32 [tilespmem:s20], [sflag:$0x2], $0x10, s19, s19, $0xb8;
	[tilespmem:$0xD010] =	vst v63  }
0x50: {  	_ =	swait.ge [sflag:s21], $0x800  }
0x51: {  	s25 =	sadd.s32 s25, s16;
	[sflag:s21] =	ssyncset.done $0x0  }
0x52: {  	s26 =	sadd.s32 $0x4C00, s25;
	[sflag:s21] =	ssyncadd.s32 $0xFFFFF800  }
0x53: {  	[tilespmem:s3], [sflag:$0x3] =	stream.linear.gather [hbm4b:s26+s3], $0x80, $0x38;
	[tilespmem:$0xD010] =	vst v63  }
0x54: {  	_ =	swait.ge [sflag:s18], $0x80  }
0x55: {  	[sflag:s18] =	ssyncset.done $0x0  }
0x56: {  	[sflag:s18] =	ssyncadd.s32 $0xFFFFFF80  }
0x57: {  	[spmem:s2] =	stream.indirect.scatter.add.f32 [tilespmem:s20], [sflag:$0x1], $0x10, s3, s19, $0xb8;
	[tilespmem:$0xD010] =	vst v63  }
0x58: {  	_ =	swait.ge [sflag:s22], $0x800  }
.Ltmp2:
0x59: {  	[sflag:s22] =	ssyncset.done $0x0;
	(pc) =	sbr.rel @p2 .LBB2_6-.Ltmp2, $4  }
0x5a: {  	s25 =	sadd.s32 $0x4E00, s25;
	[sflag:s22] =	ssyncadd.s32 $0xFFFFF800  }
0x5b: {  	[tilespmem:s19], [sflag:$0x3] =	stream.linear.gather [hbm4b:s25+s3], $0x80, $0x38;
	[tilespmem:$0xD010] =	vst v63  }
0x5c: {  	_ =	swait.ge [sflag:s18], $0x80  }
0x5d: {  	[sflag:s18] =	ssyncset.done $0x0  }
0x5e: {  	[sflag:s18] =	ssyncadd.s32 $0xFFFFFF80  }
0x5f: {  	[spmem:s2] =	stream.indirect.scatter.add.f32 [tilespmem:s20], [sflag:$0x2], $0x10, s19, s19, $0xb8;
	[tilespmem:$0xD010] =	vst v63  }
0x60: {  	_ =	swait.ge [sflag:s21], $0x800  }
0x61: {  	[sflag:s21] =	ssyncset.done $0x0  }
0x62: {  	[sflag:s21] =	ssyncadd.s32 $0xFFFFF800  }
0x63: {  	[spmem:s2] =	stream.indirect.scatter.add.f32 [tilespmem:s20], [sflag:$0x1], $0x10, s3, s19, $0xb8;
	[tilespmem:$0xD010] =	vst v63  }
0x64: {  	_ =	swait.ge [sflag:s22], $0x800  }
0x65: {  	[sflag:s22] =	ssyncset.done $0x0  }
0x66: {  	[sflag:s22] =	ssyncadd.s32 $0xFFFFF800  }
0x67: {  	_ =	swait.ge [sflag:s21], $0x800  }
0x68: {  	[sflag:s21] =	ssyncset.done $0x0  }
0x69: {  	s24 =	simm.s32 @!p1 $0x0;
	s25 =	simm.s32 @!p1 $0x3;
	[sflag:s21] =	ssyncadd.s32 $0xFFFFF800  }
0x6a: {  	[tilespmem:s24], [sflag:$0x3] =	stream.linear.gather @!p1 [hbm4b:s10+s24], $0x80, $0x38;
	[tilespmem:$0xD010] =	vst v63  }
0x6b: {  	_ =	swait.ge @!p1 [sflag:s25], $0x80  }
0x6c: {  	[sflag:s25] =	ssyncset.done @!p1 $0x0  }
0x6d: {  	s26 =	simm.s32 @!p1 $0x80;
	s28 =	simm.s32 @!p1 $0x100;
	[sflag:s25] =	ssyncadd.s32 @!p1 $0xFFFFFF80  }
0x6e: {  	[spmem:s2] =	stream.indirect.scatter.add.f32 @!p1 [tilespmem:s28], [sflag:$0x3], $0x10, s24, s26, $0xb8;
	[tilespmem:$0xD010] =	vst v63  }
0x6f: {  	_ =	swait.ge @!p1 [sflag:s25], $0x800  }
0x70: {  	[sflag:s25] =	ssyncset.done @!p1 $0x0  }
0x71: {  	[sflag:s25] =	ssyncadd.s32 @!p1 $0xFFFFF800  }
0x72: {  	[bflag:$0x0] =	sbarrier.arrive $0xFFFF  }
0x73: {  	[tilespmem:s17], [sflag:$0x3] =	stream.linear.gather [spmem:s4], $0x6800, $0x38;
	[tilespmem:$0xD010] =	vst v63  }
0x74: {  	_ =	swait.ge [sflag:s18], $0x6800  }
0x75: {  	[sflag:s18] =	ssyncset.done $0x0  }
0x76: {  	[sflag:s18] =	ssyncadd.s32 $0xFFFF9800  }
0x77: {  	[hbm4b:s11+s3] =	stream.linear.scatter [tilespmem:s17], [sflag:$0x3], $0x6800, $0x38;
	[tilespmem:$0xD010] =	vst v63  }
0x78: {  	_ =	swait.ge [sflag:s18], $0x6800  }
0x79: {  	[sflag:s18] =	ssyncset.done $0x0  }
0x7a: {  	[sflag:s18] =	ssyncadd.s32 $0xFFFF9800  }
0x7b: {  	[tilespmem:s17], [sflag:$0x3] =	stream.linear.gather [spmem:s5], $0x6800, $0x38;
	[tilespmem:$0xD010] =	vst v63  }
0x7c: {  	_ =	swait.ge [sflag:s18], $0x6800  }
0x7d: {  	[sflag:s18] =	ssyncset.done $0x0  }
0x7e: {  	[sflag:s18] =	ssyncadd.s32 $0xFFFF9800  }
0x7f: {  	[hbm4b:s12+s3] =	stream.linear.scatter [tilespmem:s17], [sflag:$0x3], $0x6800, $0x38;
	[tilespmem:$0xD010] =	vst v63  }
0x80: {  	_ =	swait.ge [sflag:s18], $0x6800  }
0x81: {  	[sflag:s18] =	ssyncset.done $0x0  }
0x82: {  	[sflag:s18] =	ssyncadd.s32 $0xFFFF9800  }
0x83: {  	[tilespmem:s17], [sflag:$0x3] =	stream.linear.gather [spmem:s6], $0x6800, $0x38;
	[tilespmem:$0xD010] =	vst v63  }
0x84: {  	_ =	swait.ge [sflag:s18], $0x6800  }
0x85: {  	[sflag:s18] =	ssyncset.done $0x0  }
0x86: {  	[sflag:s18] =	ssyncadd.s32 $0xFFFF9800  }
0x87: {  	[hbm4b:s13+s3] =	stream.linear.scatter [tilespmem:s17], [sflag:$0x3], $0x6800, $0x38;
	[tilespmem:$0xD010] =	vst v63  }
0x88: {  	_ =	swait.ge [sflag:s18], $0x6800  }
0x89: {  	[sflag:s18] =	ssyncset.done $0x0  }
0x8a: {  	s24 =	simm.s32 @!p0 $0x4100;
	s25 =	simm.s32 @!p0 $0x3;
	[sflag:s18] =	ssyncadd.s32 $0xFFFF9800  }
0x8b: {  	[tilespmem:s24], [sflag:$0x3] =	stream.linear.gather @!p0 [spmem:s7], $0x800, $0x38;
	[tilespmem:$0xD010] =	vst v63  }
0x8c: {  	s23 =	sadd.s32 $0x1, s23;
	_ =	swait.ge @!p0 [sflag:s25], $0x800  }
0x8d: {  	p2 =	sne.s32 s23, s15;
	[sflag:s25] =	ssyncset.done @!p0 $0x0  }
.Ltmp3:
0x8e: {  	s26 =	simm.s32 @!p0 $0x0;
	[sflag:s25] =	ssyncadd.s32 @!p0 $0xFFFFF800;
	(pc) =	sbr.rel @p2 .LBB2_1-.Ltmp3, $4  }
0x8f: {  	[hbm4b:s14+s26] =	stream.linear.scatter @!p0 [tilespmem:s24], [sflag:$0x3], $0x800, $0x38;
	[tilespmem:$0xD010] =	vst v63  }
0x90: {  	_ =	swait.ge @!p0 [sflag:s25], $0x800  }
0x91: {  	[sflag:s25] =	ssyncset.done @!p0 $0x0  }
0x92: {  	[sflag:s25] =	ssyncadd.s32 @!p0 $0xFFFFF800  }
0x93: {  	_ =	sfence.sel $0x180000  }
0x94: {  	[bflag:$0x0] =	sbarrier.arrive $0xFFFF  }
0x95: {  	p0 =	sne.s32 s1, $0x0;
	_ =	strace $0x90000047  }
0x96: {  	s0 =	sadd.s32 @!p0 $0x100000, s0;
	[bflag:$0x2] =	sbarrier.arrive $0xFFFF  }
0x97: {  	[sflag:s0] =	ssyncadd.tile.s32 @!p0 $0x1;
	_ =	shalt  }
.Lfunc_end2:
_tile_overlayer_lowered:
.L_overlay_start_2:
0x98: {  	(tag) =	ssettag $0x2  }
0x99: {  	s0 =	rddreg [dreg:$0x0];
	s2 =	stileid.u32  }
0x9a: {  	s1 =	rddreg [dreg:$0x1];
	p0 =	sne.s32 s2, $0x0  }
0x9b: {  	s3 =	rddreg [dreg:$0x2];
	[bflag:$0x3] =	sbarrier.arrive $0xFFFF;
	s2 =	simm.s32 @!p0 $0x1C03  }
0x9c: {  	[timem:s3], [sflag:s2] =	dma.local @!p0 [hbm:s0], s1  }
0x9d: {  	s0 =	simm.s32 @!p0 $0x3  }
0x9e: {  	_ =	swait.ge @!p0 [sflag:s0], s1  }
0x9f: {  	s1 =	ssub.s32 @!p0 $0x0, s1;
	[sflag:s0] =	ssyncset.done @!p0 $0x0  }
0xa0: {  	[sflag:s0] =	ssyncadd.s32 @!p0 s1  }
0xa1: {  	[bflag:$0x3] =	sbarrier.arrive $0xFFFF  }
0xa2: {  	_ =	shalt  }

// kernel: kernel.9.cloned.1.call-start
scs
__scs_entry_jumppad:
0x0: {  	(pc) =	sbr.rel $0x88, $3  }
0x1: {  	(tag) =	ssettag $0x0;
	lr =	simm.s32 $0x1  }
0x2: {  	[smem:$0x3F9D] =	sst lr;
	_ =	strace $0xD0000000  }
0x3: {  	_ = 	snop  }
0x4: {  	_ = 	snop  }
0x5: {  	_ = 	snop  }
0x6: {  	_ = 	snop  }
0x7: {  	_ = 	snop  }
__scs_overlays_trampoline_lowered:
0x8: {  	[smem:$0x3FAC] =	sst s0  }
0x9: {  	[smem:$0x3FAD] =	sst s1  }
0xa: {  	[smem:$0x3FAE] =	sst s2  }
0xb: {  	[smem:$0x3FAF] =	sst s3  }
0xc: {  	[smem:$0x3FB0] =	sst s4  }
0xd: {  	[smem:$0x3FB1] =	sst s5  }
0xe: {  	[smem:$0x3FB2] =	sst s6  }
0xf: {  	[smem:$0x3FB3] =	sst s7  }
0x10: {  	[smem:$0x3FB4] =	sst s8  }
0x11: {  	[smem:$0x3FB5] =	sst s9;
	s0 =	simm.s32 @!p0 $0x0  }
0x12: {  	s1 =	sld [smem:$0x3F9B];
	s0 =	simm.s32 @p0 $0x1  }
0x13: {  	[smem:$0x3FB6] =	sst s0;
	s0 =	simm.s32 @!p1 $0x0  }
0x14: {  	s2 =	sld [smem:$0x3F9A];
	s0 =	simm.s32 @p1 $0x1  }
0x15: {  	[smem:$0x3FB7] =	sst s0;
	s0 =	simm.s32 @!p2 $0x0  }
0x16: {  	s3 =	sld [smem:$0x3FDB];
	s0 =	simm.s32 @p2 $0x1  }
0x17: {  	s4 =	simm.s32 $0x1BF5;
	[smem:$0x3FB9] =	sst s0  }
0x18: {  	s0 =	sld [smem:$0x3F9C];
	_ =	swait.ge [sflag:s4], $0x0  }
0x19: {  	s7 =	sld [smem:$0x3F9D]  }
0x1a: {  	s8 =	sadd.s32 $0xFFFFE003, lr  }
0x1b: {  	s9 =	sadd.s32 $0xFFFFFEF7, lr;
	s5 =	simm.s32 $0xFFFFFFFF;
	p2 =	slt.u32 s8, $0xFFFFF086  }
0x1c: {  	p1 =	slt.u32 s9, $0xF7A;
	s5 =	simm.s32 @!p2 $0x0  }
0x1d: {  	s5 =	simm.s32 @p1 $0x1;
	p0 =	seq.s32 s7, s2  }
0x1e: {  	s7 =	smul.u32 @!p0 $0xF7A, s2;
	p2 =	seq.s32 @!p0 s5, $0x0  }
0x1f: {  	s9 =	smul.u32 $0xF7A, s1;
	s8 =	simm.s32 @!p0 $0x1BF5;
	p2 =	por !p2, p0  }
0x20: {  	[sflag:s8] =	ssyncset.s32 @!p0 $0xFFFFF086;
	s6 =	sadd.s32 @!p0 s3, s7;
	s7 =	simm.s32 @!p0 $0x108  }
0x21: {  	s3 =	sadd.s32 s3, s9;
	s6 =	sadd.s32 @!p0 $0x88, s6;
	s7 =	simm.s32 @p2 $0x1082  }
0x22: {  	[simem:s7], [sflag:s8] =	dma.local @!p0 [hbm:s6], $0xF7A  }
0x23: {  	s9 =	sor.u32 $0xD0000000, s2;
	s6 =	simm.s32 $0x108;
	_ =	swait.ge @!p0 [sflag:s8], $0x0  }
0x24: {  	s3 =	sadd.s32 $0x88, s3;
	s6 =	simm.s32 @!p1 $0x1082;
	[sflag:s4] =	ssyncset.s32 $0xFFFFF086  }
0x25: {  	[simem:s6], [sflag:s4] =	dma.local [hbm:s3], $0xF7A  }
0x26: {  	[smem:$0x3F9D] =	sst s1;
	(tag) =	ssettag s2;
	_ =	strace s9  }
0x27: {  	s1 =	sld [smem:$0x3FAD]  }
0x28: {  	s2 =	sld [smem:$0x3FAE]  }
0x29: {  	s4 =	sld [smem:$0x3FB0]  }
0x2a: {  	p0 =	seq.s32 s5, $0x0;
	s5 =	sld [smem:$0x3FB1]  }
0x2b: {  	s6 =	sld [smem:$0x3FB2]  }
0x2c: {  	s7 =	sld [smem:$0x3FB3]  }
0x2d: {  	s3 =	simm.s32 $0x108;
	s8 =	sld [smem:$0x3FB4]  }
0x2e: {  	s3 =	simm.s32 @!p0 $0x1082;
	s9 =	sld [smem:$0x3FB5]  }
0x2f: {  	lr =	sadd.s32 s0, s3;
	s0 =	sld [smem:$0x3FAC]  }
0x30: {  	s3 =	sld [smem:$0x3FAF]  }
0x31: {  	[smem:$0x3FB8] =	sst s10  }
0x32: {  	s10 =	sld [smem:$0x3FB6];
	_ =	sdelay $0x3  }
0x33: {  	p0 =	seq.s32 s10, $0x1;
	s10 =	sld [smem:$0x3FB8];
	_ =	sdelay $0x3  }
0x34: {  	[smem:$0x3FB8] =	sst s10  }
0x35: {  	s10 =	sld [smem:$0x3FB7];
	_ =	sdelay $0x3  }
0x36: {  	p1 =	seq.s32 s10, $0x1;
	s10 =	sld [smem:$0x3FB8];
	_ =	sdelay $0x3  }
0x37: {  	[smem:$0x3FB8] =	sst s10  }
0x38: {  	s10 =	sld [smem:$0x3FB9]  }
0x39: {  	_ = 	snop;
	(pc) =	sbr.ind lr, $3  }
0x3a: {  	_ = 	snop  }
0x3b: {  	_ = 	snop  }
0x3c: {  	p2 =	seq.s32 s10, $0x1;
	s10 =	sld [smem:$0x3FB8]  }
0x3d: {  	_ =	shalt  }
0x3e: {  	_ =	shalt  }
0x3f: {  	_ =	shalt  }
0x40: {  	_ =	shalt  }
0x41: {  	_ =	shalt  }
0x42: {  	_ =	shalt  }
0x43: {  	_ =	shalt  }
0x44: {  	_ =	shalt  }
0x45: {  	_ =	shalt  }
0x46: {  	_ =	shalt  }
0x47: {  	_ =	shalt  }
0x48: {  	_ =	shalt  }
0x49: {  	_ =	shalt  }
0x4a: {  	_ =	shalt  }
0x4b: {  	_ =	shalt  }
0x4c: {  	_ =	shalt  }
0x4d: {  	_ =	shalt  }
0x4e: {  	_ =	shalt  }
0x4f: {  	_ =	shalt  }
0x50: {  	_ =	shalt  }
0x51: {  	_ =	shalt  }
0x52: {  	_ =	shalt  }
0x53: {  	_ =	shalt  }
0x54: {  	_ =	shalt  }
0x55: {  	_ =	shalt  }
0x56: {  	_ =	shalt  }
0x57: {  	_ =	shalt  }
0x58: {  	_ =	shalt  }
0x59: {  	_ =	shalt  }
0x5a: {  	_ =	shalt  }
0x5b: {  	_ =	shalt  }
0x5c: {  	_ =	shalt  }
0x5d: {  	_ =	shalt  }
0x5e: {  	_ =	shalt  }
0x5f: {  	_ =	shalt  }
0x60: {  	_ =	shalt  }
0x61: {  	_ =	shalt  }
0x62: {  	_ =	shalt  }
0x63: {  	_ =	shalt  }
0x64: {  	_ =	shalt  }
0x65: {  	_ =	shalt  }
0x66: {  	_ =	shalt  }
0x67: {  	_ =	shalt  }
0x68: {  	_ =	shalt  }
0x69: {  	_ =	shalt  }
0x6a: {  	_ =	shalt  }
0x6b: {  	_ =	shalt  }
0x6c: {  	_ =	shalt  }
0x6d: {  	_ =	shalt  }
0x6e: {  	_ =	shalt  }
0x6f: {  	_ =	shalt  }
0x70: {  	_ =	shalt  }
0x71: {  	_ =	shalt  }
0x72: {  	_ =	shalt  }
0x73: {  	_ =	shalt  }
0x74: {  	_ =	shalt  }
0x75: {  	_ =	shalt  }
0x76: {  	_ =	shalt  }
0x77: {  	_ =	shalt  }
0x78: {  	_ =	shalt  }
0x79: {  	_ =	shalt  }
0x7a: {  	_ =	shalt  }
0x7b: {  	_ =	shalt  }
0x7c: {  	_ =	shalt  }
0x7d: {  	_ =	shalt  }
0x7e: {  	_ =	shalt  }
0x7f: {  	_ =	shalt  }
0x80: {  	_ =	shalt  }
0x81: {  	_ =	shalt  }
0x82: {  	_ =	shalt  }
0x83: {  	_ =	shalt  }
0x84: {  	_ =	shalt  }
0x85: {  	_ =	shalt  }
0x86: {  	_ =	shalt  }
0x87: {  	_ =	shalt  }
.Lfunc_end0:
.L_simem_size_0:
called_computation.1_lowered:
.L_overlay_start_0:
0x88: {  	s2 =	sld [smem:$0x3FD9]  }
0x89: {  	s3 =	sld [smem:$0x3FFE];
	_ =	sdelay $0x1  }
0x8a: {  	s1 =	srdreg.scid  }
0x8b: {  	s0 =	sand.u32 $0x1, s1  }
0x8c: {  	s17 =	sshll.u32 s0, $0xA;
	s2 =	sadd.s32 s3, s2  }
0x8d: {  	s2 =	sadd.s32 s2, s17  }
0x8e: {  	[smem:$0x3FC4] =	sst s2  }
0x8f: {  	_ = 	snop  }
0x90: {  	s2 =	sld [smem:$0x3FD0];
	(tm) =	ssettm $0x1  }
0x91: {  	s18 =	sld [smem:$0x3FFB];
	_ =	sdelay $0x3  }
0x92: {  	_ =	strace s18  }
0x93: {  	s3 =	sld [smem:$0x3FFC];
	_ =	sdelay $0x3  }
0x94: {  	_ =	strace s3  }
0x95: {  	s3 =	sld [smem:$0x3FFD];
	_ =	sdelay $0x3  }
0x96: {  	_ =	strace s3  }
0x97: {  	_ =	strace $0x8FFFFFFF  }
0x98: {  	s19 =	sld [smem:$0x3FDB];
	_ =	sdelay $0x1  }
0x99: {  	s4 =	simm.s32 $_scs_section_size  }
0x9a: {  	s5 =	simm.s32 $_size__tile_overlayer_lowered;
	s6 =	simm.s32 $_tile_overlayer_lowered  }
0x9b: {  	s22 =	simm.s32 $0x1BFF;
	s21 =	sshll.u32 s6, $0x1;
	s3 =	sadd.s32 s4, s19  }
0x9c: {  	s7 =	simm.s32 $0x0;
	s20 =	sshll.u32 s5, $0x1;
	s5 =	sadd.s32 s21, s3  }
0x9d: {  	[timem:s7], [sflag:s22] =	dma.local [hbm:s5], s20  }
0x9e: {  	_ =	swait.ge [sflag:s22], s20  }
0x9f: {  	s4 =	ssub.s32 $0x0, s20;
	[sflag:s22] =	ssyncset.done $0x0  }
0xa0: {  	[sflag:s22] =	ssyncadd.s32 s4;
	_ =	sdelay $0x1  }
0xa1: {  	s23 =	simm.s32 $0x1B8B  }
0xa2: {  	_ =	swait.ge [sflag:s23], $0x1  }
0xa3: {  	[sflag:s23] =	ssyncset.done $0x0  }
0xa4: {  	s25 =	simm.s32 $0x1B8E;
	s24 =	sld [smem:$0x3FFE];
	[sflag:s23] =	ssyncadd.s32 $0xFFFFFFFF  }
0xa5: {  	s26 =	simm.s32 $execute0_lowered;
	[smem:$0x3FD2] =	sst s25  }
0xa6: {  	s5 =	sshll.u32 s26, $0x1;
	_ =	strace $0x80000049;
	[dreg:$0x1] =	wrdreg $0xFFFFFFFF  }
0xa7: {  	s28 =	simm.s32 $_size_execute0_lowered;
	s3 =	sadd.s32 s3, s5;
	[dreg:$0x0] =	wrdreg $0x0  }
0xa8: {  	s5 =	sshll.u32 s28, $0x1;
	[dreg:$0x2] =	wrdreg s3  }
0xa9: {  	[dreg:$0x3] =	wrdreg s5  }
0xaa: {  	[dreg:$0x4] =	wrdreg $0xC0  }
0xab: {  	_ =	task [dreg:s7], $0x5FFFF  }
0xac: {  	[dreg:$0x1] =	wrdreg $0xFFFFFFFF  }
0xad: {  	[dreg:$0x0] =	wrdreg $0x60  }
0xae: {  	[dreg:$0x2] =	wrdreg s2  }
0xaf: {  	[dreg:$0x3] =	wrdreg s24  }
0xb0: {  	[dreg:$0x4] =	wrdreg $0xBA000  }
0xb1: {  	[dreg:$0x5] =	wrdreg $0x9  }
0xb2: {  	_ =	task.clear_ibuf [dreg:s7], $0x6FFFF;
	_ =	strace $0x90000049  }
0xb3: {  	s29 =	simm.s32 $0x9;
	_ =	strace $0x8000004B  }
0xb4: {  	_ =	swait.ge [sflag:s29], $0x1  }
0xb5: {  	[sflag:s29] =	ssyncadd.s32 $0xFFFFFFFF  }
0xb6: {  	_ =	strace $0x9000004B  }
0xb7: {  	_ =	sfence  }
0xb8: {  	s30 =	sld [smem:$0x0];
	_ =	sdelay $0x2  }
0xb9: {  	s31 =	sshll.u32 s1, $0xD;
	s1 =	sshrl.u32 s1, $0x2  }
0xba: {  	s3 =	sand.u32 $0x4000, s31;
	s1 =	sadd.s32 s1, s30  }
0xbb: {  	s0 =	sor.u32 s3, s0;
	s1 =	sshll.u32 s1, $0x11  }
0xbc: {  	s0 =	sor.u32 s1, s0  }
0xbd: {  	s0 =	sadd.s32 $0x8F2B, s0  }
0xbe: {  	[sflag:s0] =	ssyncadd.remote.s32 $0x1  }
0xbf: {  	_ =	sfence.sel $0xFFFF  }
0xc0: {  	[dreg:$0x0] =	wrdreg $0xFFFFFFFF;
	(pc) =	sbr.abs _section_cstart, $3  }
0xc1: {  	[dreg:$0x1] =	wrdreg $0xFFFFFFFF  }
0xc2: {  	_ =	task.clear_ibuf [dreg:s7], $0x2FFFF;
	_ =	strace $0x9FFFFFFF  }
0xc3: {  	(tm) =	ssettm $0x7FFFFFFF  }
tec
execute0_lowered:
.L_overlay_start_1:
0x0: {  	(tag) =	ssettag $0x1  }
0x1: {  	s1 =	rddreg [dreg:$0x0]  }
0x2: {  	s0 =	rddreg [dreg:$0x1]  }
0x3: {  	s2 =	rddreg [dreg:$0x2];
	s4 =	simm.s32 $0x0  }
0x4: {  	s3 =	srdreg.scid;
	s24 =	stileid.u32;
	s28 =	simm.s32 $0x200  }
0x5: {  	s29 =	simm.s32 $0x100;
	s30 =	simm.s32 $0x1;
	s5 =	smul.u32 $0x270, s24  }
0x6: {  	s31 =	simm.s32 $0x80;
	[smem:$0x7FF] =	sst s4;
	s11 =	smul.u32 $0x4E000, s24  }
0x7: {  	s3 =	sand.u32 $0x1, s3;
	s9 =	sadd.s32 $0xA00, s0;
	s22 =	smul.u32 $0x50, s24  }
0x8: {  	s13 =	sadd.s32 $0x5A00, s0;
	s0 =	sadd.s32 $0xAA00, s0;
	s26 =	smul.u32 $0x13800, s24  }
0x9: {  	p0 =	sne.s32 s24, $0xF;
	s7 =	smul.u32 $0x2710, s3;
	s6 =	ssub.s32 $0x2, s3  }
0xa: {  	_ =	strace $0x8000004A;
	s3 =	smul.u32 $0x138800, s3;
	s8 =	sshrl.u32 s6, $0x1  }
0xb: {  	s12 =	sadd.s32 $0xD0, s5;
	s17 =	sshrl.u32 s11, $0x2;
	s10 =	sadd.s32 s5, s7  }
0xc: {  	s14 =	ssub.s32 s6, s8;
	s16 =	sadd.s32 s7, s12;
	s5 =	sadd.s32 $0x1A0, s5  }
0xd: {  	s6 =	sadd.s32 s17, s2;
	s23 =	sshrl.u32 s3, $0x3;
	s10 =	sshll.u32 s10, $0x4  }
0xe: {  	s18 =	sshll.u32 s16, $0x4;
	s20 =	sadd.s32 s7, s5;
	s5 =	sshll.u32 s5, $0x7  }
0xf: {  	s16 =	smul.u32 $0xA, s24;
	s17 =	sadd.s32 $0x27000, s23;
	s24 =	simm.s32 $0x5200  }
0x10: {  	v0 =	vmov s7;
	s7 =	simm.s32 $0x3;
	s15 =	sadd.s32 s1, s10;
	s19 =	sadd.s32 s1, s18  }
0x11: {  	s21 =	sshll.u32 s20, $0x4;
	s18 =	sshrl.u32 s22, $0x3;
	[dreg:$0x4] =	wrdreg s15  }
0x12: {  	s22 =	sadd.s32 s26, s3;
	[dreg:$0x5] =	wrdreg s19;
	s15 =	sshll.u32 s12, $0x7  }
0x13: {  	s10 =	sadd.s32 s1, s21;
	s11 =	sadd.s32 s9, s16;
	s12 =	sadd.s32 s13, s16  }
0x14: {  	s25 =	sadd.s32 $0xA0, s18;
	s18 =	sadd.s32 $0x4D80, s18;
	s21 =	sadd.s32 s1, s17  }
0x15: {  	s8 =	sadd.s32 s15, s2;
	[dreg:$0x6] =	wrdreg s10;
	s10 =	sadd.s32 s5, s2  }
0x16: {  	s19 =	sadd.s32 s9, s25;
	s16 =	sadd.s32 s13, s25;
	s9 =	sadd.s32 s9, s18  }
0x17: {  	s20 =	sadd.s32 s13, s18;
	[dreg:$0xb] =	wrdreg s21;
	s23 =	sadd.s32 s3, s15  }
0x18: {  	s3 =	sadd.s32 s3, s5;
	s18 =	sadd.s32 $0x138000, s2;
	[dreg:$0x7] =	wrdreg s19  }
0x19: {  	s25 =	sshrl.u32 s22, $0x3;
	s22 =	sadd.s32 s0, s17;
	[dreg:$0x8] =	wrdreg s16  }
0x1a: {  	s5 =	simm.s32 $0x2;
	s13 =	simm.s32 $0x0;
	[dreg:$0x9] =	wrdreg s9  }
0x1b: {  	[dreg:$0xa] =	wrdreg s20;
	s19 =	sadd.s32 s0, s25;
	s26 =	sshrl.u32 s23, $0x3  }
0x1c: {  	s3 =	sshrl.u32 s3, $0x3;
	s23 =	smax.u32 s14, $0x1;
	s25 =	simm.s32 $0x5  }
0x1d: {  	s9 =	simm.s32 $0x4;
	s20 =	sadd.s32 s0, s26;
	s21 =	sadd.s32 s0, s3  }
0x1e: {  	s26 =	simm.s32 $0x50;
	s0 =	simm.s32 $0x2A00;
	s3 =	simm.s32 $0x180  }
.LBB2_1:
0x1f: {  	s14 =	rddreg [dreg:$0x4]  }
0x20: {  	[tilespmem:s24], [sflag:$0x5] =	stream.linear.gather [hbm4b:s14+s4], $0x6800, $0x38;
	[tilespmem:$0x1F280] =	vst v63  }
0x21: {  	_ =	swait.ge [sflag:s25], $0x6800  }
0x22: {  	[sflag:s25] =	ssyncset.done $0x0  }
0x23: {  	[sflag:s25] =	ssyncadd.s32 $0xFFFF9800  }
0x24: {  	[spmem:s6] =	stream.linear.scatter [tilespmem:s24], [sflag:$0x5], $0x6800, $0x38;
	[tilespmem:$0x1F280] =	vst v63  }
0x25: {  	_ =	swait.ge [sflag:s25], $0x6800  }
0x26: {  	[sflag:s25] =	ssyncset.done $0x0  }
0x27: {  	s15 =	rddreg [dreg:$0x5];
	[sflag:s25] =	ssyncadd.s32 $0xFFFF9800  }
0x28: {  	[tilespmem:s24], [sflag:$0x5] =	stream.linear.gather [hbm4b:s15+s4], $0x6800, $0x38;
	[tilespmem:$0x1F280] =	vst v63  }
0x29: {  	_ =	swait.ge [sflag:s25], $0x6800  }
0x2a: {  	[sflag:s25] =	ssyncset.done $0x0  }
0x2b: {  	[sflag:s25] =	ssyncadd.s32 $0xFFFF9800  }
0x2c: {  	[spmem:s8] =	stream.linear.scatter [tilespmem:s24], [sflag:$0x5], $0x6800, $0x38;
	[tilespmem:$0x1F280] =	vst v63  }
0x2d: {  	_ =	swait.ge [sflag:s25], $0x6800  }
0x2e: {  	[sflag:s25] =	ssyncset.done $0x0  }
0x2f: {  	s16 =	rddreg [dreg:$0x6];
	[sflag:s25] =	ssyncadd.s32 $0xFFFF9800  }
0x30: {  	[tilespmem:s24], [sflag:$0x5] =	stream.linear.gather [hbm4b:s16+s4], $0x6800, $0x38;
	[tilespmem:$0x1F280] =	vst v63  }
0x31: {  	_ =	swait.ge [sflag:s25], $0x6800  }
0x32: {  	[sflag:s25] =	ssyncset.done $0x0  }
0x33: {  	[sflag:s25] =	ssyncadd.s32 $0xFFFF9800  }
0x34: {  	[spmem:s10] =	stream.linear.scatter [tilespmem:s24], [sflag:$0x5], $0x6800, $0x38;
	[tilespmem:$0x1F280] =	vst v63  }
0x35: {  	_ =	swait.ge [sflag:s25], $0x6800  }
0x36: {  	s14 =	simm.s32 @!p0 $0x0;
	[sflag:s25] =	ssyncset.done $0x0  }
0x37: {  	s15 =	simm.s32 @!p0 $0x5200;
	s16 =	rddreg [dreg:$0xb];
	[sflag:s25] =	ssyncadd.s32 $0xFFFF9800  }
0x38: {  	[tilespmem:s15], [sflag:$0x5] =	stream.linear.gather @!p0 [hbm4b:s16+s14], $0x800, $0x38;
	[tilespmem:$0x1F280] =	vst v63  }
0x39: {  	s14 =	simm.s32 @!p0 $0x5  }
0x3a: {  	_ =	swait.ge @!p0 [sflag:s14], $0x800  }
0x3b: {  	[sflag:s14] =	ssyncset.done @!p0 $0x0  }
0x3c: {  	[sflag:s14] =	ssyncadd.s32 @!p0 $0xFFFFF800  }
0x3d: {  	[spmem:s18] =	stream.linear.scatter @!p0 [tilespmem:s15], [sflag:$0x5], $0x800, $0x38;
	[tilespmem:$0x1F280] =	vst v63  }
0x3e: {  	_ =	swait.ge @!p0 [sflag:s14], $0x800  }
0x3f: {  	[sflag:s14] =	ssyncset.done @!p0 $0x0  }
0x40: {  	[sflag:s14] =	ssyncadd.s32 @!p0 $0xFFFFF800  }
0x41: {  	[bflag:$0x0] =	sbarrier.arrive $0xFFFF  }
0x42: {  	[tilespmem:s4], [sflag:$0x5] =	stream.linear.gather [hbm4b:s11+s4], $0x50, $0x38;
	[tilespmem:$0x1F280] =	vst v63  }
0x43: {  	_ =	swait.ge [sflag:s25], $0x50  }
0x44: {  	[sflag:s25] =	ssyncset.done $0x0  }
0x45: {  	[sflag:s25] =	ssyncadd.s32 $0xFFFFFFB0  }
0x46: {  	v1 =	vld [tilespmem:$0x0]  }
0x47: {  	v2 =	vld [tilespmem:$0x10]  }
0x48: {  	v3 =	vld [tilespmem:$0x20]  }
0x49: {  	v4 =	vld [tilespmem:$0x30]  }
0x4a: {  	v5 =	vld [tilespmem:$0x40]  }
0x4b: {  	v1 =	vadd.s32 v0, v1  }
0x4c: {  	[tilespmem:$0x0] =	vst v1;
	v1 =	vadd.s32 v0, v2  }
0x4d: {  	[tilespmem:$0x10] =	vst v1;
	v1 =	vadd.s32 v0, v3  }
0x4e: {  	[tilespmem:$0x20] =	vst v1;
	v1 =	vadd.s32 v0, v4  }
0x4f: {  	[tilespmem:$0x30] =	vst v1;
	v1 =	vadd.s32 v0, v5  }
0x50: {  	[tilespmem:$0x40] =	vst v1  }
0x51: {  	[tilespmem:s28], [sflag:$0x1] =	stream.indirect.gather [hbm4b:s1+s26], $0x80, s4, s26, $0xb8;
	[tilespmem:$0x1F280] =	vst v63  }
0x52: {  	_ = 	snop  }
0x53: {  	[tilespmem:s29], [sflag:$0x5] =	stream.linear.gather [hbm4b:s12+s4], $0x50, $0x38;
	[tilespmem:$0x1F280] =	vst v63  }
0x54: {  	_ =	swait.ge [sflag:s25], $0x50  }
0x55: {  	[sflag:s25] =	ssyncset.done $0x0  }
0x56: {  	[sflag:s25] =	ssyncadd.s32 $0xFFFFFFB0  }
0x57: {  	_ =	swait.ge [sflag:s30], $0x2800  }
0x58: {  	[sflag:s30] =	ssyncset.done $0x0  }
0x59: {  	[sflag:s30] =	ssyncadd.s32 $0xFFFFD800  }
0x5a: {  	[spmem:s2] =	stream.indirect.scatter.add.f32 [tilespmem:s28], [sflag:$0x3], $0x80, s29, s26, $0xb8;
	[tilespmem:$0x1F280] =	vst v63  }
0x5b: {  	s17 =	rddreg [dreg:$0x7]  }
0x5c: {  	[tilespmem:s31], [sflag:$0x5] =	stream.linear.gather [hbm4b:s17+s4], $0x50, $0x38;
	[tilespmem:$0x1F280] =	vst v63  }
0x5d: {  	_ =	swait.ge [sflag:s25], $0x50  }
0x5e: {  	[sflag:s25] =	ssyncset.done $0x0  }
0x5f: {  	[sflag:s25] =	ssyncadd.s32 $0xFFFFFFB0  }
0x60: {  	v1 =	vld [tilespmem:$0x80]  }
0x61: {  	v2 =	vld [tilespmem:$0x90]  }
0x62: {  	v3 =	vld [tilespmem:$0xA0]  }
0x63: {  	v60 =	vld [tilespmem:$0xB0]  }
0x64: {  	v61 =	vld [tilespmem:$0xC0]  }
0x65: {  	v1 =	vadd.s32 v0, v1  }
0x66: {  	[tilespmem:$0x80] =	vst v1;
	v1 =	vadd.s32 v0, v2  }
0x67: {  	[tilespmem:$0x90] =	vst v1;
	v1 =	vadd.s32 v0, v3  }
0x68: {  	[tilespmem:$0xA0] =	vst v1;
	v1 =	vadd.s32 v0, v60  }
0x69: {  	[tilespmem:$0xB0] =	vst v1;
	v1 =	vadd.s32 v0, v61  }
0x6a: {  	[tilespmem:$0xC0] =	vst v1  }
0x6b: {  	[tilespmem:s0], [sflag:$0x2] =	stream.indirect.gather [hbm4b:s1+s26], $0x80, s31, s26, $0xb8;
	[tilespmem:$0x1F280] =	vst v63  }
0x6c: {  	s15 =	rddreg [dreg:$0x8]  }
0x6d: {  	[tilespmem:s3], [sflag:$0x5] =	stream.linear.gather [hbm4b:s15+s4], $0x50, $0x38;
	[tilespmem:$0x1F280] =	vst v63  }
0x6e: {  	_ =	swait.ge [sflag:s25], $0x50  }
0x6f: {  	[sflag:s25] =	ssyncset.done $0x0  }
0x70: {  	[sflag:s25] =	ssyncadd.s32 $0xFFFFFFB0  }
0x71: {  	_ =	swait.ge [sflag:s5], $0x2800  }
0x72: {  	[sflag:s5] =	ssyncset.done $0x0  }
0x73: {  	[sflag:s5] =	ssyncadd.s32 $0xFFFFD800  }
0x74: {  	[spmem:s2] =	stream.indirect.scatter.add.f32 [tilespmem:s0], [sflag:$0x4], $0x80, s3, s26, $0xb8;
	[tilespmem:$0x1F280] =	vst v63  }
0x75: {  	_ =	swait.ge [sflag:s7], $0x2800  }
0x76: {  	s14 =	sadd.s32 $0xFFFFB3C0, s11;
	[sflag:s7] =	ssyncset.done $0x0  }
0x77: {  	s16 =	sadd.s32 $0x4D80, s14;
	[sflag:s7] =	ssyncadd.s32 $0xFFFFD800  }
0x78: {  	[tilespmem:s4], [sflag:$0x5] =	stream.linear.gather [hbm4b:s16+s4], $0x50, $0x38;
	[tilespmem:$0x1F280] =	vst v63  }
0x79: {  	_ =	swait.ge [sflag:s25], $0x50  }
0x7a: {  	[sflag:s25] =	ssyncset.done $0x0  }
0x7b: {  	[sflag:s25] =	ssyncadd.s32 $0xFFFFFFB0  }
0x7c: {  	v1 =	vld [tilespmem:$0x30]  }
0x7d: {  	v2 =	vld [tilespmem:$0x40]  }
0x7e: {  	v3 =	vld [tilespmem:$0x20]  }
0x7f: {  	v62 =	vld [tilespmem:$0x10]  }
0x80: {  	v63 =	vld [tilespmem:$0x0]  }
0x81: {  	v1 =	vadd.s32 v0, v1  }
0x82: {  	[tilespmem:$0x30] =	vst v1;
	v1 =	vadd.s32 v0, v2  }
0x83: {  	v2 =	vadd.s32 v0, v3;
	[tilespmem:$0x40] =	vst v1  }
0x84: {  	v1 =	vadd.s32 v0, v62;
	[tilespmem:$0x20] =	vst v2  }
0x85: {  	v2 =	vadd.s32 v0, v63;
	[tilespmem:$0x10] =	vst v1  }
0x86: {  	s15 =	sadd.s32 $0xFFFFB3C0, s12;
	[tilespmem:$0x0] =	vst v2  }
0x87: {  	[tilespmem:s28], [sflag:$0x1] =	stream.indirect.gather [hbm4b:s1+s26], $0x80, s4, s26, $0xb8;
	[tilespmem:$0x1F280] =	vst v63  }
0x88: {  	s17 =	sadd.s32 $0x4D80, s15  }
0x89: {  	[tilespmem:s29], [sflag:$0x5] =	stream.linear.gather [hbm4b:s17+s4], $0x50, $0x38;
	[tilespmem:$0x1F280] =	vst v63  }
0x8a: {  	_ =	swait.ge [sflag:s25], $0x50  }
0x8b: {  	[sflag:s25] =	ssyncset.done $0x0  }
0x8c: {  	[sflag:s25] =	ssyncadd.s32 $0xFFFFFFB0  }
0x8d: {  	_ =	swait.ge [sflag:s30], $0x2800  }
0x8e: {  	[sflag:s30] =	ssyncset.done $0x0  }
0x8f: {  	[sflag:s30] =	ssyncadd.s32 $0xFFFFD800  }
0x90: {  	[spmem:s2] =	stream.indirect.scatter.add.f32 [tilespmem:s28], [sflag:$0x3], $0x80, s29, s26, $0xb8;
	[tilespmem:$0x1F280] =	vst v63  }
0x91: {  	_ =	swait.ge [sflag:s9], $0x2800  }
0x92: {  	[sflag:s9] =	ssyncset.done $0x0  }
0x93: {  	s14 =	sadd.s32 $0x4E20, s14;
	[sflag:s9] =	ssyncadd.s32 $0xFFFFD800  }
0x94: {  	[tilespmem:s31], [sflag:$0x5] =	stream.linear.gather [hbm4b:s14+s4], $0x50, $0x38;
	[tilespmem:$0x1F280] =	vst v63  }
0x95: {  	_ =	swait.ge [sflag:s25], $0x50  }
0x96: {  	[sflag:s25] =	ssyncset.done $0x0  }
0x97: {  	s14 =	simm.s32 $0xFFFFB500;
	[sflag:s25] =	ssyncadd.s32 $0xFFFFFFB0  }
.LBB2_2:
0x98: {  	p1 =	sne.s32 s14, $0xFFFFFEC0;
	v1 =	vld [tilespmem:$0xC0];
	s16 =	smov.u32 s14;
	s14 =	sadd.s32 $0x140, s14  }
0x99: {  	v2 =	vld [tilespmem:$0xB0]  }
0x9a: {  	v3 =	vld [tilespmem:$0xA0]  }
0x9b: {  	v4 =	vld [tilespmem:$0x90]  }
0x9c: {  	v5 =	vld [tilespmem:$0x80]  }
0x9d: {  	v1 =	vadd.s32 v0, v1  }
0x9e: {  	v2 =	vadd.s32 v0, v2;
	[tilespmem:$0xC0] =	vst v1  }
0x9f: {  	v1 =	vadd.s32 v0, v3;
	[tilespmem:$0xB0] =	vst v2  }
0xa0: {  	v2 =	vadd.s32 v0, v4;
	[tilespmem:$0xA0] =	vst v1  }
0xa1: {  	v1 =	vadd.s32 v0, v5;
	[tilespmem:$0x90] =	vst v2  }
0xa2: {  	[tilespmem:$0x80] =	vst v1  }
0xa3: {  	[tilespmem:s0], [sflag:$0x2] =	stream.indirect.gather [hbm4b:s1+s26], $0x80, s31, s26, $0xb8;
	[tilespmem:$0x1F280] =	vst v63  }
0xa4: {  	s15 =	sadd.s32 $0x4E20, s15  }
0xa5: {  	[tilespmem:s3], [sflag:$0x5] =	stream.linear.gather [hbm4b:s15+s4], $0x50, $0x38;
	[tilespmem:$0x1F280] =	vst v63  }
0xa6: {  	_ =	swait.ge [sflag:s25], $0x50  }
0xa7: {  	[sflag:s25] =	ssyncset.done $0x0  }
0xa8: {  	[sflag:s25] =	ssyncadd.s32 $0xFFFFFFB0  }
0xa9: {  	_ =	swait.ge [sflag:s5], $0x2800  }
0xaa: {  	[sflag:s5] =	ssyncset.done $0x0  }
0xab: {  	[sflag:s5] =	ssyncadd.s32 $0xFFFFD800  }
0xac: {  	[spmem:s2] =	stream.indirect.scatter.add.f32 [tilespmem:s0], [sflag:$0x4], $0x80, s3, s26, $0xb8;
	[tilespmem:$0x1F280] =	vst v63  }
0xad: {  	_ =	swait.ge [sflag:s7], $0x2800  }
0xae: {  	s17 =	sadd.s32 s16, s11;
	[sflag:s7] =	ssyncset.done $0x0  }
0xaf: {  	s15 =	sadd.s32 $0x4D80, s17;
	[sflag:s7] =	ssyncadd.s32 $0xFFFFD800  }
0xb0: {  	[tilespmem:s4], [sflag:$0x5] =	stream.linear.gather [hbm4b:s15+s4], $0x50, $0x38;
	[tilespmem:$0x1F280] =	vst v63  }
0xb1: {  	_ =	swait.ge [sflag:s25], $0x50  }
0xb2: {  	[sflag:s25] =	ssyncset.done $0x0  }
0xb3: {  	[sflag:s25] =	ssyncadd.s32 $0xFFFFFFB0  }
0xb4: {  	v1 =	vld [tilespmem:$0x30]  }
0xb5: {  	v2 =	vld [tilespmem:$0x40]  }
0xb6: {  	v3 =	vld [tilespmem:$0x20]  }
0xb7: {  	v4 =	vld [tilespmem:$0x10]  }
0xb8: {  	v5 =	vld [tilespmem:$0x0]  }
0xb9: {  	v1 =	vadd.s32 v0, v1  }
0xba: {  	[tilespmem:$0x30] =	vst v1;
	v1 =	vadd.s32 v0, v2  }
0xbb: {  	v2 =	vadd.s32 v0, v3;
	[tilespmem:$0x40] =	vst v1  }
0xbc: {  	v1 =	vadd.s32 v0, v4;
	[tilespmem:$0x20] =	vst v2  }
0xbd: {  	v2 =	vadd.s32 v0, v5;
	[tilespmem:$0x10] =	vst v1  }
0xbe: {  	s15 =	sadd.s32 s16, s12;
	[tilespmem:$0x0] =	vst v2  }
0xbf: {  	[tilespmem:s28], [sflag:$0x1] =	stream.indirect.gather [hbm4b:s1+s26], $0x80, s4, s26, $0xb8;
	[tilespmem:$0x1F280] =	vst v63  }
0xc0: {  	s16 =	sadd.s32 $0x4D80, s15  }
0xc1: {  	[tilespmem:s29], [sflag:$0x5] =	stream.linear.gather [hbm4b:s16+s4], $0x50, $0x38;
	[tilespmem:$0x1F280] =	vst v63  }
0xc2: {  	_ =	swait.ge [sflag:s25], $0x50  }
0xc3: {  	[sflag:s25] =	ssyncset.done $0x0  }
0xc4: {  	[sflag:s25] =	ssyncadd.s32 $0xFFFFFFB0  }
0xc5: {  	_ =	swait.ge [sflag:s30], $0x2800  }
0xc6: {  	[sflag:s30] =	ssyncset.done $0x0  }
0xc7: {  	[sflag:s30] =	ssyncadd.s32 $0xFFFFD800  }
0xc8: {  	[spmem:s2] =	stream.indirect.scatter.add.f32 [tilespmem:s28], [sflag:$0x3], $0x80, s29, s26, $0xb8;
	[tilespmem:$0x1F280] =	vst v63  }
0xc9: {  	_ =	swait.ge [sflag:s9], $0x2800  }
0xca: {  	[sflag:s9] =	ssyncset.done $0x0  }
.Ltmp0:
0xcb: {  	s16 =	sadd.s32 $0x4E20, s17;
	[sflag:s9] =	ssyncadd.s32 $0xFFFFD800;
	(pc) =	sbr.rel @p1 .LBB2_2-.Ltmp0, $4  }
0xcc: {  	[tilespmem:s31], [sflag:$0x5] =	stream.linear.gather [hbm4b:s16+s4], $0x50, $0x38;
	[tilespmem:$0x1F280] =	vst v63  }
0xcd: {  	_ =	swait.ge [sflag:s25], $0x50  }
0xce: {  	[sflag:s25] =	ssyncset.done $0x0  }
0xcf: {  	[sflag:s25] =	ssyncadd.s32 $0xFFFFFFB0  }
0xd0: {  	v1 =	vld [tilespmem:$0xC0]  }
0xd1: {  	v2 =	vld [tilespmem:$0xB0]  }
0xd2: {  	v3 =	vld [tilespmem:$0xA0]  }
0xd3: {  	v4 =	vld [tilespmem:$0x90]  }
0xd4: {  	v5 =	vld [tilespmem:$0x80]  }
0xd5: {  	v1 =	vadd.s32 v0, v1  }
0xd6: {  	v2 =	vadd.s32 v0, v2;
	[tilespmem:$0xC0] =	vst v1  }
0xd7: {  	v1 =	vadd.s32 v0, v3;
	[tilespmem:$0xB0] =	vst v2  }
0xd8: {  	v2 =	vadd.s32 v0, v4;
	[tilespmem:$0xA0] =	vst v1  }
0xd9: {  	v1 =	vadd.s32 v0, v5;
	[tilespmem:$0x90] =	vst v2  }
0xda: {  	[tilespmem:$0x80] =	vst v1  }
0xdb: {  	[tilespmem:s0], [sflag:$0x2] =	stream.indirect.gather [hbm4b:s1+s26], $0x80, s31, s26, $0xb8;
	[tilespmem:$0x1F280] =	vst v63  }
0xdc: {  	s14 =	sadd.s32 $0x4E20, s15  }
0xdd: {  	[tilespmem:s3], [sflag:$0x5] =	stream.linear.gather [hbm4b:s14+s4], $0x50, $0x38;
	[tilespmem:$0x1F280] =	vst v63  }
0xde: {  	_ =	swait.ge [sflag:s25], $0x50  }
0xdf: {  	[sflag:s25] =	ssyncset.done $0x0  }
0xe0: {  	[sflag:s25] =	ssyncadd.s32 $0xFFFFFFB0  }
0xe1: {  	_ =	swait.ge [sflag:s5], $0x2800  }
0xe2: {  	[sflag:s5] =	ssyncset.done $0x0  }
0xe3: {  	[sflag:s5] =	ssyncadd.s32 $0xFFFFD800  }
0xe4: {  	[spmem:s2] =	stream.indirect.scatter.add.f32 [tilespmem:s0], [sflag:$0x4], $0x80, s3, s26, $0xb8;
	[tilespmem:$0x1F280] =	vst v63  }
0xe5: {  	_ =	swait.ge [sflag:s7], $0x2800  }
0xe6: {  	[sflag:s7] =	ssyncset.done $0x0  }
0xe7: {  	s16 =	rddreg [dreg:$0x9];
	[sflag:s7] =	ssyncadd.s32 $0xFFFFD800  }
0xe8: {  	[tilespmem:s4], [sflag:$0x5] =	stream.linear.gather [hbm4b:s16+s4], $0x50, $0x38;
	[tilespmem:$0x1F280] =	vst v63  }
0xe9: {  	_ =	swait.ge [sflag:s25], $0x50  }
0xea: {  	[sflag:s25] =	ssyncset.done $0x0  }
0xeb: {  	[sflag:s25] =	ssyncadd.s32 $0xFFFFFFB0  }
0xec: {  	v1 =	vld [tilespmem:$0x0]  }
0xed: {  	v2 =	vld [tilespmem:$0x10]  }
0xee: {  	v3 =	vld [tilespmem:$0x20]  }
0xef: {  	v62 =	vld [tilespmem:$0x30]  }
0xf0: {  	v63 =	vld [tilespmem:$0x40]  }
0xf1: {  	v1 =	vadd.s32 v0, v1  }
0xf2: {  	[tilespmem:$0x0] =	vst v1;
	v1 =	vadd.s32 v0, v2  }
0xf3: {  	[tilespmem:$0x10] =	vst v1;
	v1 =	vadd.s32 v0, v3  }
0xf4: {  	[tilespmem:$0x20] =	vst v1;
	v1 =	vadd.s32 v0, v62  }
0xf5: {  	[tilespmem:$0x30] =	vst v1;
	v1 =	vadd.s32 v0, v63  }
0xf6: {  	[tilespmem:$0x40] =	vst v1  }
0xf7: {  	[tilespmem:s28], [sflag:$0x1] =	stream.indirect.gather [hbm4b:s1+s26], $0x80, s4, s26, $0xb8;
	[tilespmem:$0x1F280] =	vst v63  }
0xf8: {  	s17 =	rddreg [dreg:$0xa]  }
0xf9: {  	[tilespmem:s29], [sflag:$0x5] =	stream.linear.gather [hbm4b:s17+s4], $0x50, $0x38;
	[tilespmem:$0x1F280] =	vst v63  }
0xfa: {  	_ =	swait.ge [sflag:s25], $0x50  }
0xfb: {  	[sflag:s25] =	ssyncset.done $0x0  }
0xfc: {  	[sflag:s25] =	ssyncadd.s32 $0xFFFFFFB0  }
0xfd: {  	_ =	swait.ge [sflag:s30], $0x2800  }
0xfe: {  	[sflag:s30] =	ssyncset.done $0x0  }
0xff: {  	[sflag:s30] =	ssyncadd.s32 $0xFFFFD800  }
0x100: {  	[spmem:s2] =	stream.indirect.scatter.add.f32 [tilespmem:s28], [sflag:$0x3], $0x80, s29, s26, $0xb8;
	[tilespmem:$0x1F280] =	vst v63  }
0x101: {  	_ =	swait.ge [sflag:s9], $0x2800  }
0x102: {  	[sflag:s9] =	ssyncset.done $0x0  }
0x103: {  	[sflag:s9] =	ssyncadd.s32 $0xFFFFD800  }
0x104: {  	_ =	swait.ge [sflag:s7], $0x2800  }
0x105: {  	[sflag:s7] =	ssyncset.done $0x0  }
0x106: {  	[sflag:s7] =	ssyncadd.s32 $0xFFFFD800  }
0x107: {  	[bflag:$0x0] =	sbarrier.arrive $0xFFFF  }
0x108: {  	[tilespmem:s24], [sflag:$0x5] =	stream.linear.gather [spmem:s6], $0x6800, $0x38;
	[tilespmem:$0x1F280] =	vst v63  }
0x109: {  	_ =	swait.ge [sflag:s25], $0x6800  }
0x10a: {  	[sflag:s25] =	ssyncset.done $0x0  }
0x10b: {  	[sflag:s25] =	ssyncadd.s32 $0xFFFF9800  }
0x10c: {  	[hbm4b:s19+s4] =	stream.linear.scatter [tilespmem:s24], [sflag:$0x5], $0x6800, $0x38;
	[tilespmem:$0x1F280] =	vst v63  }
0x10d: {  	_ =	swait.ge [sflag:s25], $0x6800  }
0x10e: {  	[sflag:s25] =	ssyncset.done $0x0  }
0x10f: {  	[sflag:s25] =	ssyncadd.s32 $0xFFFF9800  }
0x110: {  	[tilespmem:s24], [sflag:$0x5] =	stream.linear.gather [spmem:s8], $0x6800, $0x38;
	[tilespmem:$0x1F280] =	vst v63  }
0x111: {  	_ =	swait.ge [sflag:s25], $0x6800  }
0x112: {  	[sflag:s25] =	ssyncset.done $0x0  }
0x113: {  	[sflag:s25] =	ssyncadd.s32 $0xFFFF9800  }
0x114: {  	[hbm4b:s20+s4] =	stream.linear.scatter [tilespmem:s24], [sflag:$0x5], $0x6800, $0x38;
	[tilespmem:$0x1F280] =	vst v63  }
0x115: {  	_ =	swait.ge [sflag:s25], $0x6800  }
0x116: {  	[sflag:s25] =	ssyncset.done $0x0  }
0x117: {  	[sflag:s25] =	ssyncadd.s32 $0xFFFF9800  }
0x118: {  	[tilespmem:s24], [sflag:$0x5] =	stream.linear.gather [spmem:s10], $0x6800, $0x38;
	[tilespmem:$0x1F280] =	vst v63  }
0x119: {  	_ =	swait.ge [sflag:s25], $0x6800  }
0x11a: {  	[sflag:s25] =	ssyncset.done $0x0  }
0x11b: {  	[sflag:s25] =	ssyncadd.s32 $0xFFFF9800  }
0x11c: {  	[hbm4b:s21+s4] =	stream.linear.scatter [tilespmem:s24], [sflag:$0x5], $0x6800, $0x38;
	[tilespmem:$0x1F280] =	vst v63  }
0x11d: {  	_ =	swait.ge [sflag:s25], $0x6800  }
0x11e: {  	[sflag:s25] =	ssyncset.done $0x0  }
0x11f: {  	s15 =	simm.s32 @!p0 $0x5;
	s14 =	simm.s32 @!p0 $0x5200;
	[sflag:s25] =	ssyncadd.s32 $0xFFFF9800  }
0x120: {  	[tilespmem:s14], [sflag:$0x5] =	stream.linear.gather @!p0 [spmem:s18], $0x800, $0x38;
	[tilespmem:$0x1F280] =	vst v63  }
0x121: {  	s13 =	sadd.s32 $0x1, s13;
	_ =	swait.ge @!p0 [sflag:s15], $0x800  }
0x122: {  	p1 =	sne.s32 s13, s23;
	[sflag:s15] =	ssyncset.done @!p0 $0x0  }
.Ltmp1:
0x123: {  	s16 =	simm.s32 @!p0 $0x0;
	[sflag:s15] =	ssyncadd.s32 @!p0 $0xFFFFF800;
	(pc) =	sbr.rel @p1 .LBB2_1-.Ltmp1, $4  }
0x124: {  	[hbm4b:s22+s16] =	stream.linear.scatter @!p0 [tilespmem:s14], [sflag:$0x5], $0x800, $0x38;
	[tilespmem:$0x1F280] =	vst v63  }
0x125: {  	_ =	swait.ge @!p0 [sflag:s15], $0x800  }
0x126: {  	[sflag:s15] =	ssyncset.done @!p0 $0x0  }
0x127: {  	[sflag:s15] =	ssyncadd.s32 @!p0 $0xFFFFF800  }
0x128: {  	_ =	sfence.sel $0x180000  }
0x129: {  	[bflag:$0x0] =	sbarrier.arrive $0xFFFF  }
0x12a: {  	_ =	strace $0x9000004A  }
0x12b: {  	s0 =	stileid.u32;
	[bflag:$0x2] =	sbarrier.arrive $0xFFFF  }
0x12c: {  	p0 =	sne.s32 s0, $0x0;
	s0 =	rddreg [dreg:$0x3]  }
0x12d: {  	s0 =	sadd.s32 @!p0 $0x100000, s0  }
0x12e: {  	[sflag:s0] =	ssyncadd.tile.s32 @!p0 $0x1;
	_ =	shalt  }
.Lfunc_end2:
_tile_overlayer_lowered:
.L_overlay_start_2:
0x12f: {  	(tag) =	ssettag $0x2  }
0x130: {  	s0 =	rddreg [dreg:$0x0];
	s2 =	stileid.u32  }
0x131: {  	s1 =	rddreg [dreg:$0x1];
	p0 =	sne.s32 s2, $0x0  }
0x132: {  	s3 =	rddreg [dreg:$0x2];
	[bflag:$0x3] =	sbarrier.arrive $0xFFFF;
	s2 =	simm.s32 @!p0 $0x1C05  }
0x133: {  	[timem:s3], [sflag:s2] =	dma.local @!p0 [hbm:s0], s1  }
0x134: {  	s0 =	simm.s32 @!p0 $0x5  }
0x135: {  	_ =	swait.ge @!p0 [sflag:s0], s1  }
0x136: {  	s1 =	ssub.s32 @!p0 $0x0, s1;
	[sflag:s0] =	ssyncset.done @!p0 $0x0  }
0x137: {  	[sflag:s0] =	ssyncadd.s32 @!p0 s1  }
0x138: {  	[bflag:$0x3] =	sbarrier.arrive $0xFFFF  }
0x139: {  	_ =	shalt  }

</sc_bundles>
